<compile_context>
chip_gen: v7x
topology: tpu7x:2x2x1
jax: 0.10.2.dev20260603
libtpu: 0.0.44.dev20260713+nightly
codegen_flags: <defaults>
</compile_context>

<pallas_src>
import functools
import jax
import jax.numpy as jnp
from jax import lax
from jax.experimental import pallas as pl
from jax.experimental.pallas import tpu as pltpu
from jax.experimental.pallas import tpu_sc as plsc

NUM_EDGES = 3_200_000
NUM_BUS = 100_000
ROW = 128
NROWS = NUM_EDGES // ROW
NCORES = 2
NSUB = 16
NW = NCORES * NSUB
ROWS_BIG = 784
N_BIG = 21
CROWS = 64
NFULL = 12
TROWS = 8
NB_PAD = 100_352
ZSLICE = NB_PAD // NSUB
ZB = 1568


def _sc_body(idx_hbm, p_hbm, q_hbm, pp_hbm, qp_hbm,
             idx_a, pa, qa, idx_b, pb_, qb_, idx_ta, pta, qta,
             idx_tb, ptb, qtb, zb, acc_p, acc_q, in_sem, sc_sem):
    c = lax.axis_index("c")
    s = lax.axis_index("s")
    w = c * NSUB + s
    r0w = w * ROWS_BIG - jnp.maximum(w - N_BIG, 0) * TROWS

    big = [(idx_a, pa, qa), (idx_b, pb_, qb_)]
    small = [(idx_ta, pta, qta), (idx_tb, ptb, qtb)]
    steps = [(r0w + i * CROWS, CROWS, False, big[i % 2])
             for i in range(NFULL)]
    steps.append((r0w + NFULL * CROWS, TROWS, False, small[0]))
    steps.append((r0w + NFULL * CROWS + TROWS, TROWS, True, small[1]))

    def in_copies(bufs, r0, n):
        iv, pb, qb = bufs
        return (
            pltpu.make_async_copy(idx_hbm.at[pl.ds(2 * r0, 2 * n)], iv,
                                  in_sem),
            pltpu.make_async_copy(p_hbm.at[pl.ds(r0, n)], pb, in_sem),
            pltpu.make_async_copy(q_hbm.at[pl.ds(r0, n)], qb, in_sem),
        )

    def start_inputs(bufs, r0, n):
        for cp in in_copies(bufs, r0, n):
            cp.start()

    def wait_inputs(bufs, r0, n):
        for cp in in_copies(bufs, r0, n):
            cp.wait()

    def fire(bufs, n):
        iv, pb, qb = bufs

        def body(i, _):
            pltpu.async_copy(pb.at[i], acc_p.at[iv.at[2 * i]], sc_sem,
                             add=True)
            pltpu.async_copy(qb.at[i], acc_q.at[iv.at[2 * i]], sc_sem,
                             add=True)
            return 0
        lax.fori_loop(0, n, body, 0)

    def drain_scatters(bufs, n):
        iv, pb, qb = bufs

        def body(i, _):
            pltpu.make_async_copy(pb.at[0], acc_p.at[iv.at[0]],
                                  sc_sem).wait()
            return 0
        lax.fori_loop(0, 2 * n, body, 0)

    def guarded(cond, fn):
        if cond:
            pl.when(w < N_BIG)(fn)
        else:
            fn()

    start_inputs(steps[0][3], steps[0][0], steps[0][1])

    def zstore(i, _):
        zb[pl.ds(i * 16, 16)] = jnp.zeros((16,), jnp.float32)
        return 0
    lax.fori_loop(0, ZB // 16, zstore, 0)
    base = s * ZSLICE
    for k in range(ZSLICE // ZB):
        pltpu.sync_copy(zb, acc_p.at[pl.ds(base + k * ZB, ZB)])
        pltpu.sync_copy(zb, acc_q.at[pl.ds(base + k * ZB, ZB)])
    plsc.subcore_barrier()

    for k, (r0, n, cond, bufs) in enumerate(steps):
        guarded(cond,
                lambda bufs=bufs, r0=r0, n=n: wait_inputs(bufs, r0, n))
        if k >= 1:
            drain_scatters(steps[k - 1][3], steps[k - 1][1])
        if k + 1 < len(steps):
            nr0, nn, ncond, nbufs = steps[k + 1]
            guarded(ncond,
                    lambda nbufs=nbufs, nr0=nr0, nn=nn:
                    start_inputs(nbufs, nr0, nn))
        guarded(cond, lambda bufs=bufs, n=n: fire(bufs, n))
    guarded(True, lambda: drain_scatters(steps[-1][3], steps[-1][1]))

    plsc.subcore_barrier()

    pltpu.sync_copy(acc_p.at[pl.ds(s * ZSLICE, ZSLICE)],
                    pp_hbm.at[c, pl.ds(s * ZSLICE, ZSLICE)])
    pltpu.sync_copy(acc_q.at[pl.ds(s * ZSLICE, ZSLICE)],
                    qp_hbm.at[c, pl.ds(s * ZSLICE, ZSLICE)])


_sc_scatter = functools.partial(
    pl.kernel,
    out_type=(jax.ShapeDtypeStruct((NCORES, NB_PAD), jnp.float32),
              jax.ShapeDtypeStruct((NCORES, NB_PAD), jnp.float32)),
    mesh=plsc.VectorSubcoreMesh(core_axis_name="c", subcore_axis_name="s"),
    scratch_types=[
        pltpu.VMEM((2 * CROWS, ROW), jnp.int32),
        pltpu.VMEM((CROWS, ROW), jnp.float32),
        pltpu.VMEM((CROWS, ROW), jnp.float32),
        pltpu.VMEM((2 * CROWS, ROW), jnp.int32),
        pltpu.VMEM((CROWS, ROW), jnp.float32),
        pltpu.VMEM((CROWS, ROW), jnp.float32),
        pltpu.VMEM((2 * TROWS, ROW), jnp.int32),
        pltpu.VMEM((TROWS, ROW), jnp.float32),
        pltpu.VMEM((TROWS, ROW), jnp.float32),
        pltpu.VMEM((2 * TROWS, ROW), jnp.int32),
        pltpu.VMEM((TROWS, ROW), jnp.float32),
        pltpu.VMEM((TROWS, ROW), jnp.float32),
        pltpu.VMEM((ZB,), jnp.float32),
        pltpu.VMEM_SHARED((NB_PAD,), jnp.float32),
        pltpu.VMEM_SHARED((NB_PAD,), jnp.float32),
        pltpu.SemaphoreType.DMA,
        pltpu.SemaphoreType.DMA,
    ],
)(_sc_body)


def _combine_body(pp_ref, qp_ref, po_ref, qo_ref):
    po_ref[...] = pp_ref[0, :] + pp_ref[1, :]
    qo_ref[...] = qp_ref[0, :] + qp_ref[1, :]


_CB = 14_336

_combine = pl.pallas_call(
    _combine_body,
    grid=(NB_PAD // _CB,),
    in_specs=[pl.BlockSpec((NCORES, _CB), lambda i: (0, i)),
              pl.BlockSpec((NCORES, _CB), lambda i: (0, i))],
    out_specs=[pl.BlockSpec((_CB,), lambda i: (i,)),
               pl.BlockSpec((_CB,), lambda i: (i,))],
    out_shape=(jax.ShapeDtypeStruct((NB_PAD,), jnp.float32),
               jax.ShapeDtypeStruct((NB_PAD,), jnp.float32)),
)


def kernel(Pft, Qft, edge_index, num_bus):
    idx = edge_index.astype(jnp.int32).reshape(2, NROWS, ROW)
    idx = idx.transpose(1, 0, 2).reshape(2 * NROWS, ROW)
    p2 = Pft.reshape(NROWS, ROW)
    q2 = Qft.reshape(NROWS, ROW)
    pp, qp = _sc_scatter(idx, p2, q2)
    P, Q = _combine(pp, qp)
    return P[:NUM_BUS], Q[:NUM_BUS]

# --- scband reference (transcript-rebuilt; emitter-appended) ---
"""Pipeline reference for scband-compute-node-injection-33243046871574 (READ-ONLY COPY).

The authoritative reference and input builder live on the scoring server;
editing this copy changes nothing except your own understanding.
"""

import jax, jax.numpy as jnp
import numpy as np

NUM_EDGES = 3200000
NUM_BUS = 100000

def setup_inputs(seed: int = 0) -> dict:
    key = jax.random.key(seed)
    k1, k2, k3 = jax.random.split(key, 3)
    Pft = jax.random.normal(k1, (NUM_EDGES,), dtype=jnp.float32)
    Qft = jax.random.normal(k2, (NUM_EDGES,), dtype=jnp.float32)
    edge_index = jax.random.randint(k3, (2, NUM_EDGES), 0, NUM_BUS, dtype=jnp.int64)
    return {"Pft": Pft, "Qft": Qft, "edge_index": edge_index, "num_bus": NUM_BUS}

def reference(Pft, Qft, edge_index, num_bus):
    from_idx = edge_index[0] + (jnp.asarray(num_bus) * 0).astype(edge_index.dtype)
    P_in = jax.ops.segment_sum(Pft, from_idx, num_segments=NUM_BUS)
    Q_in = jax.ops.segment_sum(Qft, from_idx, num_segments=NUM_BUS)
    return (P_in, Q_in)

if __name__ == "__main__":
    import jax
    _d = setup_inputs()
    print(jax.jit(kernel)(*tuple(_d.values())))

</pallas_src>

<mosaic_0001>
#map = affine_map<(d0, d1) -> (0, 0)>
module attributes {stable_mosaic.version = 14 : i64} {
  func.func @_sc_body(%arg0: i32, %arg1: i32, %arg2: memref<50000x128xi32, #tpu.memory_space<hbm>>, %arg3: memref<25000x128xf32, #tpu.memory_space<hbm>>, %arg4: memref<25000x128xf32, #tpu.memory_space<hbm>>, %arg5: memref<2x100352xf32, #tpu.memory_space<hbm>>, %arg6: memref<2x100352xf32, #tpu.memory_space<hbm>>, %arg7: memref<128x128xi32, #tpu.memory_space<vmem>>, %arg8: memref<64x128xf32, #tpu.memory_space<vmem>>, %arg9: memref<64x128xf32, #tpu.memory_space<vmem>>, %arg10: memref<128x128xi32, #tpu.memory_space<vmem>>, %arg11: memref<64x128xf32, #tpu.memory_space<vmem>>, %arg12: memref<64x128xf32, #tpu.memory_space<vmem>>, %arg13: memref<16x128xi32, #tpu.memory_space<vmem>>, %arg14: memref<8x128xf32, #tpu.memory_space<vmem>>, %arg15: memref<8x128xf32, #tpu.memory_space<vmem>>, %arg16: memref<16x128xi32, #tpu.memory_space<vmem>>, %arg17: memref<8x128xf32, #tpu.memory_space<vmem>>, %arg18: memref<8x128xf32, #tpu.memory_space<vmem>>, %arg19: memref<1568xf32, #tpu.memory_space<vmem>>, %arg20: memref<100352xf32, #tpu.memory_space<vmem_shared>>, %arg21: memref<100352xf32, #tpu.memory_space<vmem_shared>>, %arg22: memref<!tpu.dma_semaphore, #tpu.memory_space<semaphore_mem>>, %arg23: memref<!tpu.dma_semaphore, #tpu.memory_space<semaphore_mem>>) attributes {dimension_semantics = [#tpu.dimension_semantics<core_parallel>, #tpu.dimension_semantics<subcore_parallel>], iteration_bounds = array<i64: 2, 16>, scalar_prefetch = 0 : i64, scratch_operands = 17 : i64, tpu.core_type = #tpu.core_type<sc_vector_subcore>, window_params = [{transform_indices = #map}, {transform_indices = #map}, {transform_indices = #map}, {transform_indices = #map}, {transform_indices = #map}]} {
    %mul3A = arith.constant 16 : i32
    %mul3A_0 = arith.muli %arg0, %mul3A : i32
    %add3A = arith.addi %mul3A_0, %arg1 : i32
    %mul3A_1 = arith.constant 784 : i32
    %mul3A_2 = arith.muli %add3A, %mul3A_1 : i32
    %sub3A = arith.constant 21 : i32
    %sub3A_3 = arith.subi %add3A, %sub3A : i32
    %max3A = arith.constant 0 : i32
    %max3A_4 = arith.maxsi %sub3A_3, %max3A : i32
    %mul3A_5 = arith.constant 8 : i32
    %mul3A_6 = arith.muli %max3A_4, %mul3A_5 : i32
    %sub3A_7 = arith.subi %mul3A_2, %mul3A_6 : i32
    %add3A_8 = arith.constant 0 : i32
    %add3A_9 = arith.addi %sub3A_7, %add3A_8 : i32
    %add3A_10 = arith.constant 64 : i32
    %add3A_11 = arith.addi %sub3A_7, %add3A_10 : i32
    %add3A_12 = arith.constant 128 : i32
    %add3A_13 = arith.addi %sub3A_7, %add3A_12 : i32
    %add3A_14 = arith.constant 192 : i32
    %add3A_15 = arith.addi %sub3A_7, %add3A_14 : i32
    %add3A_16 = arith.constant 256 : i32
    %add3A_17 = arith.addi %sub3A_7, %add3A_16 : i32
    %add3A_18 = arith.constant 320 : i32
    %add3A_19 = arith.addi %sub3A_7, %add3A_18 : i32
    %add3A_20 = arith.constant 384 : i32
    %add3A_21 = arith.addi %sub3A_7, %add3A_20 : i32
    %add3A_22 = arith.constant 448 : i32
    %add3A_23 = arith.addi %sub3A_7, %add3A_22 : i32
    %add3A_24 = arith.constant 512 : i32
    %add3A_25 = arith.addi %sub3A_7, %add3A_24 : i32
    %add3A_26 = arith.constant 576 : i32
    %add3A_27 = arith.addi %sub3A_7, %add3A_26 : i32
    %add3A_28 = arith.constant 640 : i32
    %add3A_29 = arith.addi %sub3A_7, %add3A_28 : i32
    %add3A_30 = arith.constant 704 : i32
    %add3A_31 = arith.addi %sub3A_7, %add3A_30 : i32
    %add3A_32 = arith.constant 768 : i32
    %add3A_33 = arith.addi %sub3A_7, %add3A_32 : i32
    %add3A_34 = arith.constant 768 : i32
    %add3A_35 = arith.addi %sub3A_7, %add3A_34 : i32
    %add3A_36 = arith.constant 8 : i32
    %add3A_37 = arith.addi %add3A_35, %add3A_36 : i32
    %mul3A_38 = arith.constant 2 : i32
    %mul3A_39 = arith.muli %mul3A_38, %add3A_9 : i32
    %dma_start3A = arith.constant 0 : i32
    %dma_start3A_40 = tpu.memref_slice %arg2[%mul3A_39, %dma_start3A] : memref<50000x128xi32, #tpu.memory_space<hbm>> -> memref<128x128xi32, #tpu.memory_space<hbm>>
    %dma_start3A_41 = arith.constant 0 : i32
    %dma_start3A_42 = tpu.memref_slice %arg2[%mul3A_39, %dma_start3A_41] : memref<50000x128xi32, #tpu.memory_space<hbm>> -> memref<128x128xi32, #tpu.memory_space<hbm>>
    tpu.enqueue_dma source(%dma_start3A_42 : memref<128x128xi32, #tpu.memory_space<hbm>>) target(%arg7 : memref<128x128xi32, #tpu.memory_space<vmem>>) target_semaphore(%arg22 : memref<!tpu.dma_semaphore, #tpu.memory_space<semaphore_mem>>)
    %dma_start3A_43 = arith.constant 0 : i32
    %dma_start3A_44 = tpu.memref_slice %arg3[%add3A_9, %dma_start3A_43] : memref<25000x128xf32, #tpu.memory_space<hbm>> -> memref<64x128xf32, #tpu.memory_space<hbm>>
    %dma_start3A_45 = arith.constant 0 : i32
    %dma_start3A_46 = tpu.memref_slice %arg3[%add3A_9, %dma_start3A_45] : memref<25000x128xf32, #tpu.memory_space<hbm>> -> memref<64x128xf32, #tpu.memory_space<hbm>>
    tpu.enqueue_dma source(%dma_start3A_46 : memref<64x128xf32, #tpu.memory_space<hbm>>) target(%arg8 : memref<64x128xf32, #tpu.memory_space<vmem>>) target_semaphore(%arg22 : memref<!tpu.dma_semaphore, #tpu.memory_space<semaphore_mem>>)
    %dma_start3A_47 = arith.constant 0 : i32
    %dma_start3A_48 = tpu.memref_slice %arg4[%add3A_9, %dma_start3A_47] : memref<25000x128xf32, #tpu.memory_space<hbm>> -> memref<64x128xf32, #tpu.memory_space<hbm>>
    %dma_start3A_49 = arith.constant 0 : i32
    %dma_start3A_50 = tpu.memref_slice %arg4[%add3A_9, %dma_start3A_49] : memref<25000x128xf32, #tpu.memory_space<hbm>> -> memref<64x128xf32, #tpu.memory_space<hbm>>
    tpu.enqueue_dma source(%dma_start3A_50 : memref<64x128xf32, #tpu.memory_space<hbm>>) target(%arg9 : memref<64x128xf32, #tpu.memory_space<vmem>>) target_semaphore(%arg22 : memref<!tpu.dma_semaphore, #tpu.memory_space<semaphore_mem>>)
    %scan3A = arith.constant 0 : i32
    %scan3A_51 = arith.constant 0 : i32
    %scan3A_52 = arith.constant 98 : i32
    %scan3A_53 = arith.addi %scan3A_51, %scan3A_52 : i32
    %scan3A_54 = arith.constant 1 : i32
    %scan3A_55 = scf.for %scan3A_632 = %scan3A_51 to %scan3A_53 step %scan3A_54 iter_args(%scan3A_633 = %scan3A) -> (i32)  : i32 {
      %broadcast_in_dim3A = arith.constant 0.000000e+00 : f32
      %broadcast_in_dim3A_634 = vector.broadcast %broadcast_in_dim3A : f32 to vector<16xf32>
      %mul3A_635 = arith.constant 16 : i32
      %mul3A_636 = arith.muli %scan3A_632, %mul3A_635 : i32
      %swap3A = arith.index_cast %mul3A_636 : i32 to index
      %swap3A_637 = tpu.vector_load %arg19[%swap3A] {strides = array<i32>} : memref<1568xf32, #tpu.memory_space<vmem>>, vector<16xf32>,
      %swap3A_638 = vector.shape_cast %swap3A_637 : vector<16xf32> to vector<16xf32>
      %swap3A_639 = vector.shape_cast %broadcast_in_dim3A_634 : vector<16xf32> to vector<16xf32>
      tpu.vector_store %arg19[%swap3A], %swap3A_639 {strides = array<i32>} : memref<1568xf32, #tpu.memory_space<vmem>>, vector<16xf32>,
      %scan3A_640 = arith.constant 0 : i32
      scf.yield %scan3A_640 : i32
    }
    %scan3A_56 = arith.constant 98 : i32
    %mul3A_57 = arith.constant 6272 : i32
    %mul3A_58 = arith.muli %arg1, %mul3A_57 : i32
    %add3A_59 = arith.constant 0 : i32
    %add3A_60 = arith.addi %mul3A_58, %add3A_59 : i32
    "tpu.region"() ({
      %run_scoped3A = tpu.sem_alloc : memref<!tpu.dma_semaphore, #tpu.memory_space<semaphore_mem>>
      %dma_start3A_632 = tpu.memref_slice %arg20[%add3A_60] : memref<100352xf32, #tpu.memory_space<vmem_shared>> -> memref<1568xf32, #tpu.memory_space<vmem_shared>>
      %dma_start3A_633 = tpu.memref_slice %arg20[%add3A_60] : memref<100352xf32, #tpu.memory_space<vmem_shared>> -> memref<1568xf32, #tpu.memory_space<vmem_shared>>
      tpu.enqueue_dma source(%arg19 : memref<1568xf32, #tpu.memory_space<vmem>>) target(%dma_start3A_633 : memref<1568xf32, #tpu.memory_space<vmem_shared>>) target_semaphore(%run_scoped3A : memref<!tpu.dma_semaphore, #tpu.memory_space<semaphore_mem>>)
      %dma_wait3A_634 = tpu.memref_slice %arg20[%add3A_60] : memref<100352xf32, #tpu.memory_space<vmem_shared>> -> memref<1568xf32, #tpu.memory_space<vmem_shared>>
      %dma_wait3A_635 = tpu.memref_slice %arg20[%add3A_60] : memref<100352xf32, #tpu.memory_space<vmem_shared>> -> memref<1568xf32, #tpu.memory_space<vmem_shared>>
      tpu.wait_dma2 semaphore(%run_scoped3A : memref<!tpu.dma_semaphore, #tpu.memory_space<semaphore_mem>>) src(%arg19 : memref<1568xf32, #tpu.memory_space<vmem>>) dst(%dma_wait3A_635 : memref<1568xf32, #tpu.memory_space<vmem_shared>>)
      tpu.yield
    }) : () -> ()
    %add3A_61 = arith.constant 0 : i32
    %add3A_62 = arith.addi %mul3A_58, %add3A_61 : i32
    "tpu.region"() ({
      %run_scoped3A = tpu.sem_alloc : memref<!tpu.dma_semaphore, #tpu.memory_space<semaphore_mem>>
      %dma_start3A_632 = tpu.memref_slice %arg21[%add3A_62] : memref<100352xf32, #tpu.memory_space<vmem_shared>> -> memref<1568xf32, #tpu.memory_space<vmem_shared>>
      %dma_start3A_633 = tpu.memref_slice %arg21[%add3A_62] : memref<100352xf32, #tpu.memory_space<vmem_shared>> -> memref<1568xf32, #tpu.memory_space<vmem_shared>>
      tpu.enqueue_dma source(%arg19 : memref<1568xf32, #tpu.memory_space<vmem>>) target(%dma_start3A_633 : memref<1568xf32, #tpu.memory_space<vmem_shared>>) target_semaphore(%run_scoped3A : memref<!tpu.dma_semaphore, #tpu.memory_space<semaphore_mem>>)
      %dma_wait3A_634 = tpu.memref_slice %arg21[%add3A_62] : memref<100352xf32, #tpu.memory_space<vmem_shared>> -> memref<1568xf32, #tpu.memory_space<vmem_shared>>
      %dma_wait3A_635 = tpu.memref_slice %arg21[%add3A_62] : memref<100352xf32, #tpu.memory_space<vmem_shared>> -> memref<1568xf32, #tpu.memory_space<vmem_shared>>
      tpu.wait_dma2 semaphore(%run_scoped3A : memref<!tpu.dma_semaphore, #tpu.memory_space<semaphore_mem>>) src(%arg19 : memref<1568xf32, #tpu.memory_space<vmem>>) dst(%dma_wait3A_635 : memref<1568xf32, #tpu.memory_space<vmem_shared>>)
      tpu.yield
    }) : () -> ()
    %add3A_63 = arith.constant 1568 : i32
    %add3A_64 = arith.addi %mul3A_58, %add3A_63 : i32
    "tpu.region"() ({
      %run_scoped3A = tpu.sem_alloc : memref<!tpu.dma_semaphore, #tpu.memory_space<semaphore_mem>>
      %dma_start3A_632 = tpu.memref_slice %arg20[%add3A_64] : memref<100352xf32, #tpu.memory_space<vmem_shared>> -> memref<1568xf32, #tpu.memory_space<vmem_shared>>
      %dma_start3A_633 = tpu.memref_slice %arg20[%add3A_64] : memref<100352xf32, #tpu.memory_space<vmem_shared>> -> memref<1568xf32, #tpu.memory_space<vmem_shared>>
      tpu.enqueue_dma source(%arg19 : memref<1568xf32, #tpu.memory_space<vmem>>) target(%dma_start3A_633 : memref<1568xf32, #tpu.memory_space<vmem_shared>>) target_semaphore(%run_scoped3A : memref<!tpu.dma_semaphore, #tpu.memory_space<semaphore_mem>>)
      %dma_wait3A_634 = tpu.memref_slice %arg20[%add3A_64] : memref<100352xf32, #tpu.memory_space<vmem_shared>> -> memref<1568xf32, #tpu.memory_space<vmem_shared>>
      %dma_wait3A_635 = tpu.memref_slice %arg20[%add3A_64] : memref<100352xf32, #tpu.memory_space<vmem_shared>> -> memref<1568xf32, #tpu.memory_space<vmem_shared>>
      tpu.wait_dma2 semaphore(%run_scoped3A : memref<!tpu.dma_semaphore, #tpu.memory_space<semaphore_mem>>) src(%arg19 : memref<1568xf32, #tpu.memory_space<vmem>>) dst(%dma_wait3A_635 : memref<1568xf32, #tpu.memory_space<vmem_shared>>)
      tpu.yield
    }) : () -> ()
    %add3A_65 = arith.constant 1568 : i32
    %add3A_66 = arith.addi %mul3A_58, %add3A_65 : i32
    "tpu.region"() ({
      %run_scoped3A = tpu.sem_alloc : memref<!tpu.dma_semaphore, #tpu.memory_space<semaphore_mem>>
      %dma_start3A_632 = tpu.memref_slice %arg21[%add3A_66] : memref<100352xf32, #tpu.memory_space<vmem_shared>> -> memref<1568xf32, #tpu.memory_space<vmem_shared>>
      %dma_start3A_633 = tpu.memref_slice %arg21[%add3A_66] : memref<100352xf32, #tpu.memory_space<vmem_shared>> -> memref<1568xf32, #tpu.memory_space<vmem_shared>>
      tpu.enqueue_dma source(%arg19 : memref<1568xf32, #tpu.memory_space<vmem>>) target(%dma_start3A_633 : memref<1568xf32, #tpu.memory_space<vmem_shared>>) target_semaphore(%run_scoped3A : memref<!tpu.dma_semaphore, #tpu.memory_space<semaphore_mem>>)
      %dma_wait3A_634 = tpu.memref_slice %arg21[%add3A_66] : memref<100352xf32, #tpu.memory_space<vmem_shared>> -> memref<1568xf32, #tpu.memory_space<vmem_shared>>
      %dma_wait3A_635 = tpu.memref_slice %arg21[%add3A_66] : memref<100352xf32, #tpu.memory_space<vmem_shared>> -> memref<1568xf32, #tpu.memory_space<vmem_shared>>
      tpu.wait_dma2 semaphore(%run_scoped3A : memref<!tpu.dma_semaphore, #tpu.memory_space<semaphore_mem>>) src(%arg19 : memref<1568xf32, #tpu.memory_space<vmem>>) dst(%dma_wait3A_635 : memref<1568xf32, #tpu.memory_space<vmem_shared>>)
      tpu.yield
    }) : () -> ()
    %add3A_67 = arith.constant 3136 : i32
    %add3A_68 = arith.addi %mul3A_58, %add3A_67 : i32
    "tpu.region"() ({
      %run_scoped3A = tpu.sem_alloc : memref<!tpu.dma_semaphore, #tpu.memory_space<semaphore_mem>>
      %dma_start3A_632 = tpu.memref_slice %arg20[%add3A_68] : memref<100352xf32, #tpu.memory_space<vmem_shared>> -> memref<1568xf32, #tpu.memory_space<vmem_shared>>
      %dma_start3A_633 = tpu.memref_slice %arg20[%add3A_68] : memref<100352xf32, #tpu.memory_space<vmem_shared>> -> memref<1568xf32, #tpu.memory_space<vmem_shared>>
      tpu.enqueue_dma source(%arg19 : memref<1568xf32, #tpu.memory_space<vmem>>) target(%dma_start3A_633 : memref<1568xf32, #tpu.memory_space<vmem_shared>>) target_semaphore(%run_scoped3A : memref<!tpu.dma_semaphore, #tpu.memory_space<semaphore_mem>>)
      %dma_wait3A_634 = tpu.memref_slice %arg20[%add3A_68] : memref<100352xf32, #tpu.memory_space<vmem_shared>> -> memref<1568xf32, #tpu.memory_space<vmem_shared>>
      %dma_wait3A_635 = tpu.memref_slice %arg20[%add3A_68] : memref<100352xf32, #tpu.memory_space<vmem_shared>> -> memref<1568xf32, #tpu.memory_space<vmem_shared>>
      tpu.wait_dma2 semaphore(%run_scoped3A : memref<!tpu.dma_semaphore, #tpu.memory_space<semaphore_mem>>) src(%arg19 : memref<1568xf32, #tpu.memory_space<vmem>>) dst(%dma_wait3A_635 : memref<1568xf32, #tpu.memory_space<vmem_shared>>)
      tpu.yield
    }) : () -> ()
    %add3A_69 = arith.constant 3136 : i32
    %add3A_70 = arith.addi %mul3A_58, %add3A_69 : i32
    "tpu.region"() ({
      %run_scoped3A = tpu.sem_alloc : memref<!tpu.dma_semaphore, #tpu.memory_space<semaphore_mem>>
      %dma_start3A_632 = tpu.memref_slice %arg21[%add3A_70] : memref<100352xf32, #tpu.memory_space<vmem_shared>> -> memref<1568xf32, #tpu.memory_space<vmem_shared>>
      %dma_start3A_633 = tpu.memref_slice %arg21[%add3A_70] : memref<100352xf32, #tpu.memory_space<vmem_shared>> -> memref<1568xf32, #tpu.memory_space<vmem_shared>>
      tpu.enqueue_dma source(%arg19 : memref<1568xf32, #tpu.memory_space<vmem>>) target(%dma_start3A_633 : memref<1568xf32, #tpu.memory_space<vmem_shared>>) target_semaphore(%run_scoped3A : memref<!tpu.dma_semaphore, #tpu.memory_space<semaphore_mem>>)
      %dma_wait3A_634 = tpu.memref_slice %arg21[%add3A_70] : memref<100352xf32, #tpu.memory_space<vmem_shared>> -> memref<1568xf32, #tpu.memory_space<vmem_shared>>
      %dma_wait3A_635 = tpu.memref_slice %arg21[%add3A_70] : memref<100352xf32, #tpu.memory_space<vmem_shared>> -> memref<1568xf32, #tpu.memory_space<vmem_shared>>
      tpu.wait_dma2 semaphore(%run_scoped3A : memref<!tpu.dma_semaphore, #tpu.memory_space<semaphore_mem>>) src(%arg19 : memref<1568xf32, #tpu.memory_space<vmem>>) dst(%dma_wait3A_635 : memref<1568xf32, #tpu.memory_space<vmem_shared>>)
      tpu.yield
    }) : () -> ()
    %add3A_71 = arith.constant 4704 : i32
    %add3A_72 = arith.addi %mul3A_58, %add3A_71 : i32
    "tpu.region"() ({
      %run_scoped3A = tpu.sem_alloc : memref<!tpu.dma_semaphore, #tpu.memory_space<semaphore_mem>>
      %dma_start3A_632 = tpu.memref_slice %arg20[%add3A_72] : memref<100352xf32, #tpu.memory_space<vmem_shared>> -> memref<1568xf32, #tpu.memory_space<vmem_shared>>
      %dma_start3A_633 = tpu.memref_slice %arg20[%add3A_72] : memref<100352xf32, #tpu.memory_space<vmem_shared>> -> memref<1568xf32, #tpu.memory_space<vmem_shared>>
      tpu.enqueue_dma source(%arg19 : memref<1568xf32, #tpu.memory_space<vmem>>) target(%dma_start3A_633 : memref<1568xf32, #tpu.memory_space<vmem_shared>>) target_semaphore(%run_scoped3A : memref<!tpu.dma_semaphore, #tpu.memory_space<semaphore_mem>>)
      %dma_wait3A_634 = tpu.memref_slice %arg20[%add3A_72] : memref<100352xf32, #tpu.memory_space<vmem_shared>> -> memref<1568xf32, #tpu.memory_space<vmem_shared>>
      %dma_wait3A_635 = tpu.memref_slice %arg20[%add3A_72] : memref<100352xf32, #tpu.memory_space<vmem_shared>> -> memref<1568xf32, #tpu.memory_space<vmem_shared>>
      tpu.wait_dma2 semaphore(%run_scoped3A : memref<!tpu.dma_semaphore, #tpu.memory_space<semaphore_mem>>) src(%arg19 : memref<1568xf32, #tpu.memory_space<vmem>>) dst(%dma_wait3A_635 : memref<1568xf32, #tpu.memory_space<vmem_shared>>)
      tpu.yield
    }) : () -> ()
    %add3A_73 = arith.constant 4704 : i32
    %add3A_74 = arith.addi %mul3A_58, %add3A_73 : i32
    "tpu.region"() ({
      %run_scoped3A = tpu.sem_alloc : memref<!tpu.dma_semaphore, #tpu.memory_space<semaphore_mem>>
      %dma_start3A_632 = tpu.memref_slice %arg21[%add3A_74] : memref<100352xf32, #tpu.memory_space<vmem_shared>> -> memref<1568xf32, #tpu.memory_space<vmem_shared>>
      %dma_start3A_633 = tpu.memref_slice %arg21[%add3A_74] : memref<100352xf32, #tpu.memory_space<vmem_shared>> -> memref<1568xf32, #tpu.memory_space<vmem_shared>>
      tpu.enqueue_dma source(%arg19 : memref<1568xf32, #tpu.memory_space<vmem>>) target(%dma_start3A_633 : memref<1568xf32, #tpu.memory_space<vmem_shared>>) target_semaphore(%run_scoped3A : memref<!tpu.dma_semaphore, #tpu.memory_space<semaphore_mem>>)
      %dma_wait3A_634 = tpu.memref_slice %arg21[%add3A_74] : memref<100352xf32, #tpu.memory_space<vmem_shared>> -> memref<1568xf32, #tpu.memory_space<vmem_shared>>
      %dma_wait3A_635 = tpu.memref_slice %arg21[%add3A_74] : memref<100352xf32, #tpu.memory_space<vmem_shared>> -> memref<1568xf32, #tpu.memory_space<vmem_shared>>
      tpu.wait_dma2 semaphore(%run_scoped3A : memref<!tpu.dma_semaphore, #tpu.memory_space<semaphore_mem>>) src(%arg19 : memref<1568xf32, #tpu.memory_space<vmem>>) dst(%dma_wait3A_635 : memref<1568xf32, #tpu.memory_space<vmem_shared>>)
      tpu.yield
    }) : () -> ()
    %barrier3A = arith.constant 0 : index
    tpu.barrier barrier_id(%barrier3A)
    %mul3A_75 = arith.constant 2 : i32
    %mul3A_76 = arith.muli %mul3A_75, %add3A_9 : i32
    %dma_wait3A = arith.constant 0 : i32
    %dma_wait3A_77 = tpu.memref_slice %arg2[%mul3A_76, %dma_wait3A] : memref<50000x128xi32, #tpu.memory_space<hbm>> -> memref<128x128xi32, #tpu.memory_space<hbm>>
    %dma_wait3A_78 = arith.constant 0 : i32
    %dma_wait3A_79 = tpu.memref_slice %arg2[%mul3A_76, %dma_wait3A_78] : memref<50000x128xi32, #tpu.memory_space<hbm>> -> memref<128x128xi32, #tpu.memory_space<hbm>>
    tpu.wait_dma2 semaphore(%arg22 : memref<!tpu.dma_semaphore, #tpu.memory_space<semaphore_mem>>) src(%dma_wait3A_79 : memref<128x128xi32, #tpu.memory_space<hbm>>) dst(%arg7 : memref<128x128xi32, #tpu.memory_space<vmem>>)
    %dma_wait3A_80 = arith.constant 0 : i32
    %dma_wait3A_81 = tpu.memref_slice %arg3[%add3A_9, %dma_wait3A_80] : memref<25000x128xf32, #tpu.memory_space<hbm>> -> memref<64x128xf32, #tpu.memory_space<hbm>>
    %dma_wait3A_82 = arith.constant 0 : i32
    %dma_wait3A_83 = tpu.memref_slice %arg3[%add3A_9, %dma_wait3A_82] : memref<25000x128xf32, #tpu.memory_space<hbm>> -> memref<64x128xf32, #tpu.memory_space<hbm>>
    tpu.wait_dma2 semaphore(%arg22 : memref<!tpu.dma_semaphore, #tpu.memory_space<semaphore_mem>>) src(%dma_wait3A_83 : memref<64x128xf32, #tpu.memory_space<hbm>>) dst(%arg8 : memref<64x128xf32, #tpu.memory_space<vmem>>)
    %dma_wait3A_84 = arith.constant 0 : i32
    %dma_wait3A_85 = tpu.memref_slice %arg4[%add3A_9, %dma_wait3A_84] : memref<25000x128xf32, #tpu.memory_space<hbm>> -> memref<64x128xf32, #tpu.memory_space<hbm>>
    %dma_wait3A_86 = arith.constant 0 : i32
    %dma_wait3A_87 = tpu.memref_slice %arg4[%add3A_9, %dma_wait3A_86] : memref<25000x128xf32, #tpu.memory_space<hbm>> -> memref<64x128xf32, #tpu.memory_space<hbm>>
    tpu.wait_dma2 semaphore(%arg22 : memref<!tpu.dma_semaphore, #tpu.memory_space<semaphore_mem>>) src(%dma_wait3A_87 : memref<64x128xf32, #tpu.memory_space<hbm>>) dst(%arg9 : memref<64x128xf32, #tpu.memory_space<vmem>>)
    %mul3A_88 = arith.constant 2 : i32
    %mul3A_89 = arith.muli %mul3A_88, %add3A_11 : i32
    %dma_start3A_90 = arith.constant 0 : i32
    %dma_start3A_91 = tpu.memref_slice %arg2[%mul3A_89, %dma_start3A_90] : memref<50000x128xi32, #tpu.memory_space<hbm>> -> memref<128x128xi32, #tpu.memory_space<hbm>>
    %dma_start3A_92 = arith.constant 0 : i32
    %dma_start3A_93 = tpu.memref_slice %arg2[%mul3A_89, %dma_start3A_92] : memref<50000x128xi32, #tpu.memory_space<hbm>> -> memref<128x128xi32, #tpu.memory_space<hbm>>
    tpu.enqueue_dma source(%dma_start3A_93 : memref<128x128xi32, #tpu.memory_space<hbm>>) target(%arg10 : memref<128x128xi32, #tpu.memory_space<vmem>>) target_semaphore(%arg22 : memref<!tpu.dma_semaphore, #tpu.memory_space<semaphore_mem>>)
    %dma_start3A_94 = arith.constant 0 : i32
    %dma_start3A_95 = tpu.memref_slice %arg3[%add3A_11, %dma_start3A_94] : memref<25000x128xf32, #tpu.memory_space<hbm>> -> memref<64x128xf32, #tpu.memory_space<hbm>>
    %dma_start3A_96 = arith.constant 0 : i32
    %dma_start3A_97 = tpu.memref_slice %arg3[%add3A_11, %dma_start3A_96] : memref<25000x128xf32, #tpu.memory_space<hbm>> -> memref<64x128xf32, #tpu.memory_space<hbm>>
    tpu.enqueue_dma source(%dma_start3A_97 : memref<64x128xf32, #tpu.memory_space<hbm>>) target(%arg11 : memref<64x128xf32, #tpu.memory_space<vmem>>) target_semaphore(%arg22 : memref<!tpu.dma_semaphore, #tpu.memory_space<semaphore_mem>>)
    %dma_start3A_98 = arith.constant 0 : i32
    %dma_start3A_99 = tpu.memref_slice %arg4[%add3A_11, %dma_start3A_98] : memref<25000x128xf32, #tpu.memory_space<hbm>> -> memref<64x128xf32, #tpu.memory_space<hbm>>
    %dma_start3A_100 = arith.constant 0 : i32
    %dma_start3A_101 = tpu.memref_slice %arg4[%add3A_11, %dma_start3A_100] : memref<25000x128xf32, #tpu.memory_space<hbm>> -> memref<64x128xf32, #tpu.memory_space<hbm>>
    tpu.enqueue_dma source(%dma_start3A_101 : memref<64x128xf32, #tpu.memory_space<hbm>>) target(%arg12 : memref<64x128xf32, #tpu.memory_space<vmem>>) target_semaphore(%arg22 : memref<!tpu.dma_semaphore, #tpu.memory_space<semaphore_mem>>)
    %scan3A_102 = arith.constant 0 : i32
    %scan3A_103 = arith.constant 0 : i32
    %scan3A_104 = arith.constant 64 : i32
    %scan3A_105 = arith.addi %scan3A_103, %scan3A_104 : i32
    %scan3A_106 = arith.constant 1 : i32
    %scan3A_107 = scf.for %scan3A_632 = %scan3A_103 to %scan3A_105 step %scan3A_106 iter_args(%scan3A_633 = %scan3A_102) -> (i32)  : i32 {
      %mul3A_634 = arith.constant 2 : i32
      %mul3A_635 = arith.muli %mul3A_634, %scan3A_632 : i32
      %dma_start3A_636 = arith.constant 0 : i32
      %dma_start3A_637 = tpu.memref_slice %arg8[%scan3A_632, %dma_start3A_636] : memref<64x128xf32, #tpu.memory_space<vmem>> -> memref<1x128xf32, #tpu.memory_space<vmem>>
      %dma_start3A_638 = tpu.memref_squeeze %dma_start3A_637 : memref<1x128xf32, #tpu.memory_space<vmem>> -> memref<128xf32, #tpu.memory_space<vmem>>
      %dma_start3A_639 = arith.constant 0 : i32
      %dma_start3A_640 = tpu.memref_slice %arg7[%mul3A_635, %dma_start3A_639] : memref<128x128xi32, #tpu.memory_space<vmem>> -> memref<1x128xi32, #tpu.memory_space<vmem>>
      %dma_start3A_641 = tpu.memref_squeeze %dma_start3A_640 : memref<1x128xi32, #tpu.memory_space<vmem>> -> memref<128xi32, #tpu.memory_space<vmem>>
      %dma_start3A_642 = arith.constant 0 : i32
      %dma_start3A_643 = tpu.memref_slice %arg20[%dma_start3A_642] : memref<100352xf32, #tpu.memory_space<vmem_shared>> -> memref<100352xf32, #tpu.memory_space<vmem_shared>>
      tpu.enqueue_indirect_dma source(%dma_start3A_638 : memref<128xf32, #tpu.memory_space<vmem>>) target(%dma_start3A_643 : memref<100352xf32, #tpu.memory_space<vmem_shared>>) offsets(%dma_start3A_641 : memref<128xi32, #tpu.memory_space<vmem>>) semaphore(%arg23 : memref<!tpu.dma_semaphore, #tpu.memory_space<semaphore_mem>>) {add = true}
      %mul3A_644 = arith.constant 2 : i32
      %mul3A_645 = arith.muli %mul3A_644, %scan3A_632 : i32
      %dma_start3A_646 = arith.constant 0 : i32
      %dma_start3A_647 = tpu.memref_slice %arg9[%scan3A_632, %dma_start3A_646] : memref<64x128xf32, #tpu.memory_space<vmem>> -> memref<1x128xf32, #tpu.memory_space<vmem>>
      %dma_start3A_648 = tpu.memref_squeeze %dma_start3A_647 : memref<1x128xf32, #tpu.memory_space<vmem>> -> memref<128xf32, #tpu.memory_space<vmem>>
      %dma_start3A_649 = arith.constant 0 : i32
      %dma_start3A_650 = tpu.memref_slice %arg7[%mul3A_645, %dma_start3A_649] : memref<128x128xi32, #tpu.memory_space<vmem>> -> memref<1x128xi32, #tpu.memory_space<vmem>>
      %dma_start3A_651 = tpu.memref_squeeze %dma_start3A_650 : memref<1x128xi32, #tpu.memory_space<vmem>> -> memref<128xi32, #tpu.memory_space<vmem>>
      %dma_start3A_652 = arith.constant 0 : i32
      %dma_start3A_653 = tpu.memref_slice %arg21[%dma_start3A_652] : memref<100352xf32, #tpu.memory_space<vmem_shared>> -> memref<100352xf32, #tpu.memory_space<vmem_shared>>
      tpu.enqueue_indirect_dma source(%dma_start3A_648 : memref<128xf32, #tpu.memory_space<vmem>>) target(%dma_start3A_653 : memref<100352xf32, #tpu.memory_space<vmem_shared>>) offsets(%dma_start3A_651 : memref<128xi32, #tpu.memory_space<vmem>>) semaphore(%arg23 : memref<!tpu.dma_semaphore, #tpu.memory_space<semaphore_mem>>) {add = true}
      %scan3A_654 = arith.constant 0 : i32
      scf.yield %scan3A_654 : i32
    }
    %scan3A_108 = arith.constant 64 : i32
    %mul3A_109 = arith.constant 2 : i32
    %mul3A_110 = arith.muli %mul3A_109, %add3A_11 : i32
    %dma_wait3A_111 = arith.constant 0 : i32
    %dma_wait3A_112 = tpu.memref_slice %arg2[%mul3A_110, %dma_wait3A_111] : memref<50000x128xi32, #tpu.memory_space<hbm>> -> memref<128x128xi32, #tpu.memory_space<hbm>>
    %dma_wait3A_113 = arith.constant 0 : i32
    %dma_wait3A_114 = tpu.memref_slice %arg2[%mul3A_110, %dma_wait3A_113] : memref<50000x128xi32, #tpu.memory_space<hbm>> -> memref<128x128xi32, #tpu.memory_space<hbm>>
    tpu.wait_dma2 semaphore(%arg22 : memref<!tpu.dma_semaphore, #tpu.memory_space<semaphore_mem>>) src(%dma_wait3A_114 : memref<128x128xi32, #tpu.memory_space<hbm>>) dst(%arg10 : memref<128x128xi32, #tpu.memory_space<vmem>>)
    %dma_wait3A_115 = arith.constant 0 : i32
    %dma_wait3A_116 = tpu.memref_slice %arg3[%add3A_11, %dma_wait3A_115] : memref<25000x128xf32, #tpu.memory_space<hbm>> -> memref<64x128xf32, #tpu.memory_space<hbm>>
    %dma_wait3A_117 = arith.constant 0 : i32
    %dma_wait3A_118 = tpu.memref_slice %arg3[%add3A_11, %dma_wait3A_117] : memref<25000x128xf32, #tpu.memory_space<hbm>> -> memref<64x128xf32, #tpu.memory_space<hbm>>
    tpu.wait_dma2 semaphore(%arg22 : memref<!tpu.dma_semaphore, #tpu.memory_space<semaphore_mem>>) src(%dma_wait3A_118 : memref<64x128xf32, #tpu.memory_space<hbm>>) dst(%arg11 : memref<64x128xf32, #tpu.memory_space<vmem>>)
    %dma_wait3A_119 = arith.constant 0 : i32
    %dma_wait3A_120 = tpu.memref_slice %arg4[%add3A_11, %dma_wait3A_119] : memref<25000x128xf32, #tpu.memory_space<hbm>> -> memref<64x128xf32, #tpu.memory_space<hbm>>
    %dma_wait3A_121 = arith.constant 0 : i32
    %dma_wait3A_122 = tpu.memref_slice %arg4[%add3A_11, %dma_wait3A_121] : memref<25000x128xf32, #tpu.memory_space<hbm>> -> memref<64x128xf32, #tpu.memory_space<hbm>>
    tpu.wait_dma2 semaphore(%arg22 : memref<!tpu.dma_semaphore, #tpu.memory_space<semaphore_mem>>) src(%dma_wait3A_122 : memref<64x128xf32, #tpu.memory_space<hbm>>) dst(%arg12 : memref<64x128xf32, #tpu.memory_space<vmem>>)
    %scan3A_123 = arith.constant 0 : i32
    %scan3A_124 = arith.constant 0 : i32
    %scan3A_125 = arith.constant 128 : i32
    %scan3A_126 = arith.addi %scan3A_124, %scan3A_125 : i32
    %scan3A_127 = arith.constant 1 : i32
    %scan3A_128 = scf.for %scan3A_632 = %scan3A_124 to %scan3A_126 step %scan3A_127 iter_args(%scan3A_633 = %scan3A_123) -> (i32)  : i32 {
      %dma_wait3A_634 = arith.constant 0 : i32
      %dma_wait3A_635 = arith.constant 0 : i32
      %dma_wait3A_636 = arith.constant 0 : i32
      %dma_wait3A_637 = tpu.memref_slice %arg8[%dma_wait3A_634, %dma_wait3A_636] : memref<64x128xf32, #tpu.memory_space<vmem>> -> memref<1x128xf32, #tpu.memory_space<vmem>>
      %dma_wait3A_638 = tpu.memref_squeeze %dma_wait3A_637 : memref<1x128xf32, #tpu.memory_space<vmem>> -> memref<128xf32, #tpu.memory_space<vmem>>
      %dma_wait3A_639 = arith.constant 0 : i32
      %dma_wait3A_640 = tpu.memref_slice %arg7[%dma_wait3A_635, %dma_wait3A_639] : memref<128x128xi32, #tpu.memory_space<vmem>> -> memref<1x128xi32, #tpu.memory_space<vmem>>
      %dma_wait3A_641 = tpu.memref_squeeze %dma_wait3A_640 : memref<1x128xi32, #tpu.memory_space<vmem>> -> memref<128xi32, #tpu.memory_space<vmem>>
      %dma_wait3A_642 = arith.constant 0 : i32
      %dma_wait3A_643 = tpu.memref_slice %arg20[%dma_wait3A_642] : memref<100352xf32, #tpu.memory_space<vmem_shared>> -> memref<100352xf32, #tpu.memory_space<vmem_shared>>
      tpu.wait_indirect_dma semaphore(%arg23 : memref<!tpu.dma_semaphore, #tpu.memory_space<semaphore_mem>>) src(%dma_wait3A_638 : memref<128xf32, #tpu.memory_space<vmem>>) dst(%dma_wait3A_643 : memref<100352xf32, #tpu.memory_space<vmem_shared>>)
      %scan3A_644 = arith.constant 0 : i32
      scf.yield %scan3A_644 : i32
    }
    %scan3A_129 = arith.constant 128 : i32
    %mul3A_130 = arith.constant 2 : i32
    %mul3A_131 = arith.muli %mul3A_130, %add3A_13 : i32
    %dma_start3A_132 = arith.constant 0 : i32
    %dma_start3A_133 = tpu.memref_slice %arg2[%mul3A_131, %dma_start3A_132] : memref<50000x128xi32, #tpu.memory_space<hbm>> -> memref<128x128xi32, #tpu.memory_space<hbm>>
    %dma_start3A_134 = arith.constant 0 : i32
    %dma_start3A_135 = tpu.memref_slice %arg2[%mul3A_131, %dma_start3A_134] : memref<50000x128xi32, #tpu.memory_space<hbm>> -> memref<128x128xi32, #tpu.memory_space<hbm>>
    tpu.enqueue_dma source(%dma_start3A_135 : memref<128x128xi32, #tpu.memory_space<hbm>>) target(%arg7 : memref<128x128xi32, #tpu.memory_space<vmem>>) target_semaphore(%arg22 : memref<!tpu.dma_semaphore, #tpu.memory_space<semaphore_mem>>)
    %dma_start3A_136 = arith.constant 0 : i32
    %dma_start3A_137 = tpu.memref_slice %arg3[%add3A_13, %dma_start3A_136] : memref<25000x128xf32, #tpu.memory_space<hbm>> -> memref<64x128xf32, #tpu.memory_space<hbm>>
    %dma_start3A_138 = arith.constant 0 : i32
    %dma_start3A_139 = tpu.memref_slice %arg3[%add3A_13, %dma_start3A_138] : memref<25000x128xf32, #tpu.memory_space<hbm>> -> memref<64x128xf32, #tpu.memory_space<hbm>>
    tpu.enqueue_dma source(%dma_start3A_139 : memref<64x128xf32, #tpu.memory_space<hbm>>) target(%arg8 : memref<64x128xf32, #tpu.memory_space<vmem>>) target_semaphore(%arg22 : memref<!tpu.dma_semaphore, #tpu.memory_space<semaphore_mem>>)
    %dma_start3A_140 = arith.constant 0 : i32
    %dma_start3A_141 = tpu.memref_slice %arg4[%add3A_13, %dma_start3A_140] : memref<25000x128xf32, #tpu.memory_space<hbm>> -> memref<64x128xf32, #tpu.memory_space<hbm>>
    %dma_start3A_142 = arith.constant 0 : i32
    %dma_start3A_143 = tpu.memref_slice %arg4[%add3A_13, %dma_start3A_142] : memref<25000x128xf32, #tpu.memory_space<hbm>> -> memref<64x128xf32, #tpu.memory_space<hbm>>
    tpu.enqueue_dma source(%dma_start3A_143 : memref<64x128xf32, #tpu.memory_space<hbm>>) target(%arg9 : memref<64x128xf32, #tpu.memory_space<vmem>>) target_semaphore(%arg22 : memref<!tpu.dma_semaphore, #tpu.memory_space<semaphore_mem>>)
    %scan3A_144 = arith.constant 0 : i32
    %scan3A_145 = arith.constant 0 : i32
    %scan3A_146 = arith.constant 64 : i32
    %scan3A_147 = arith.addi %scan3A_145, %scan3A_146 : i32
    %scan3A_148 = arith.constant 1 : i32
    %scan3A_149 = scf.for %scan3A_632 = %scan3A_145 to %scan3A_147 step %scan3A_148 iter_args(%scan3A_633 = %scan3A_144) -> (i32)  : i32 {
      %mul3A_634 = arith.constant 2 : i32
      %mul3A_635 = arith.muli %mul3A_634, %scan3A_632 : i32
      %dma_start3A_636 = arith.constant 0 : i32
      %dma_start3A_637 = tpu.memref_slice %arg11[%scan3A_632, %dma_start3A_636] : memref<64x128xf32, #tpu.memory_space<vmem>> -> memref<1x128xf32, #tpu.memory_space<vmem>>
      %dma_start3A_638 = tpu.memref_squeeze %dma_start3A_637 : memref<1x128xf32, #tpu.memory_space<vmem>> -> memref<128xf32, #tpu.memory_space<vmem>>
      %dma_start3A_639 = arith.constant 0 : i32
      %dma_start3A_640 = tpu.memref_slice %arg10[%mul3A_635, %dma_start3A_639] : memref<128x128xi32, #tpu.memory_space<vmem>> -> memref<1x128xi32, #tpu.memory_space<vmem>>
      %dma_start3A_641 = tpu.memref_squeeze %dma_start3A_640 : memref<1x128xi32, #tpu.memory_space<vmem>> -> memref<128xi32, #tpu.memory_space<vmem>>
      %dma_start3A_642 = arith.constant 0 : i32
      %dma_start3A_643 = tpu.memref_slice %arg20[%dma_start3A_642] : memref<100352xf32, #tpu.memory_space<vmem_shared>> -> memref<100352xf32, #tpu.memory_space<vmem_shared>>
      tpu.enqueue_indirect_dma source(%dma_start3A_638 : memref<128xf32, #tpu.memory_space<vmem>>) target(%dma_start3A_643 : memref<100352xf32, #tpu.memory_space<vmem_shared>>) offsets(%dma_start3A_641 : memref<128xi32, #tpu.memory_space<vmem>>) semaphore(%arg23 : memref<!tpu.dma_semaphore, #tpu.memory_space<semaphore_mem>>) {add = true}
      %mul3A_644 = arith.constant 2 : i32
      %mul3A_645 = arith.muli %mul3A_644, %scan3A_632 : i32
      %dma_start3A_646 = arith.constant 0 : i32
      %dma_start3A_647 = tpu.memref_slice %arg12[%scan3A_632, %dma_start3A_646] : memref<64x128xf32, #tpu.memory_space<vmem>> -> memref<1x128xf32, #tpu.memory_space<vmem>>
      %dma_start3A_648 = tpu.memref_squeeze %dma_start3A_647 : memref<1x128xf32, #tpu.memory_space<vmem>> -> memref<128xf32, #tpu.memory_space<vmem>>
      %dma_start3A_649 = arith.constant 0 : i32
      %dma_start3A_650 = tpu.memref_slice %arg10[%mul3A_645, %dma_start3A_649] : memref<128x128xi32, #tpu.memory_space<vmem>> -> memref<1x128xi32, #tpu.memory_space<vmem>>
      %dma_start3A_651 = tpu.memref_squeeze %dma_start3A_650 : memref<1x128xi32, #tpu.memory_space<vmem>> -> memref<128xi32, #tpu.memory_space<vmem>>
      %dma_start3A_652 = arith.constant 0 : i32
      %dma_start3A_653 = tpu.memref_slice %arg21[%dma_start3A_652] : memref<100352xf32, #tpu.memory_space<vmem_shared>> -> memref<100352xf32, #tpu.memory_space<vmem_shared>>
      tpu.enqueue_indirect_dma source(%dma_start3A_648 : memref<128xf32, #tpu.memory_space<vmem>>) target(%dma_start3A_653 : memref<100352xf32, #tpu.memory_space<vmem_shared>>) offsets(%dma_start3A_651 : memref<128xi32, #tpu.memory_space<vmem>>) semaphore(%arg23 : memref<!tpu.dma_semaphore, #tpu.memory_space<semaphore_mem>>) {add = true}
      %scan3A_654 = arith.constant 0 : i32
      scf.yield %scan3A_654 : i32
    }
    %scan3A_150 = arith.constant 64 : i32
    %mul3A_151 = arith.constant 2 : i32
    %mul3A_152 = arith.muli %mul3A_151, %add3A_13 : i32
    %dma_wait3A_153 = arith.constant 0 : i32
    %dma_wait3A_154 = tpu.memref_slice %arg2[%mul3A_152, %dma_wait3A_153] : memref<50000x128xi32, #tpu.memory_space<hbm>> -> memref<128x128xi32, #tpu.memory_space<hbm>>
    %dma_wait3A_155 = arith.constant 0 : i32
    %dma_wait3A_156 = tpu.memref_slice %arg2[%mul3A_152, %dma_wait3A_155] : memref<50000x128xi32, #tpu.memory_space<hbm>> -> memref<128x128xi32, #tpu.memory_space<hbm>>
    tpu.wait_dma2 semaphore(%arg22 : memref<!tpu.dma_semaphore, #tpu.memory_space<semaphore_mem>>) src(%dma_wait3A_156 : memref<128x128xi32, #tpu.memory_space<hbm>>) dst(%arg7 : memref<128x128xi32, #tpu.memory_space<vmem>>)
    %dma_wait3A_157 = arith.constant 0 : i32
    %dma_wait3A_158 = tpu.memref_slice %arg3[%add3A_13, %dma_wait3A_157] : memref<25000x128xf32, #tpu.memory_space<hbm>> -> memref<64x128xf32, #tpu.memory_space<hbm>>
    %dma_wait3A_159 = arith.constant 0 : i32
    %dma_wait3A_160 = tpu.memref_slice %arg3[%add3A_13, %dma_wait3A_159] : memref<25000x128xf32, #tpu.memory_space<hbm>> -> memref<64x128xf32, #tpu.memory_space<hbm>>
    tpu.wait_dma2 semaphore(%arg22 : memref<!tpu.dma_semaphore, #tpu.memory_space<semaphore_mem>>) src(%dma_wait3A_160 : memref<64x128xf32, #tpu.memory_space<hbm>>) dst(%arg8 : memref<64x128xf32, #tpu.memory_space<vmem>>)
    %dma_wait3A_161 = arith.constant 0 : i32
    %dma_wait3A_162 = tpu.memref_slice %arg4[%add3A_13, %dma_wait3A_161] : memref<25000x128xf32, #tpu.memory_space<hbm>> -> memref<64x128xf32, #tpu.memory_space<hbm>>
    %dma_wait3A_163 = arith.constant 0 : i32
    %dma_wait3A_164 = tpu.memref_slice %arg4[%add3A_13, %dma_wait3A_163] : memref<25000x128xf32, #tpu.memory_space<hbm>> -> memref<64x128xf32, #tpu.memory_space<hbm>>
    tpu.wait_dma2 semaphore(%arg22 : memref<!tpu.dma_semaphore, #tpu.memory_space<semaphore_mem>>) src(%dma_wait3A_164 : memref<64x128xf32, #tpu.memory_space<hbm>>) dst(%arg9 : memref<64x128xf32, #tpu.memory_space<vmem>>)
    %scan3A_165 = arith.constant 0 : i32
    %scan3A_166 = arith.constant 0 : i32
    %scan3A_167 = arith.constant 128 : i32
    %scan3A_168 = arith.addi %scan3A_166, %scan3A_167 : i32
    %scan3A_169 = arith.constant 1 : i32
    %scan3A_170 = scf.for %scan3A_632 = %scan3A_166 to %scan3A_168 step %scan3A_169 iter_args(%scan3A_633 = %scan3A_165) -> (i32)  : i32 {
      %dma_wait3A_634 = arith.constant 0 : i32
      %dma_wait3A_635 = arith.constant 0 : i32
      %dma_wait3A_636 = arith.constant 0 : i32
      %dma_wait3A_637 = tpu.memref_slice %arg11[%dma_wait3A_634, %dma_wait3A_636] : memref<64x128xf32, #tpu.memory_space<vmem>> -> memref<1x128xf32, #tpu.memory_space<vmem>>
      %dma_wait3A_638 = tpu.memref_squeeze %dma_wait3A_637 : memref<1x128xf32, #tpu.memory_space<vmem>> -> memref<128xf32, #tpu.memory_space<vmem>>
      %dma_wait3A_639 = arith.constant 0 : i32
      %dma_wait3A_640 = tpu.memref_slice %arg10[%dma_wait3A_635, %dma_wait3A_639] : memref<128x128xi32, #tpu.memory_space<vmem>> -> memref<1x128xi32, #tpu.memory_space<vmem>>
      %dma_wait3A_641 = tpu.memref_squeeze %dma_wait3A_640 : memref<1x128xi32, #tpu.memory_space<vmem>> -> memref<128xi32, #tpu.memory_space<vmem>>
      %dma_wait3A_642 = arith.constant 0 : i32
      %dma_wait3A_643 = tpu.memref_slice %arg20[%dma_wait3A_642] : memref<100352xf32, #tpu.memory_space<vmem_shared>> -> memref<100352xf32, #tpu.memory_space<vmem_shared>>
      tpu.wait_indirect_dma semaphore(%arg23 : memref<!tpu.dma_semaphore, #tpu.memory_space<semaphore_mem>>) src(%dma_wait3A_638 : memref<128xf32, #tpu.memory_space<vmem>>) dst(%dma_wait3A_643 : memref<100352xf32, #tpu.memory_space<vmem_shared>>)
      %scan3A_644 = arith.constant 0 : i32
      scf.yield %scan3A_644 : i32
    }
    %scan3A_171 = arith.constant 128 : i32
    %mul3A_172 = arith.constant 2 : i32
    %mul3A_173 = arith.muli %mul3A_172, %add3A_15 : i32
    %dma_start3A_174 = arith.constant 0 : i32
    %dma_start3A_175 = tpu.memref_slice %arg2[%mul3A_173, %dma_start3A_174] : memref<50000x128xi32, #tpu.memory_space<hbm>> -> memref<128x128xi32, #tpu.memory_space<hbm>>
    %dma_start3A_176 = arith.constant 0 : i32
    %dma_start3A_177 = tpu.memref_slice %arg2[%mul3A_173, %dma_start3A_176] : memref<50000x128xi32, #tpu.memory_space<hbm>> -> memref<128x128xi32, #tpu.memory_space<hbm>>
    tpu.enqueue_dma source(%dma_start3A_177 : memref<128x128xi32, #tpu.memory_space<hbm>>) target(%arg10 : memref<128x128xi32, #tpu.memory_space<vmem>>) target_semaphore(%arg22 : memref<!tpu.dma_semaphore, #tpu.memory_space<semaphore_mem>>)
    %dma_start3A_178 = arith.constant 0 : i32
    %dma_start3A_179 = tpu.memref_slice %arg3[%add3A_15, %dma_start3A_178] : memref<25000x128xf32, #tpu.memory_space<hbm>> -> memref<64x128xf32, #tpu.memory_space<hbm>>
    %dma_start3A_180 = arith.constant 0 : i32
    %dma_start3A_181 = tpu.memref_slice %arg3[%add3A_15, %dma_start3A_180] : memref<25000x128xf32, #tpu.memory_space<hbm>> -> memref<64x128xf32, #tpu.memory_space<hbm>>
    tpu.enqueue_dma source(%dma_start3A_181 : memref<64x128xf32, #tpu.memory_space<hbm>>) target(%arg11 : memref<64x128xf32, #tpu.memory_space<vmem>>) target_semaphore(%arg22 : memref<!tpu.dma_semaphore, #tpu.memory_space<semaphore_mem>>)
    %dma_start3A_182 = arith.constant 0 : i32
    %dma_start3A_183 = tpu.memref_slice %arg4[%add3A_15, %dma_start3A_182] : memref<25000x128xf32, #tpu.memory_space<hbm>> -> memref<64x128xf32, #tpu.memory_space<hbm>>
    %dma_start3A_184 = arith.constant 0 : i32
    %dma_start3A_185 = tpu.memref_slice %arg4[%add3A_15, %dma_start3A_184] : memref<25000x128xf32, #tpu.memory_space<hbm>> -> memref<64x128xf32, #tpu.memory_space<hbm>>
    tpu.enqueue_dma source(%dma_start3A_185 : memref<64x128xf32, #tpu.memory_space<hbm>>) target(%arg12 : memref<64x128xf32, #tpu.memory_space<vmem>>) target_semaphore(%arg22 : memref<!tpu.dma_semaphore, #tpu.memory_space<semaphore_mem>>)
    %scan3A_186 = arith.constant 0 : i32
    %scan3A_187 = arith.constant 0 : i32
    %scan3A_188 = arith.constant 64 : i32
    %scan3A_189 = arith.addi %scan3A_187, %scan3A_188 : i32
    %scan3A_190 = arith.constant 1 : i32
    %scan3A_191 = scf.for %scan3A_632 = %scan3A_187 to %scan3A_189 step %scan3A_190 iter_args(%scan3A_633 = %scan3A_186) -> (i32)  : i32 {
      %mul3A_634 = arith.constant 2 : i32
      %mul3A_635 = arith.muli %mul3A_634, %scan3A_632 : i32
      %dma_start3A_636 = arith.constant 0 : i32
      %dma_start3A_637 = tpu.memref_slice %arg8[%scan3A_632, %dma_start3A_636] : memref<64x128xf32, #tpu.memory_space<vmem>> -> memref<1x128xf32, #tpu.memory_space<vmem>>
      %dma_start3A_638 = tpu.memref_squeeze %dma_start3A_637 : memref<1x128xf32, #tpu.memory_space<vmem>> -> memref<128xf32, #tpu.memory_space<vmem>>
      %dma_start3A_639 = arith.constant 0 : i32
      %dma_start3A_640 = tpu.memref_slice %arg7[%mul3A_635, %dma_start3A_639] : memref<128x128xi32, #tpu.memory_space<vmem>> -> memref<1x128xi32, #tpu.memory_space<vmem>>
      %dma_start3A_641 = tpu.memref_squeeze %dma_start3A_640 : memref<1x128xi32, #tpu.memory_space<vmem>> -> memref<128xi32, #tpu.memory_space<vmem>>
      %dma_start3A_642 = arith.constant 0 : i32
      %dma_start3A_643 = tpu.memref_slice %arg20[%dma_start3A_642] : memref<100352xf32, #tpu.memory_space<vmem_shared>> -> memref<100352xf32, #tpu.memory_space<vmem_shared>>
      tpu.enqueue_indirect_dma source(%dma_start3A_638 : memref<128xf32, #tpu.memory_space<vmem>>) target(%dma_start3A_643 : memref<100352xf32, #tpu.memory_space<vmem_shared>>) offsets(%dma_start3A_641 : memref<128xi32, #tpu.memory_space<vmem>>) semaphore(%arg23 : memref<!tpu.dma_semaphore, #tpu.memory_space<semaphore_mem>>) {add = true}
      %mul3A_644 = arith.constant 2 : i32
      %mul3A_645 = arith.muli %mul3A_644, %scan3A_632 : i32
      %dma_start3A_646 = arith.constant 0 : i32
      %dma_start3A_647 = tpu.memref_slice %arg9[%scan3A_632, %dma_start3A_646] : memref<64x128xf32, #tpu.memory_space<vmem>> -> memref<1x128xf32, #tpu.memory_space<vmem>>
      %dma_start3A_648 = tpu.memref_squeeze %dma_start3A_647 : memref<1x128xf32, #tpu.memory_space<vmem>> -> memref<128xf32, #tpu.memory_space<vmem>>
      %dma_start3A_649 = arith.constant 0 : i32
      %dma_start3A_650 = tpu.memref_slice %arg7[%mul3A_645, %dma_start3A_649] : memref<128x128xi32, #tpu.memory_space<vmem>> -> memref<1x128xi32, #tpu.memory_space<vmem>>
      %dma_start3A_651 = tpu.memref_squeeze %dma_start3A_650 : memref<1x128xi32, #tpu.memory_space<vmem>> -> memref<128xi32, #tpu.memory_space<vmem>>
      %dma_start3A_652 = arith.constant 0 : i32
      %dma_start3A_653 = tpu.memref_slice %arg21[%dma_start3A_652] : memref<100352xf32, #tpu.memory_space<vmem_shared>> -> memref<100352xf32, #tpu.memory_space<vmem_shared>>
      tpu.enqueue_indirect_dma source(%dma_start3A_648 : memref<128xf32, #tpu.memory_space<vmem>>) target(%dma_start3A_653 : memref<100352xf32, #tpu.memory_space<vmem_shared>>) offsets(%dma_start3A_651 : memref<128xi32, #tpu.memory_space<vmem>>) semaphore(%arg23 : memref<!tpu.dma_semaphore, #tpu.memory_space<semaphore_mem>>) {add = true}
      %scan3A_654 = arith.constant 0 : i32
      scf.yield %scan3A_654 : i32
    }
    %scan3A_192 = arith.constant 64 : i32
    %mul3A_193 = arith.constant 2 : i32
    %mul3A_194 = arith.muli %mul3A_193, %add3A_15 : i32
    %dma_wait3A_195 = arith.constant 0 : i32
    %dma_wait3A_196 = tpu.memref_slice %arg2[%mul3A_194, %dma_wait3A_195] : memref<50000x128xi32, #tpu.memory_space<hbm>> -> memref<128x128xi32, #tpu.memory_space<hbm>>
    %dma_wait3A_197 = arith.constant 0 : i32
    %dma_wait3A_198 = tpu.memref_slice %arg2[%mul3A_194, %dma_wait3A_197] : memref<50000x128xi32, #tpu.memory_space<hbm>> -> memref<128x128xi32, #tpu.memory_space<hbm>>
    tpu.wait_dma2 semaphore(%arg22 : memref<!tpu.dma_semaphore, #tpu.memory_space<semaphore_mem>>) src(%dma_wait3A_198 : memref<128x128xi32, #tpu.memory_space<hbm>>) dst(%arg10 : memref<128x128xi32, #tpu.memory_space<vmem>>)
    %dma_wait3A_199 = arith.constant 0 : i32
    %dma_wait3A_200 = tpu.memref_slice %arg3[%add3A_15, %dma_wait3A_199] : memref<25000x128xf32, #tpu.memory_space<hbm>> -> memref<64x128xf32, #tpu.memory_space<hbm>>
    %dma_wait3A_201 = arith.constant 0 : i32
    %dma_wait3A_202 = tpu.memref_slice %arg3[%add3A_15, %dma_wait3A_201] : memref<25000x128xf32, #tpu.memory_space<hbm>> -> memref<64x128xf32, #tpu.memory_space<hbm>>
    tpu.wait_dma2 semaphore(%arg22 : memref<!tpu.dma_semaphore, #tpu.memory_space<semaphore_mem>>) src(%dma_wait3A_202 : memref<64x128xf32, #tpu.memory_space<hbm>>) dst(%arg11 : memref<64x128xf32, #tpu.memory_space<vmem>>)
    %dma_wait3A_203 = arith.constant 0 : i32
    %dma_wait3A_204 = tpu.memref_slice %arg4[%add3A_15, %dma_wait3A_203] : memref<25000x128xf32, #tpu.memory_space<hbm>> -> memref<64x128xf32, #tpu.memory_space<hbm>>
    %dma_wait3A_205 = arith.constant 0 : i32
    %dma_wait3A_206 = tpu.memref_slice %arg4[%add3A_15, %dma_wait3A_205] : memref<25000x128xf32, #tpu.memory_space<hbm>> -> memref<64x128xf32, #tpu.memory_space<hbm>>
    tpu.wait_dma2 semaphore(%arg22 : memref<!tpu.dma_semaphore, #tpu.memory_space<semaphore_mem>>) src(%dma_wait3A_206 : memref<64x128xf32, #tpu.memory_space<hbm>>) dst(%arg12 : memref<64x128xf32, #tpu.memory_space<vmem>>)
    %scan3A_207 = arith.constant 0 : i32
    %scan3A_208 = arith.constant 0 : i32
    %scan3A_209 = arith.constant 128 : i32
    %scan3A_210 = arith.addi %scan3A_208, %scan3A_209 : i32
    %scan3A_211 = arith.constant 1 : i32
    %scan3A_212 = scf.for %scan3A_632 = %scan3A_208 to %scan3A_210 step %scan3A_211 iter_args(%scan3A_633 = %scan3A_207) -> (i32)  : i32 {
      %dma_wait3A_634 = arith.constant 0 : i32
      %dma_wait3A_635 = arith.constant 0 : i32
      %dma_wait3A_636 = arith.constant 0 : i32
      %dma_wait3A_637 = tpu.memref_slice %arg8[%dma_wait3A_634, %dma_wait3A_636] : memref<64x128xf32, #tpu.memory_space<vmem>> -> memref<1x128xf32, #tpu.memory_space<vmem>>
      %dma_wait3A_638 = tpu.memref_squeeze %dma_wait3A_637 : memref<1x128xf32, #tpu.memory_space<vmem>> -> memref<128xf32, #tpu.memory_space<vmem>>
      %dma_wait3A_639 = arith.constant 0 : i32
      %dma_wait3A_640 = tpu.memref_slice %arg7[%dma_wait3A_635, %dma_wait3A_639] : memref<128x128xi32, #tpu.memory_space<vmem>> -> memref<1x128xi32, #tpu.memory_space<vmem>>
      %dma_wait3A_641 = tpu.memref_squeeze %dma_wait3A_640 : memref<1x128xi32, #tpu.memory_space<vmem>> -> memref<128xi32, #tpu.memory_space<vmem>>
      %dma_wait3A_642 = arith.constant 0 : i32
      %dma_wait3A_643 = tpu.memref_slice %arg20[%dma_wait3A_642] : memref<100352xf32, #tpu.memory_space<vmem_shared>> -> memref<100352xf32, #tpu.memory_space<vmem_shared>>
      tpu.wait_indirect_dma semaphore(%arg23 : memref<!tpu.dma_semaphore, #tpu.memory_space<semaphore_mem>>) src(%dma_wait3A_638 : memref<128xf32, #tpu.memory_space<vmem>>) dst(%dma_wait3A_643 : memref<100352xf32, #tpu.memory_space<vmem_shared>>)
      %scan3A_644 = arith.constant 0 : i32
      scf.yield %scan3A_644 : i32
    }
    %scan3A_213 = arith.constant 128 : i32
    %mul3A_214 = arith.constant 2 : i32
    %mul3A_215 = arith.muli %mul3A_214, %add3A_17 : i32
    %dma_start3A_216 = arith.constant 0 : i32
    %dma_start3A_217 = tpu.memref_slice %arg2[%mul3A_215, %dma_start3A_216] : memref<50000x128xi32, #tpu.memory_space<hbm>> -> memref<128x128xi32, #tpu.memory_space<hbm>>
    %dma_start3A_218 = arith.constant 0 : i32
    %dma_start3A_219 = tpu.memref_slice %arg2[%mul3A_215, %dma_start3A_218] : memref<50000x128xi32, #tpu.memory_space<hbm>> -> memref<128x128xi32, #tpu.memory_space<hbm>>
    tpu.enqueue_dma source(%dma_start3A_219 : memref<128x128xi32, #tpu.memory_space<hbm>>) target(%arg7 : memref<128x128xi32, #tpu.memory_space<vmem>>) target_semaphore(%arg22 : memref<!tpu.dma_semaphore, #tpu.memory_space<semaphore_mem>>)
    %dma_start3A_220 = arith.constant 0 : i32
    %dma_start3A_221 = tpu.memref_slice %arg3[%add3A_17, %dma_start3A_220] : memref<25000x128xf32, #tpu.memory_space<hbm>> -> memref<64x128xf32, #tpu.memory_space<hbm>>
    %dma_start3A_222 = arith.constant 0 : i32
    %dma_start3A_223 = tpu.memref_slice %arg3[%add3A_17, %dma_start3A_222] : memref<25000x128xf32, #tpu.memory_space<hbm>> -> memref<64x128xf32, #tpu.memory_space<hbm>>
    tpu.enqueue_dma source(%dma_start3A_223 : memref<64x128xf32, #tpu.memory_space<hbm>>) target(%arg8 : memref<64x128xf32, #tpu.memory_space<vmem>>) target_semaphore(%arg22 : memref<!tpu.dma_semaphore, #tpu.memory_space<semaphore_mem>>)
    %dma_start3A_224 = arith.constant 0 : i32
    %dma_start3A_225 = tpu.memref_slice %arg4[%add3A_17, %dma_start3A_224] : memref<25000x128xf32, #tpu.memory_space<hbm>> -> memref<64x128xf32, #tpu.memory_space<hbm>>
    %dma_start3A_226 = arith.constant 0 : i32
    %dma_start3A_227 = tpu.memref_slice %arg4[%add3A_17, %dma_start3A_226] : memref<25000x128xf32, #tpu.memory_space<hbm>> -> memref<64x128xf32, #tpu.memory_space<hbm>>
    tpu.enqueue_dma source(%dma_start3A_227 : memref<64x128xf32, #tpu.memory_space<hbm>>) target(%arg9 : memref<64x128xf32, #tpu.memory_space<vmem>>) target_semaphore(%arg22 : memref<!tpu.dma_semaphore, #tpu.memory_space<semaphore_mem>>)
    %scan3A_228 = arith.constant 0 : i32
    %scan3A_229 = arith.constant 0 : i32
    %scan3A_230 = arith.constant 64 : i32
    %scan3A_231 = arith.addi %scan3A_229, %scan3A_230 : i32
    %scan3A_232 = arith.constant 1 : i32
    %scan3A_233 = scf.for %scan3A_632 = %scan3A_229 to %scan3A_231 step %scan3A_232 iter_args(%scan3A_633 = %scan3A_228) -> (i32)  : i32 {
      %mul3A_634 = arith.constant 2 : i32
      %mul3A_635 = arith.muli %mul3A_634, %scan3A_632 : i32
      %dma_start3A_636 = arith.constant 0 : i32
      %dma_start3A_637 = tpu.memref_slice %arg11[%scan3A_632, %dma_start3A_636] : memref<64x128xf32, #tpu.memory_space<vmem>> -> memref<1x128xf32, #tpu.memory_space<vmem>>
      %dma_start3A_638 = tpu.memref_squeeze %dma_start3A_637 : memref<1x128xf32, #tpu.memory_space<vmem>> -> memref<128xf32, #tpu.memory_space<vmem>>
      %dma_start3A_639 = arith.constant 0 : i32
      %dma_start3A_640 = tpu.memref_slice %arg10[%mul3A_635, %dma_start3A_639] : memref<128x128xi32, #tpu.memory_space<vmem>> -> memref<1x128xi32, #tpu.memory_space<vmem>>
      %dma_start3A_641 = tpu.memref_squeeze %dma_start3A_640 : memref<1x128xi32, #tpu.memory_space<vmem>> -> memref<128xi32, #tpu.memory_space<vmem>>
      %dma_start3A_642 = arith.constant 0 : i32
      %dma_start3A_643 = tpu.memref_slice %arg20[%dma_start3A_642] : memref<100352xf32, #tpu.memory_space<vmem_shared>> -> memref<100352xf32, #tpu.memory_space<vmem_shared>>
      tpu.enqueue_indirect_dma source(%dma_start3A_638 : memref<128xf32, #tpu.memory_space<vmem>>) target(%dma_start3A_643 : memref<100352xf32, #tpu.memory_space<vmem_shared>>) offsets(%dma_start3A_641 : memref<128xi32, #tpu.memory_space<vmem>>) semaphore(%arg23 : memref<!tpu.dma_semaphore, #tpu.memory_space<semaphore_mem>>) {add = true}
      %mul3A_644 = arith.constant 2 : i32
      %mul3A_645 = arith.muli %mul3A_644, %scan3A_632 : i32
      %dma_start3A_646 = arith.constant 0 : i32
      %dma_start3A_647 = tpu.memref_slice %arg12[%scan3A_632, %dma_start3A_646] : memref<64x128xf32, #tpu.memory_space<vmem>> -> memref<1x128xf32, #tpu.memory_space<vmem>>
      %dma_start3A_648 = tpu.memref_squeeze %dma_start3A_647 : memref<1x128xf32, #tpu.memory_space<vmem>> -> memref<128xf32, #tpu.memory_space<vmem>>
      %dma_start3A_649 = arith.constant 0 : i32
      %dma_start3A_650 = tpu.memref_slice %arg10[%mul3A_645, %dma_start3A_649] : memref<128x128xi32, #tpu.memory_space<vmem>> -> memref<1x128xi32, #tpu.memory_space<vmem>>
      %dma_start3A_651 = tpu.memref_squeeze %dma_start3A_650 : memref<1x128xi32, #tpu.memory_space<vmem>> -> memref<128xi32, #tpu.memory_space<vmem>>
      %dma_start3A_652 = arith.constant 0 : i32
      %dma_start3A_653 = tpu.memref_slice %arg21[%dma_start3A_652] : memref<100352xf32, #tpu.memory_space<vmem_shared>> -> memref<100352xf32, #tpu.memory_space<vmem_shared>>
      tpu.enqueue_indirect_dma source(%dma_start3A_648 : memref<128xf32, #tpu.memory_space<vmem>>) target(%dma_start3A_653 : memref<100352xf32, #tpu.memory_space<vmem_shared>>) offsets(%dma_start3A_651 : memref<128xi32, #tpu.memory_space<vmem>>) semaphore(%arg23 : memref<!tpu.dma_semaphore, #tpu.memory_space<semaphore_mem>>) {add = true}
      %scan3A_654 = arith.constant 0 : i32
      scf.yield %scan3A_654 : i32
    }
    %scan3A_234 = arith.constant 64 : i32
    %mul3A_235 = arith.constant 2 : i32
    %mul3A_236 = arith.muli %mul3A_235, %add3A_17 : i32
    %dma_wait3A_237 = arith.constant 0 : i32
    %dma_wait3A_238 = tpu.memref_slice %arg2[%mul3A_236, %dma_wait3A_237] : memref<50000x128xi32, #tpu.memory_space<hbm>> -> memref<128x128xi32, #tpu.memory_space<hbm>>
    %dma_wait3A_239 = arith.constant 0 : i32
    %dma_wait3A_240 = tpu.memref_slice %arg2[%mul3A_236, %dma_wait3A_239] : memref<50000x128xi32, #tpu.memory_space<hbm>> -> memref<128x128xi32, #tpu.memory_space<hbm>>
    tpu.wait_dma2 semaphore(%arg22 : memref<!tpu.dma_semaphore, #tpu.memory_space<semaphore_mem>>) src(%dma_wait3A_240 : memref<128x128xi32, #tpu.memory_space<hbm>>) dst(%arg7 : memref<128x128xi32, #tpu.memory_space<vmem>>)
    %dma_wait3A_241 = arith.constant 0 : i32
    %dma_wait3A_242 = tpu.memref_slice %arg3[%add3A_17, %dma_wait3A_241] : memref<25000x128xf32, #tpu.memory_space<hbm>> -> memref<64x128xf32, #tpu.memory_space<hbm>>
    %dma_wait3A_243 = arith.constant 0 : i32
    %dma_wait3A_244 = tpu.memref_slice %arg3[%add3A_17, %dma_wait3A_243] : memref<25000x128xf32, #tpu.memory_space<hbm>> -> memref<64x128xf32, #tpu.memory_space<hbm>>
    tpu.wait_dma2 semaphore(%arg22 : memref<!tpu.dma_semaphore, #tpu.memory_space<semaphore_mem>>) src(%dma_wait3A_244 : memref<64x128xf32, #tpu.memory_space<hbm>>) dst(%arg8 : memref<64x128xf32, #tpu.memory_space<vmem>>)
    %dma_wait3A_245 = arith.constant 0 : i32
    %dma_wait3A_246 = tpu.memref_slice %arg4[%add3A_17, %dma_wait3A_245] : memref<25000x128xf32, #tpu.memory_space<hbm>> -> memref<64x128xf32, #tpu.memory_space<hbm>>
    %dma_wait3A_247 = arith.constant 0 : i32
    %dma_wait3A_248 = tpu.memref_slice %arg4[%add3A_17, %dma_wait3A_247] : memref<25000x128xf32, #tpu.memory_space<hbm>> -> memref<64x128xf32, #tpu.memory_space<hbm>>
    tpu.wait_dma2 semaphore(%arg22 : memref<!tpu.dma_semaphore, #tpu.memory_space<semaphore_mem>>) src(%dma_wait3A_248 : memref<64x128xf32, #tpu.memory_space<hbm>>) dst(%arg9 : memref<64x128xf32, #tpu.memory_space<vmem>>)
    %scan3A_249 = arith.constant 0 : i32
    %scan3A_250 = arith.constant 0 : i32
    %scan3A_251 = arith.constant 128 : i32
    %scan3A_252 = arith.addi %scan3A_250, %scan3A_251 : i32
    %scan3A_253 = arith.constant 1 : i32
    %scan3A_254 = scf.for %scan3A_632 = %scan3A_250 to %scan3A_252 step %scan3A_253 iter_args(%scan3A_633 = %scan3A_249) -> (i32)  : i32 {
      %dma_wait3A_634 = arith.constant 0 : i32
      %dma_wait3A_635 = arith.constant 0 : i32
      %dma_wait3A_636 = arith.constant 0 : i32
      %dma_wait3A_637 = tpu.memref_slice %arg11[%dma_wait3A_634, %dma_wait3A_636] : memref<64x128xf32, #tpu.memory_space<vmem>> -> memref<1x128xf32, #tpu.memory_space<vmem>>
      %dma_wait3A_638 = tpu.memref_squeeze %dma_wait3A_637 : memref<1x128xf32, #tpu.memory_space<vmem>> -> memref<128xf32, #tpu.memory_space<vmem>>
      %dma_wait3A_639 = arith.constant 0 : i32
      %dma_wait3A_640 = tpu.memref_slice %arg10[%dma_wait3A_635, %dma_wait3A_639] : memref<128x128xi32, #tpu.memory_space<vmem>> -> memref<1x128xi32, #tpu.memory_space<vmem>>
      %dma_wait3A_641 = tpu.memref_squeeze %dma_wait3A_640 : memref<1x128xi32, #tpu.memory_space<vmem>> -> memref<128xi32, #tpu.memory_space<vmem>>
      %dma_wait3A_642 = arith.constant 0 : i32
      %dma_wait3A_643 = tpu.memref_slice %arg20[%dma_wait3A_642] : memref<100352xf32, #tpu.memory_space<vmem_shared>> -> memref<100352xf32, #tpu.memory_space<vmem_shared>>
      tpu.wait_indirect_dma semaphore(%arg23 : memref<!tpu.dma_semaphore, #tpu.memory_space<semaphore_mem>>) src(%dma_wait3A_638 : memref<128xf32, #tpu.memory_space<vmem>>) dst(%dma_wait3A_643 : memref<100352xf32, #tpu.memory_space<vmem_shared>>)
      %scan3A_644 = arith.constant 0 : i32
      scf.yield %scan3A_644 : i32
    }
    %scan3A_255 = arith.constant 128 : i32
    %mul3A_256 = arith.constant 2 : i32
    %mul3A_257 = arith.muli %mul3A_256, %add3A_19 : i32
    %dma_start3A_258 = arith.constant 0 : i32
    %dma_start3A_259 = tpu.memref_slice %arg2[%mul3A_257, %dma_start3A_258] : memref<50000x128xi32, #tpu.memory_space<hbm>> -> memref<128x128xi32, #tpu.memory_space<hbm>>
    %dma_start3A_260 = arith.constant 0 : i32
    %dma_start3A_261 = tpu.memref_slice %arg2[%mul3A_257, %dma_start3A_260] : memref<50000x128xi32, #tpu.memory_space<hbm>> -> memref<128x128xi32, #tpu.memory_space<hbm>>
    tpu.enqueue_dma source(%dma_start3A_261 : memref<128x128xi32, #tpu.memory_space<hbm>>) target(%arg10 : memref<128x128xi32, #tpu.memory_space<vmem>>) target_semaphore(%arg22 : memref<!tpu.dma_semaphore, #tpu.memory_space<semaphore_mem>>)
    %dma_start3A_262 = arith.constant 0 : i32
    %dma_start3A_263 = tpu.memref_slice %arg3[%add3A_19, %dma_start3A_262] : memref<25000x128xf32, #tpu.memory_space<hbm>> -> memref<64x128xf32, #tpu.memory_space<hbm>>
    %dma_start3A_264 = arith.constant 0 : i32
    %dma_start3A_265 = tpu.memref_slice %arg3[%add3A_19, %dma_start3A_264] : memref<25000x128xf32, #tpu.memory_space<hbm>> -> memref<64x128xf32, #tpu.memory_space<hbm>>
    tpu.enqueue_dma source(%dma_start3A_265 : memref<64x128xf32, #tpu.memory_space<hbm>>) target(%arg11 : memref<64x128xf32, #tpu.memory_space<vmem>>) target_semaphore(%arg22 : memref<!tpu.dma_semaphore, #tpu.memory_space<semaphore_mem>>)
    %dma_start3A_266 = arith.constant 0 : i32
    %dma_start3A_267 = tpu.memref_slice %arg4[%add3A_19, %dma_start3A_266] : memref<25000x128xf32, #tpu.memory_space<hbm>> -> memref<64x128xf32, #tpu.memory_space<hbm>>
    %dma_start3A_268 = arith.constant 0 : i32
    %dma_start3A_269 = tpu.memref_slice %arg4[%add3A_19, %dma_start3A_268] : memref<25000x128xf32, #tpu.memory_space<hbm>> -> memref<64x128xf32, #tpu.memory_space<hbm>>
    tpu.enqueue_dma source(%dma_start3A_269 : memref<64x128xf32, #tpu.memory_space<hbm>>) target(%arg12 : memref<64x128xf32, #tpu.memory_space<vmem>>) target_semaphore(%arg22 : memref<!tpu.dma_semaphore, #tpu.memory_space<semaphore_mem>>)
    %scan3A_270 = arith.constant 0 : i32
    %scan3A_271 = arith.constant 0 : i32
    %scan3A_272 = arith.constant 64 : i32
    %scan3A_273 = arith.addi %scan3A_271, %scan3A_272 : i32
    %scan3A_274 = arith.constant 1 : i32
    %scan3A_275 = scf.for %scan3A_632 = %scan3A_271 to %scan3A_273 step %scan3A_274 iter_args(%scan3A_633 = %scan3A_270) -> (i32)  : i32 {
      %mul3A_634 = arith.constant 2 : i32
      %mul3A_635 = arith.muli %mul3A_634, %scan3A_632 : i32
      %dma_start3A_636 = arith.constant 0 : i32
      %dma_start3A_637 = tpu.memref_slice %arg8[%scan3A_632, %dma_start3A_636] : memref<64x128xf32, #tpu.memory_space<vmem>> -> memref<1x128xf32, #tpu.memory_space<vmem>>
      %dma_start3A_638 = tpu.memref_squeeze %dma_start3A_637 : memref<1x128xf32, #tpu.memory_space<vmem>> -> memref<128xf32, #tpu.memory_space<vmem>>
      %dma_start3A_639 = arith.constant 0 : i32
      %dma_start3A_640 = tpu.memref_slice %arg7[%mul3A_635, %dma_start3A_639] : memref<128x128xi32, #tpu.memory_space<vmem>> -> memref<1x128xi32, #tpu.memory_space<vmem>>
      %dma_start3A_641 = tpu.memref_squeeze %dma_start3A_640 : memref<1x128xi32, #tpu.memory_space<vmem>> -> memref<128xi32, #tpu.memory_space<vmem>>
      %dma_start3A_642 = arith.constant 0 : i32
      %dma_start3A_643 = tpu.memref_slice %arg20[%dma_start3A_642] : memref<100352xf32, #tpu.memory_space<vmem_shared>> -> memref<100352xf32, #tpu.memory_space<vmem_shared>>
      tpu.enqueue_indirect_dma source(%dma_start3A_638 : memref<128xf32, #tpu.memory_space<vmem>>) target(%dma_start3A_643 : memref<100352xf32, #tpu.memory_space<vmem_shared>>) offsets(%dma_start3A_641 : memref<128xi32, #tpu.memory_space<vmem>>) semaphore(%arg23 : memref<!tpu.dma_semaphore, #tpu.memory_space<semaphore_mem>>) {add = true}
      %mul3A_644 = arith.constant 2 : i32
      %mul3A_645 = arith.muli %mul3A_644, %scan3A_632 : i32
      %dma_start3A_646 = arith.constant 0 : i32
      %dma_start3A_647 = tpu.memref_slice %arg9[%scan3A_632, %dma_start3A_646] : memref<64x128xf32, #tpu.memory_space<vmem>> -> memref<1x128xf32, #tpu.memory_space<vmem>>
      %dma_start3A_648 = tpu.memref_squeeze %dma_start3A_647 : memref<1x128xf32, #tpu.memory_space<vmem>> -> memref<128xf32, #tpu.memory_space<vmem>>
      %dma_start3A_649 = arith.constant 0 : i32
      %dma_start3A_650 = tpu.memref_slice %arg7[%mul3A_645, %dma_start3A_649] : memref<128x128xi32, #tpu.memory_space<vmem>> -> memref<1x128xi32, #tpu.memory_space<vmem>>
      %dma_start3A_651 = tpu.memref_squeeze %dma_start3A_650 : memref<1x128xi32, #tpu.memory_space<vmem>> -> memref<128xi32, #tpu.memory_space<vmem>>
      %dma_start3A_652 = arith.constant 0 : i32
      %dma_start3A_653 = tpu.memref_slice %arg21[%dma_start3A_652] : memref<100352xf32, #tpu.memory_space<vmem_shared>> -> memref<100352xf32, #tpu.memory_space<vmem_shared>>
      tpu.enqueue_indirect_dma source(%dma_start3A_648 : memref<128xf32, #tpu.memory_space<vmem>>) target(%dma_start3A_653 : memref<100352xf32, #tpu.memory_space<vmem_shared>>) offsets(%dma_start3A_651 : memref<128xi32, #tpu.memory_space<vmem>>) semaphore(%arg23 : memref<!tpu.dma_semaphore, #tpu.memory_space<semaphore_mem>>) {add = true}
      %scan3A_654 = arith.constant 0 : i32
      scf.yield %scan3A_654 : i32
    }
    %scan3A_276 = arith.constant 64 : i32
    %mul3A_277 = arith.constant 2 : i32
    %mul3A_278 = arith.muli %mul3A_277, %add3A_19 : i32
    %dma_wait3A_279 = arith.constant 0 : i32
    %dma_wait3A_280 = tpu.memref_slice %arg2[%mul3A_278, %dma_wait3A_279] : memref<50000x128xi32, #tpu.memory_space<hbm>> -> memref<128x128xi32, #tpu.memory_space<hbm>>
    %dma_wait3A_281 = arith.constant 0 : i32
    %dma_wait3A_282 = tpu.memref_slice %arg2[%mul3A_278, %dma_wait3A_281] : memref<50000x128xi32, #tpu.memory_space<hbm>> -> memref<128x128xi32, #tpu.memory_space<hbm>>
    tpu.wait_dma2 semaphore(%arg22 : memref<!tpu.dma_semaphore, #tpu.memory_space<semaphore_mem>>) src(%dma_wait3A_282 : memref<128x128xi32, #tpu.memory_space<hbm>>) dst(%arg10 : memref<128x128xi32, #tpu.memory_space<vmem>>)
    %dma_wait3A_283 = arith.constant 0 : i32
    %dma_wait3A_284 = tpu.memref_slice %arg3[%add3A_19, %dma_wait3A_283] : memref<25000x128xf32, #tpu.memory_space<hbm>> -> memref<64x128xf32, #tpu.memory_space<hbm>>
    %dma_wait3A_285 = arith.constant 0 : i32
    %dma_wait3A_286 = tpu.memref_slice %arg3[%add3A_19, %dma_wait3A_285] : memref<25000x128xf32, #tpu.memory_space<hbm>> -> memref<64x128xf32, #tpu.memory_space<hbm>>
    tpu.wait_dma2 semaphore(%arg22 : memref<!tpu.dma_semaphore, #tpu.memory_space<semaphore_mem>>) src(%dma_wait3A_286 : memref<64x128xf32, #tpu.memory_space<hbm>>) dst(%arg11 : memref<64x128xf32, #tpu.memory_space<vmem>>)
    %dma_wait3A_287 = arith.constant 0 : i32
    %dma_wait3A_288 = tpu.memref_slice %arg4[%add3A_19, %dma_wait3A_287] : memref<25000x128xf32, #tpu.memory_space<hbm>> -> memref<64x128xf32, #tpu.memory_space<hbm>>
    %dma_wait3A_289 = arith.constant 0 : i32
    %dma_wait3A_290 = tpu.memref_slice %arg4[%add3A_19, %dma_wait3A_289] : memref<25000x128xf32, #tpu.memory_space<hbm>> -> memref<64x128xf32, #tpu.memory_space<hbm>>
    tpu.wait_dma2 semaphore(%arg22 : memref<!tpu.dma_semaphore, #tpu.memory_space<semaphore_mem>>) src(%dma_wait3A_290 : memref<64x128xf32, #tpu.memory_space<hbm>>) dst(%arg12 : memref<64x128xf32, #tpu.memory_space<vmem>>)
    %scan3A_291 = arith.constant 0 : i32
    %scan3A_292 = arith.constant 0 : i32
    %scan3A_293 = arith.constant 128 : i32
    %scan3A_294 = arith.addi %scan3A_292, %scan3A_293 : i32
    %scan3A_295 = arith.constant 1 : i32
    %scan3A_296 = scf.for %scan3A_632 = %scan3A_292 to %scan3A_294 step %scan3A_295 iter_args(%scan3A_633 = %scan3A_291) -> (i32)  : i32 {
      %dma_wait3A_634 = arith.constant 0 : i32
      %dma_wait3A_635 = arith.constant 0 : i32
      %dma_wait3A_636 = arith.constant 0 : i32
      %dma_wait3A_637 = tpu.memref_slice %arg8[%dma_wait3A_634, %dma_wait3A_636] : memref<64x128xf32, #tpu.memory_space<vmem>> -> memref<1x128xf32, #tpu.memory_space<vmem>>
      %dma_wait3A_638 = tpu.memref_squeeze %dma_wait3A_637 : memref<1x128xf32, #tpu.memory_space<vmem>> -> memref<128xf32, #tpu.memory_space<vmem>>
      %dma_wait3A_639 = arith.constant 0 : i32
      %dma_wait3A_640 = tpu.memref_slice %arg7[%dma_wait3A_635, %dma_wait3A_639] : memref<128x128xi32, #tpu.memory_space<vmem>> -> memref<1x128xi32, #tpu.memory_space<vmem>>
      %dma_wait3A_641 = tpu.memref_squeeze %dma_wait3A_640 : memref<1x128xi32, #tpu.memory_space<vmem>> -> memref<128xi32, #tpu.memory_space<vmem>>
      %dma_wait3A_642 = arith.constant 0 : i32
      %dma_wait3A_643 = tpu.memref_slice %arg20[%dma_wait3A_642] : memref<100352xf32, #tpu.memory_space<vmem_shared>> -> memref<100352xf32, #tpu.memory_space<vmem_shared>>
      tpu.wait_indirect_dma semaphore(%arg23 : memref<!tpu.dma_semaphore, #tpu.memory_space<semaphore_mem>>) src(%dma_wait3A_638 : memref<128xf32, #tpu.memory_space<vmem>>) dst(%dma_wait3A_643 : memref<100352xf32, #tpu.memory_space<vmem_shared>>)
      %scan3A_644 = arith.constant 0 : i32
      scf.yield %scan3A_644 : i32
    }
    %scan3A_297 = arith.constant 128 : i32
    %mul3A_298 = arith.constant 2 : i32
    %mul3A_299 = arith.muli %mul3A_298, %add3A_21 : i32
    %dma_start3A_300 = arith.constant 0 : i32
    %dma_start3A_301 = tpu.memref_slice %arg2[%mul3A_299, %dma_start3A_300] : memref<50000x128xi32, #tpu.memory_space<hbm>> -> memref<128x128xi32, #tpu.memory_space<hbm>>
    %dma_start3A_302 = arith.constant 0 : i32
    %dma_start3A_303 = tpu.memref_slice %arg2[%mul3A_299, %dma_start3A_302] : memref<50000x128xi32, #tpu.memory_space<hbm>> -> memref<128x128xi32, #tpu.memory_space<hbm>>
    tpu.enqueue_dma source(%dma_start3A_303 : memref<128x128xi32, #tpu.memory_space<hbm>>) target(%arg7 : memref<128x128xi32, #tpu.memory_space<vmem>>) target_semaphore(%arg22 : memref<!tpu.dma_semaphore, #tpu.memory_space<semaphore_mem>>)
    %dma_start3A_304 = arith.constant 0 : i32
    %dma_start3A_305 = tpu.memref_slice %arg3[%add3A_21, %dma_start3A_304] : memref<25000x128xf32, #tpu.memory_space<hbm>> -> memref<64x128xf32, #tpu.memory_space<hbm>>
    %dma_start3A_306 = arith.constant 0 : i32
    %dma_start3A_307 = tpu.memref_slice %arg3[%add3A_21, %dma_start3A_306] : memref<25000x128xf32, #tpu.memory_space<hbm>> -> memref<64x128xf32, #tpu.memory_space<hbm>>
    tpu.enqueue_dma source(%dma_start3A_307 : memref<64x128xf32, #tpu.memory_space<hbm>>) target(%arg8 : memref<64x128xf32, #tpu.memory_space<vmem>>) target_semaphore(%arg22 : memref<!tpu.dma_semaphore, #tpu.memory_space<semaphore_mem>>)
    %dma_start3A_308 = arith.constant 0 : i32
    %dma_start3A_309 = tpu.memref_slice %arg4[%add3A_21, %dma_start3A_308] : memref<25000x128xf32, #tpu.memory_space<hbm>> -> memref<64x128xf32, #tpu.memory_space<hbm>>
    %dma_start3A_310 = arith.constant 0 : i32
    %dma_start3A_311 = tpu.memref_slice %arg4[%add3A_21, %dma_start3A_310] : memref<25000x128xf32, #tpu.memory_space<hbm>> -> memref<64x128xf32, #tpu.memory_space<hbm>>
    tpu.enqueue_dma source(%dma_start3A_311 : memref<64x128xf32, #tpu.memory_space<hbm>>) target(%arg9 : memref<64x128xf32, #tpu.memory_space<vmem>>) target_semaphore(%arg22 : memref<!tpu.dma_semaphore, #tpu.memory_space<semaphore_mem>>)
    %scan3A_312 = arith.constant 0 : i32
    %scan3A_313 = arith.constant 0 : i32
    %scan3A_314 = arith.constant 64 : i32
    %scan3A_315 = arith.addi %scan3A_313, %scan3A_314 : i32
    %scan3A_316 = arith.constant 1 : i32
    %scan3A_317 = scf.for %scan3A_632 = %scan3A_313 to %scan3A_315 step %scan3A_316 iter_args(%scan3A_633 = %scan3A_312) -> (i32)  : i32 {
      %mul3A_634 = arith.constant 2 : i32
      %mul3A_635 = arith.muli %mul3A_634, %scan3A_632 : i32
      %dma_start3A_636 = arith.constant 0 : i32
      %dma_start3A_637 = tpu.memref_slice %arg11[%scan3A_632, %dma_start3A_636] : memref<64x128xf32, #tpu.memory_space<vmem>> -> memref<1x128xf32, #tpu.memory_space<vmem>>
      %dma_start3A_638 = tpu.memref_squeeze %dma_start3A_637 : memref<1x128xf32, #tpu.memory_space<vmem>> -> memref<128xf32, #tpu.memory_space<vmem>>
      %dma_start3A_639 = arith.constant 0 : i32
      %dma_start3A_640 = tpu.memref_slice %arg10[%mul3A_635, %dma_start3A_639] : memref<128x128xi32, #tpu.memory_space<vmem>> -> memref<1x128xi32, #tpu.memory_space<vmem>>
      %dma_start3A_641 = tpu.memref_squeeze %dma_start3A_640 : memref<1x128xi32, #tpu.memory_space<vmem>> -> memref<128xi32, #tpu.memory_space<vmem>>
      %dma_start3A_642 = arith.constant 0 : i32
      %dma_start3A_643 = tpu.memref_slice %arg20[%dma_start3A_642] : memref<100352xf32, #tpu.memory_space<vmem_shared>> -> memref<100352xf32, #tpu.memory_space<vmem_shared>>
      tpu.enqueue_indirect_dma source(%dma_start3A_638 : memref<128xf32, #tpu.memory_space<vmem>>) target(%dma_start3A_643 : memref<100352xf32, #tpu.memory_space<vmem_shared>>) offsets(%dma_start3A_641 : memref<128xi32, #tpu.memory_space<vmem>>) semaphore(%arg23 : memref<!tpu.dma_semaphore, #tpu.memory_space<semaphore_mem>>) {add = true}
      %mul3A_644 = arith.constant 2 : i32
      %mul3A_645 = arith.muli %mul3A_644, %scan3A_632 : i32
      %dma_start3A_646 = arith.constant 0 : i32
      %dma_start3A_647 = tpu.memref_slice %arg12[%scan3A_632, %dma_start3A_646] : memref<64x128xf32, #tpu.memory_space<vmem>> -> memref<1x128xf32, #tpu.memory_space<vmem>>
      %dma_start3A_648 = tpu.memref_squeeze %dma_start3A_647 : memref<1x128xf32, #tpu.memory_space<vmem>> -> memref<128xf32, #tpu.memory_space<vmem>>
      %dma_start3A_649 = arith.constant 0 : i32
      %dma_start3A_650 = tpu.memref_slice %arg10[%mul3A_645, %dma_start3A_649] : memref<128x128xi32, #tpu.memory_space<vmem>> -> memref<1x128xi32, #tpu.memory_space<vmem>>
      %dma_start3A_651 = tpu.memref_squeeze %dma_start3A_650 : memref<1x128xi32, #tpu.memory_space<vmem>> -> memref<128xi32, #tpu.memory_space<vmem>>
      %dma_start3A_652 = arith.constant 0 : i32
      %dma_start3A_653 = tpu.memref_slice %arg21[%dma_start3A_652] : memref<100352xf32, #tpu.memory_space<vmem_shared>> -> memref<100352xf32, #tpu.memory_space<vmem_shared>>
      tpu.enqueue_indirect_dma source(%dma_start3A_648 : memref<128xf32, #tpu.memory_space<vmem>>) target(%dma_start3A_653 : memref<100352xf32, #tpu.memory_space<vmem_shared>>) offsets(%dma_start3A_651 : memref<128xi32, #tpu.memory_space<vmem>>) semaphore(%arg23 : memref<!tpu.dma_semaphore, #tpu.memory_space<semaphore_mem>>) {add = true}
      %scan3A_654 = arith.constant 0 : i32
      scf.yield %scan3A_654 : i32
    }
    %scan3A_318 = arith.constant 64 : i32
    %mul3A_319 = arith.constant 2 : i32
    %mul3A_320 = arith.muli %mul3A_319, %add3A_21 : i32
    %dma_wait3A_321 = arith.constant 0 : i32
    %dma_wait3A_322 = tpu.memref_slice %arg2[%mul3A_320, %dma_wait3A_321] : memref<50000x128xi32, #tpu.memory_space<hbm>> -> memref<128x128xi32, #tpu.memory_space<hbm>>
    %dma_wait3A_323 = arith.constant 0 : i32
    %dma_wait3A_324 = tpu.memref_slice %arg2[%mul3A_320, %dma_wait3A_323] : memref<50000x128xi32, #tpu.memory_space<hbm>> -> memref<128x128xi32, #tpu.memory_space<hbm>>
    tpu.wait_dma2 semaphore(%arg22 : memref<!tpu.dma_semaphore, #tpu.memory_space<semaphore_mem>>) src(%dma_wait3A_324 : memref<128x128xi32, #tpu.memory_space<hbm>>) dst(%arg7 : memref<128x128xi32, #tpu.memory_space<vmem>>)
    %dma_wait3A_325 = arith.constant 0 : i32
    %dma_wait3A_326 = tpu.memref_slice %arg3[%add3A_21, %dma_wait3A_325] : memref<25000x128xf32, #tpu.memory_space<hbm>> -> memref<64x128xf32, #tpu.memory_space<hbm>>
    %dma_wait3A_327 = arith.constant 0 : i32
    %dma_wait3A_328 = tpu.memref_slice %arg3[%add3A_21, %dma_wait3A_327] : memref<25000x128xf32, #tpu.memory_space<hbm>> -> memref<64x128xf32, #tpu.memory_space<hbm>>
    tpu.wait_dma2 semaphore(%arg22 : memref<!tpu.dma_semaphore, #tpu.memory_space<semaphore_mem>>) src(%dma_wait3A_328 : memref<64x128xf32, #tpu.memory_space<hbm>>) dst(%arg8 : memref<64x128xf32, #tpu.memory_space<vmem>>)
    %dma_wait3A_329 = arith.constant 0 : i32
    %dma_wait3A_330 = tpu.memref_slice %arg4[%add3A_21, %dma_wait3A_329] : memref<25000x128xf32, #tpu.memory_space<hbm>> -> memref<64x128xf32, #tpu.memory_space<hbm>>
    %dma_wait3A_331 = arith.constant 0 : i32
    %dma_wait3A_332 = tpu.memref_slice %arg4[%add3A_21, %dma_wait3A_331] : memref<25000x128xf32, #tpu.memory_space<hbm>> -> memref<64x128xf32, #tpu.memory_space<hbm>>
    tpu.wait_dma2 semaphore(%arg22 : memref<!tpu.dma_semaphore, #tpu.memory_space<semaphore_mem>>) src(%dma_wait3A_332 : memref<64x128xf32, #tpu.memory_space<hbm>>) dst(%arg9 : memref<64x128xf32, #tpu.memory_space<vmem>>)
    %scan3A_333 = arith.constant 0 : i32
    %scan3A_334 = arith.constant 0 : i32
    %scan3A_335 = arith.constant 128 : i32
    %scan3A_336 = arith.addi %scan3A_334, %scan3A_335 : i32
    %scan3A_337 = arith.constant 1 : i32
    %scan3A_338 = scf.for %scan3A_632 = %scan3A_334 to %scan3A_336 step %scan3A_337 iter_args(%scan3A_633 = %scan3A_333) -> (i32)  : i32 {
      %dma_wait3A_634 = arith.constant 0 : i32
      %dma_wait3A_635 = arith.constant 0 : i32
      %dma_wait3A_636 = arith.constant 0 : i32
      %dma_wait3A_637 = tpu.memref_slice %arg11[%dma_wait3A_634, %dma_wait3A_636] : memref<64x128xf32, #tpu.memory_space<vmem>> -> memref<1x128xf32, #tpu.memory_space<vmem>>
      %dma_wait3A_638 = tpu.memref_squeeze %dma_wait3A_637 : memref<1x128xf32, #tpu.memory_space<vmem>> -> memref<128xf32, #tpu.memory_space<vmem>>
      %dma_wait3A_639 = arith.constant 0 : i32
      %dma_wait3A_640 = tpu.memref_slice %arg10[%dma_wait3A_635, %dma_wait3A_639] : memref<128x128xi32, #tpu.memory_space<vmem>> -> memref<1x128xi32, #tpu.memory_space<vmem>>
      %dma_wait3A_641 = tpu.memref_squeeze %dma_wait3A_640 : memref<1x128xi32, #tpu.memory_space<vmem>> -> memref<128xi32, #tpu.memory_space<vmem>>
      %dma_wait3A_642 = arith.constant 0 : i32
      %dma_wait3A_643 = tpu.memref_slice %arg20[%dma_wait3A_642] : memref<100352xf32, #tpu.memory_space<vmem_shared>> -> memref<100352xf32, #tpu.memory_space<vmem_shared>>
      tpu.wait_indirect_dma semaphore(%arg23 : memref<!tpu.dma_semaphore, #tpu.memory_space<semaphore_mem>>) src(%dma_wait3A_638 : memref<128xf32, #tpu.memory_space<vmem>>) dst(%dma_wait3A_643 : memref<100352xf32, #tpu.memory_space<vmem_shared>>)
      %scan3A_644 = arith.constant 0 : i32
      scf.yield %scan3A_644 : i32
    }
    %scan3A_339 = arith.constant 128 : i32
    %mul3A_340 = arith.constant 2 : i32
    %mul3A_341 = arith.muli %mul3A_340, %add3A_23 : i32
    %dma_start3A_342 = arith.constant 0 : i32
    %dma_start3A_343 = tpu.memref_slice %arg2[%mul3A_341, %dma_start3A_342] : memref<50000x128xi32, #tpu.memory_space<hbm>> -> memref<128x128xi32, #tpu.memory_space<hbm>>
    %dma_start3A_344 = arith.constant 0 : i32
    %dma_start3A_345 = tpu.memref_slice %arg2[%mul3A_341, %dma_start3A_344] : memref<50000x128xi32, #tpu.memory_space<hbm>> -> memref<128x128xi32, #tpu.memory_space<hbm>>
    tpu.enqueue_dma source(%dma_start3A_345 : memref<128x128xi32, #tpu.memory_space<hbm>>) target(%arg10 : memref<128x128xi32, #tpu.memory_space<vmem>>) target_semaphore(%arg22 : memref<!tpu.dma_semaphore, #tpu.memory_space<semaphore_mem>>)
    %dma_start3A_346 = arith.constant 0 : i32
    %dma_start3A_347 = tpu.memref_slice %arg3[%add3A_23, %dma_start3A_346] : memref<25000x128xf32, #tpu.memory_space<hbm>> -> memref<64x128xf32, #tpu.memory_space<hbm>>
    %dma_start3A_348 = arith.constant 0 : i32
    %dma_start3A_349 = tpu.memref_slice %arg3[%add3A_23, %dma_start3A_348] : memref<25000x128xf32, #tpu.memory_space<hbm>> -> memref<64x128xf32, #tpu.memory_space<hbm>>
    tpu.enqueue_dma source(%dma_start3A_349 : memref<64x128xf32, #tpu.memory_space<hbm>>) target(%arg11 : memref<64x128xf32, #tpu.memory_space<vmem>>) target_semaphore(%arg22 : memref<!tpu.dma_semaphore, #tpu.memory_space<semaphore_mem>>)
    %dma_start3A_350 = arith.constant 0 : i32
    %dma_start3A_351 = tpu.memref_slice %arg4[%add3A_23, %dma_start3A_350] : memref<25000x128xf32, #tpu.memory_space<hbm>> -> memref<64x128xf32, #tpu.memory_space<hbm>>
    %dma_start3A_352 = arith.constant 0 : i32
    %dma_start3A_353 = tpu.memref_slice %arg4[%add3A_23, %dma_start3A_352] : memref<25000x128xf32, #tpu.memory_space<hbm>> -> memref<64x128xf32, #tpu.memory_space<hbm>>
    tpu.enqueue_dma source(%dma_start3A_353 : memref<64x128xf32, #tpu.memory_space<hbm>>) target(%arg12 : memref<64x128xf32, #tpu.memory_space<vmem>>) target_semaphore(%arg22 : memref<!tpu.dma_semaphore, #tpu.memory_space<semaphore_mem>>)
    %scan3A_354 = arith.constant 0 : i32
    %scan3A_355 = arith.constant 0 : i32
    %scan3A_356 = arith.constant 64 : i32
    %scan3A_357 = arith.addi %scan3A_355, %scan3A_356 : i32
    %scan3A_358 = arith.constant 1 : i32
    %scan3A_359 = scf.for %scan3A_632 = %scan3A_355 to %scan3A_357 step %scan3A_358 iter_args(%scan3A_633 = %scan3A_354) -> (i32)  : i32 {
      %mul3A_634 = arith.constant 2 : i32
      %mul3A_635 = arith.muli %mul3A_634, %scan3A_632 : i32
      %dma_start3A_636 = arith.constant 0 : i32
      %dma_start3A_637 = tpu.memref_slice %arg8[%scan3A_632, %dma_start3A_636] : memref<64x128xf32, #tpu.memory_space<vmem>> -> memref<1x128xf32, #tpu.memory_space<vmem>>
      %dma_start3A_638 = tpu.memref_squeeze %dma_start3A_637 : memref<1x128xf32, #tpu.memory_space<vmem>> -> memref<128xf32, #tpu.memory_space<vmem>>
      %dma_start3A_639 = arith.constant 0 : i32
      %dma_start3A_640 = tpu.memref_slice %arg7[%mul3A_635, %dma_start3A_639] : memref<128x128xi32, #tpu.memory_space<vmem>> -> memref<1x128xi32, #tpu.memory_space<vmem>>
      %dma_start3A_641 = tpu.memref_squeeze %dma_start3A_640 : memref<1x128xi32, #tpu.memory_space<vmem>> -> memref<128xi32, #tpu.memory_space<vmem>>
      %dma_start3A_642 = arith.constant 0 : i32
      %dma_start3A_643 = tpu.memref_slice %arg20[%dma_start3A_642] : memref<100352xf32, #tpu.memory_space<vmem_shared>> -> memref<100352xf32, #tpu.memory_space<vmem_shared>>
      tpu.enqueue_indirect_dma source(%dma_start3A_638 : memref<128xf32, #tpu.memory_space<vmem>>) target(%dma_start3A_643 : memref<100352xf32, #tpu.memory_space<vmem_shared>>) offsets(%dma_start3A_641 : memref<128xi32, #tpu.memory_space<vmem>>) semaphore(%arg23 : memref<!tpu.dma_semaphore, #tpu.memory_space<semaphore_mem>>) {add = true}
      %mul3A_644 = arith.constant 2 : i32
      %mul3A_645 = arith.muli %mul3A_644, %scan3A_632 : i32
      %dma_start3A_646 = arith.constant 0 : i32
      %dma_start3A_647 = tpu.memref_slice %arg9[%scan3A_632, %dma_start3A_646] : memref<64x128xf32, #tpu.memory_space<vmem>> -> memref<1x128xf32, #tpu.memory_space<vmem>>
      %dma_start3A_648 = tpu.memref_squeeze %dma_start3A_647 : memref<1x128xf32, #tpu.memory_space<vmem>> -> memref<128xf32, #tpu.memory_space<vmem>>
      %dma_start3A_649 = arith.constant 0 : i32
      %dma_start3A_650 = tpu.memref_slice %arg7[%mul3A_645, %dma_start3A_649] : memref<128x128xi32, #tpu.memory_space<vmem>> -> memref<1x128xi32, #tpu.memory_space<vmem>>
      %dma_start3A_651 = tpu.memref_squeeze %dma_start3A_650 : memref<1x128xi32, #tpu.memory_space<vmem>> -> memref<128xi32, #tpu.memory_space<vmem>>
      %dma_start3A_652 = arith.constant 0 : i32
      %dma_start3A_653 = tpu.memref_slice %arg21[%dma_start3A_652] : memref<100352xf32, #tpu.memory_space<vmem_shared>> -> memref<100352xf32, #tpu.memory_space<vmem_shared>>
      tpu.enqueue_indirect_dma source(%dma_start3A_648 : memref<128xf32, #tpu.memory_space<vmem>>) target(%dma_start3A_653 : memref<100352xf32, #tpu.memory_space<vmem_shared>>) offsets(%dma_start3A_651 : memref<128xi32, #tpu.memory_space<vmem>>) semaphore(%arg23 : memref<!tpu.dma_semaphore, #tpu.memory_space<semaphore_mem>>) {add = true}
      %scan3A_654 = arith.constant 0 : i32
      scf.yield %scan3A_654 : i32
    }
    %scan3A_360 = arith.constant 64 : i32
    %mul3A_361 = arith.constant 2 : i32
    %mul3A_362 = arith.muli %mul3A_361, %add3A_23 : i32
    %dma_wait3A_363 = arith.constant 0 : i32
    %dma_wait3A_364 = tpu.memref_slice %arg2[%mul3A_362, %dma_wait3A_363] : memref<50000x128xi32, #tpu.memory_space<hbm>> -> memref<128x128xi32, #tpu.memory_space<hbm>>
    %dma_wait3A_365 = arith.constant 0 : i32
    %dma_wait3A_366 = tpu.memref_slice %arg2[%mul3A_362, %dma_wait3A_365] : memref<50000x128xi32, #tpu.memory_space<hbm>> -> memref<128x128xi32, #tpu.memory_space<hbm>>
    tpu.wait_dma2 semaphore(%arg22 : memref<!tpu.dma_semaphore, #tpu.memory_space<semaphore_mem>>) src(%dma_wait3A_366 : memref<128x128xi32, #tpu.memory_space<hbm>>) dst(%arg10 : memref<128x128xi32, #tpu.memory_space<vmem>>)
    %dma_wait3A_367 = arith.constant 0 : i32
    %dma_wait3A_368 = tpu.memref_slice %arg3[%add3A_23, %dma_wait3A_367] : memref<25000x128xf32, #tpu.memory_space<hbm>> -> memref<64x128xf32, #tpu.memory_space<hbm>>
    %dma_wait3A_369 = arith.constant 0 : i32
    %dma_wait3A_370 = tpu.memref_slice %arg3[%add3A_23, %dma_wait3A_369] : memref<25000x128xf32, #tpu.memory_space<hbm>> -> memref<64x128xf32, #tpu.memory_space<hbm>>
    tpu.wait_dma2 semaphore(%arg22 : memref<!tpu.dma_semaphore, #tpu.memory_space<semaphore_mem>>) src(%dma_wait3A_370 : memref<64x128xf32, #tpu.memory_space<hbm>>) dst(%arg11 : memref<64x128xf32, #tpu.memory_space<vmem>>)
    %dma_wait3A_371 = arith.constant 0 : i32
    %dma_wait3A_372 = tpu.memref_slice %arg4[%add3A_23, %dma_wait3A_371] : memref<25000x128xf32, #tpu.memory_space<hbm>> -> memref<64x128xf32, #tpu.memory_space<hbm>>
    %dma_wait3A_373 = arith.constant 0 : i32
    %dma_wait3A_374 = tpu.memref_slice %arg4[%add3A_23, %dma_wait3A_373] : memref<25000x128xf32, #tpu.memory_space<hbm>> -> memref<64x128xf32, #tpu.memory_space<hbm>>
    tpu.wait_dma2 semaphore(%arg22 : memref<!tpu.dma_semaphore, #tpu.memory_space<semaphore_mem>>) src(%dma_wait3A_374 : memref<64x128xf32, #tpu.memory_space<hbm>>) dst(%arg12 : memref<64x128xf32, #tpu.memory_space<vmem>>)
    %scan3A_375 = arith.constant 0 : i32
    %scan3A_376 = arith.constant 0 : i32
    %scan3A_377 = arith.constant 128 : i32
    %scan3A_378 = arith.addi %scan3A_376, %scan3A_377 : i32
    %scan3A_379 = arith.constant 1 : i32
    %scan3A_380 = scf.for %scan3A_632 = %scan3A_376 to %scan3A_378 step %scan3A_379 iter_args(%scan3A_633 = %scan3A_375) -> (i32)  : i32 {
      %dma_wait3A_634 = arith.constant 0 : i32
      %dma_wait3A_635 = arith.constant 0 : i32
      %dma_wait3A_636 = arith.constant 0 : i32
      %dma_wait3A_637 = tpu.memref_slice %arg8[%dma_wait3A_634, %dma_wait3A_636] : memref<64x128xf32, #tpu.memory_space<vmem>> -> memref<1x128xf32, #tpu.memory_space<vmem>>
      %dma_wait3A_638 = tpu.memref_squeeze %dma_wait3A_637 : memref<1x128xf32, #tpu.memory_space<vmem>> -> memref<128xf32, #tpu.memory_space<vmem>>
      %dma_wait3A_639 = arith.constant 0 : i32
      %dma_wait3A_640 = tpu.memref_slice %arg7[%dma_wait3A_635, %dma_wait3A_639] : memref<128x128xi32, #tpu.memory_space<vmem>> -> memref<1x128xi32, #tpu.memory_space<vmem>>
      %dma_wait3A_641 = tpu.memref_squeeze %dma_wait3A_640 : memref<1x128xi32, #tpu.memory_space<vmem>> -> memref<128xi32, #tpu.memory_space<vmem>>
      %dma_wait3A_642 = arith.constant 0 : i32
      %dma_wait3A_643 = tpu.memref_slice %arg20[%dma_wait3A_642] : memref<100352xf32, #tpu.memory_space<vmem_shared>> -> memref<100352xf32, #tpu.memory_space<vmem_shared>>
      tpu.wait_indirect_dma semaphore(%arg23 : memref<!tpu.dma_semaphore, #tpu.memory_space<semaphore_mem>>) src(%dma_wait3A_638 : memref<128xf32, #tpu.memory_space<vmem>>) dst(%dma_wait3A_643 : memref<100352xf32, #tpu.memory_space<vmem_shared>>)
      %scan3A_644 = arith.constant 0 : i32
      scf.yield %scan3A_644 : i32
    }
    %scan3A_381 = arith.constant 128 : i32
    %mul3A_382 = arith.constant 2 : i32
    %mul3A_383 = arith.muli %mul3A_382, %add3A_25 : i32
    %dma_start3A_384 = arith.constant 0 : i32
    %dma_start3A_385 = tpu.memref_slice %arg2[%mul3A_383, %dma_start3A_384] : memref<50000x128xi32, #tpu.memory_space<hbm>> -> memref<128x128xi32, #tpu.memory_space<hbm>>
    %dma_start3A_386 = arith.constant 0 : i32
    %dma_start3A_387 = tpu.memref_slice %arg2[%mul3A_383, %dma_start3A_386] : memref<50000x128xi32, #tpu.memory_space<hbm>> -> memref<128x128xi32, #tpu.memory_space<hbm>>
    tpu.enqueue_dma source(%dma_start3A_387 : memref<128x128xi32, #tpu.memory_space<hbm>>) target(%arg7 : memref<128x128xi32, #tpu.memory_space<vmem>>) target_semaphore(%arg22 : memref<!tpu.dma_semaphore, #tpu.memory_space<semaphore_mem>>)
    %dma_start3A_388 = arith.constant 0 : i32
    %dma_start3A_389 = tpu.memref_slice %arg3[%add3A_25, %dma_start3A_388] : memref<25000x128xf32, #tpu.memory_space<hbm>> -> memref<64x128xf32, #tpu.memory_space<hbm>>
    %dma_start3A_390 = arith.constant 0 : i32
    %dma_start3A_391 = tpu.memref_slice %arg3[%add3A_25, %dma_start3A_390] : memref<25000x128xf32, #tpu.memory_space<hbm>> -> memref<64x128xf32, #tpu.memory_space<hbm>>
    tpu.enqueue_dma source(%dma_start3A_391 : memref<64x128xf32, #tpu.memory_space<hbm>>) target(%arg8 : memref<64x128xf32, #tpu.memory_space<vmem>>) target_semaphore(%arg22 : memref<!tpu.dma_semaphore, #tpu.memory_space<semaphore_mem>>)
    %dma_start3A_392 = arith.constant 0 : i32
    %dma_start3A_393 = tpu.memref_slice %arg4[%add3A_25, %dma_start3A_392] : memref<25000x128xf32, #tpu.memory_space<hbm>> -> memref<64x128xf32, #tpu.memory_space<hbm>>
    %dma_start3A_394 = arith.constant 0 : i32
    %dma_start3A_395 = tpu.memref_slice %arg4[%add3A_25, %dma_start3A_394] : memref<25000x128xf32, #tpu.memory_space<hbm>> -> memref<64x128xf32, #tpu.memory_space<hbm>>
    tpu.enqueue_dma source(%dma_start3A_395 : memref<64x128xf32, #tpu.memory_space<hbm>>) target(%arg9 : memref<64x128xf32, #tpu.memory_space<vmem>>) target_semaphore(%arg22 : memref<!tpu.dma_semaphore, #tpu.memory_space<semaphore_mem>>)
    %scan3A_396 = arith.constant 0 : i32
    %scan3A_397 = arith.constant 0 : i32
    %scan3A_398 = arith.constant 64 : i32
    %scan3A_399 = arith.addi %scan3A_397, %scan3A_398 : i32
    %scan3A_400 = arith.constant 1 : i32
    %scan3A_401 = scf.for %scan3A_632 = %scan3A_397 to %scan3A_399 step %scan3A_400 iter_args(%scan3A_633 = %scan3A_396) -> (i32)  : i32 {
      %mul3A_634 = arith.constant 2 : i32
      %mul3A_635 = arith.muli %mul3A_634, %scan3A_632 : i32
      %dma_start3A_636 = arith.constant 0 : i32
      %dma_start3A_637 = tpu.memref_slice %arg11[%scan3A_632, %dma_start3A_636] : memref<64x128xf32, #tpu.memory_space<vmem>> -> memref<1x128xf32, #tpu.memory_space<vmem>>
      %dma_start3A_638 = tpu.memref_squeeze %dma_start3A_637 : memref<1x128xf32, #tpu.memory_space<vmem>> -> memref<128xf32, #tpu.memory_space<vmem>>
      %dma_start3A_639 = arith.constant 0 : i32
      %dma_start3A_640 = tpu.memref_slice %arg10[%mul3A_635, %dma_start3A_639] : memref<128x128xi32, #tpu.memory_space<vmem>> -> memref<1x128xi32, #tpu.memory_space<vmem>>
      %dma_start3A_641 = tpu.memref_squeeze %dma_start3A_640 : memref<1x128xi32, #tpu.memory_space<vmem>> -> memref<128xi32, #tpu.memory_space<vmem>>
      %dma_start3A_642 = arith.constant 0 : i32
      %dma_start3A_643 = tpu.memref_slice %arg20[%dma_start3A_642] : memref<100352xf32, #tpu.memory_space<vmem_shared>> -> memref<100352xf32, #tpu.memory_space<vmem_shared>>
      tpu.enqueue_indirect_dma source(%dma_start3A_638 : memref<128xf32, #tpu.memory_space<vmem>>) target(%dma_start3A_643 : memref<100352xf32, #tpu.memory_space<vmem_shared>>) offsets(%dma_start3A_641 : memref<128xi32, #tpu.memory_space<vmem>>) semaphore(%arg23 : memref<!tpu.dma_semaphore, #tpu.memory_space<semaphore_mem>>) {add = true}
      %mul3A_644 = arith.constant 2 : i32
      %mul3A_645 = arith.muli %mul3A_644, %scan3A_632 : i32
      %dma_start3A_646 = arith.constant 0 : i32
      %dma_start3A_647 = tpu.memref_slice %arg12[%scan3A_632, %dma_start3A_646] : memref<64x128xf32, #tpu.memory_space<vmem>> -> memref<1x128xf32, #tpu.memory_space<vmem>>
      %dma_start3A_648 = tpu.memref_squeeze %dma_start3A_647 : memref<1x128xf32, #tpu.memory_space<vmem>> -> memref<128xf32, #tpu.memory_space<vmem>>
      %dma_start3A_649 = arith.constant 0 : i32
      %dma_start3A_650 = tpu.memref_slice %arg10[%mul3A_645, %dma_start3A_649] : memref<128x128xi32, #tpu.memory_space<vmem>> -> memref<1x128xi32, #tpu.memory_space<vmem>>
      %dma_start3A_651 = tpu.memref_squeeze %dma_start3A_650 : memref<1x128xi32, #tpu.memory_space<vmem>> -> memref<128xi32, #tpu.memory_space<vmem>>
      %dma_start3A_652 = arith.constant 0 : i32
      %dma_start3A_653 = tpu.memref_slice %arg21[%dma_start3A_652] : memref<100352xf32, #tpu.memory_space<vmem_shared>> -> memref<100352xf32, #tpu.memory_space<vmem_shared>>
      tpu.enqueue_indirect_dma source(%dma_start3A_648 : memref<128xf32, #tpu.memory_space<vmem>>) target(%dma_start3A_653 : memref<100352xf32, #tpu.memory_space<vmem_shared>>) offsets(%dma_start3A_651 : memref<128xi32, #tpu.memory_space<vmem>>) semaphore(%arg23 : memref<!tpu.dma_semaphore, #tpu.memory_space<semaphore_mem>>) {add = true}
      %scan3A_654 = arith.constant 0 : i32
      scf.yield %scan3A_654 : i32
    }
    %scan3A_402 = arith.constant 64 : i32
    %mul3A_403 = arith.constant 2 : i32
    %mul3A_404 = arith.muli %mul3A_403, %add3A_25 : i32
    %dma_wait3A_405 = arith.constant 0 : i32
    %dma_wait3A_406 = tpu.memref_slice %arg2[%mul3A_404, %dma_wait3A_405] : memref<50000x128xi32, #tpu.memory_space<hbm>> -> memref<128x128xi32, #tpu.memory_space<hbm>>
    %dma_wait3A_407 = arith.constant 0 : i32
    %dma_wait3A_408 = tpu.memref_slice %arg2[%mul3A_404, %dma_wait3A_407] : memref<50000x128xi32, #tpu.memory_space<hbm>> -> memref<128x128xi32, #tpu.memory_space<hbm>>
    tpu.wait_dma2 semaphore(%arg22 : memref<!tpu.dma_semaphore, #tpu.memory_space<semaphore_mem>>) src(%dma_wait3A_408 : memref<128x128xi32, #tpu.memory_space<hbm>>) dst(%arg7 : memref<128x128xi32, #tpu.memory_space<vmem>>)
    %dma_wait3A_409 = arith.constant 0 : i32
    %dma_wait3A_410 = tpu.memref_slice %arg3[%add3A_25, %dma_wait3A_409] : memref<25000x128xf32, #tpu.memory_space<hbm>> -> memref<64x128xf32, #tpu.memory_space<hbm>>
    %dma_wait3A_411 = arith.constant 0 : i32
    %dma_wait3A_412 = tpu.memref_slice %arg3[%add3A_25, %dma_wait3A_411] : memref<25000x128xf32, #tpu.memory_space<hbm>> -> memref<64x128xf32, #tpu.memory_space<hbm>>
    tpu.wait_dma2 semaphore(%arg22 : memref<!tpu.dma_semaphore, #tpu.memory_space<semaphore_mem>>) src(%dma_wait3A_412 : memref<64x128xf32, #tpu.memory_space<hbm>>) dst(%arg8 : memref<64x128xf32, #tpu.memory_space<vmem>>)
    %dma_wait3A_413 = arith.constant 0 : i32
    %dma_wait3A_414 = tpu.memref_slice %arg4[%add3A_25, %dma_wait3A_413] : memref<25000x128xf32, #tpu.memory_space<hbm>> -> memref<64x128xf32, #tpu.memory_space<hbm>>
    %dma_wait3A_415 = arith.constant 0 : i32
    %dma_wait3A_416 = tpu.memref_slice %arg4[%add3A_25, %dma_wait3A_415] : memref<25000x128xf32, #tpu.memory_space<hbm>> -> memref<64x128xf32, #tpu.memory_space<hbm>>
    tpu.wait_dma2 semaphore(%arg22 : memref<!tpu.dma_semaphore, #tpu.memory_space<semaphore_mem>>) src(%dma_wait3A_416 : memref<64x128xf32, #tpu.memory_space<hbm>>) dst(%arg9 : memref<64x128xf32, #tpu.memory_space<vmem>>)
    %scan3A_417 = arith.constant 0 : i32
    %scan3A_418 = arith.constant 0 : i32
    %scan3A_419 = arith.constant 128 : i32
    %scan3A_420 = arith.addi %scan3A_418, %scan3A_419 : i32
    %scan3A_421 = arith.constant 1 : i32
    %scan3A_422 = scf.for %scan3A_632 = %scan3A_418 to %scan3A_420 step %scan3A_421 iter_args(%scan3A_633 = %scan3A_417) -> (i32)  : i32 {
      %dma_wait3A_634 = arith.constant 0 : i32
      %dma_wait3A_635 = arith.constant 0 : i32
      %dma_wait3A_636 = arith.constant 0 : i32
      %dma_wait3A_637 = tpu.memref_slice %arg11[%dma_wait3A_634, %dma_wait3A_636] : memref<64x128xf32, #tpu.memory_space<vmem>> -> memref<1x128xf32, #tpu.memory_space<vmem>>
      %dma_wait3A_638 = tpu.memref_squeeze %dma_wait3A_637 : memref<1x128xf32, #tpu.memory_space<vmem>> -> memref<128xf32, #tpu.memory_space<vmem>>
      %dma_wait3A_639 = arith.constant 0 : i32
      %dma_wait3A_640 = tpu.memref_slice %arg10[%dma_wait3A_635, %dma_wait3A_639] : memref<128x128xi32, #tpu.memory_space<vmem>> -> memref<1x128xi32, #tpu.memory_space<vmem>>
      %dma_wait3A_641 = tpu.memref_squeeze %dma_wait3A_640 : memref<1x128xi32, #tpu.memory_space<vmem>> -> memref<128xi32, #tpu.memory_space<vmem>>
      %dma_wait3A_642 = arith.constant 0 : i32
      %dma_wait3A_643 = tpu.memref_slice %arg20[%dma_wait3A_642] : memref<100352xf32, #tpu.memory_space<vmem_shared>> -> memref<100352xf32, #tpu.memory_space<vmem_shared>>
      tpu.wait_indirect_dma semaphore(%arg23 : memref<!tpu.dma_semaphore, #tpu.memory_space<semaphore_mem>>) src(%dma_wait3A_638 : memref<128xf32, #tpu.memory_space<vmem>>) dst(%dma_wait3A_643 : memref<100352xf32, #tpu.memory_space<vmem_shared>>)
      %scan3A_644 = arith.constant 0 : i32
      scf.yield %scan3A_644 : i32
    }
    %scan3A_423 = arith.constant 128 : i32
    %mul3A_424 = arith.constant 2 : i32
    %mul3A_425 = arith.muli %mul3A_424, %add3A_27 : i32
    %dma_start3A_426 = arith.constant 0 : i32
    %dma_start3A_427 = tpu.memref_slice %arg2[%mul3A_425, %dma_start3A_426] : memref<50000x128xi32, #tpu.memory_space<hbm>> -> memref<128x128xi32, #tpu.memory_space<hbm>>
    %dma_start3A_428 = arith.constant 0 : i32
    %dma_start3A_429 = tpu.memref_slice %arg2[%mul3A_425, %dma_start3A_428] : memref<50000x128xi32, #tpu.memory_space<hbm>> -> memref<128x128xi32, #tpu.memory_space<hbm>>
    tpu.enqueue_dma source(%dma_start3A_429 : memref<128x128xi32, #tpu.memory_space<hbm>>) target(%arg10 : memref<128x128xi32, #tpu.memory_space<vmem>>) target_semaphore(%arg22 : memref<!tpu.dma_semaphore, #tpu.memory_space<semaphore_mem>>)
    %dma_start3A_430 = arith.constant 0 : i32
    %dma_start3A_431 = tpu.memref_slice %arg3[%add3A_27, %dma_start3A_430] : memref<25000x128xf32, #tpu.memory_space<hbm>> -> memref<64x128xf32, #tpu.memory_space<hbm>>
    %dma_start3A_432 = arith.constant 0 : i32
    %dma_start3A_433 = tpu.memref_slice %arg3[%add3A_27, %dma_start3A_432] : memref<25000x128xf32, #tpu.memory_space<hbm>> -> memref<64x128xf32, #tpu.memory_space<hbm>>
    tpu.enqueue_dma source(%dma_start3A_433 : memref<64x128xf32, #tpu.memory_space<hbm>>) target(%arg11 : memref<64x128xf32, #tpu.memory_space<vmem>>) target_semaphore(%arg22 : memref<!tpu.dma_semaphore, #tpu.memory_space<semaphore_mem>>)
    %dma_start3A_434 = arith.constant 0 : i32
    %dma_start3A_435 = tpu.memref_slice %arg4[%add3A_27, %dma_start3A_434] : memref<25000x128xf32, #tpu.memory_space<hbm>> -> memref<64x128xf32, #tpu.memory_space<hbm>>
    %dma_start3A_436 = arith.constant 0 : i32
    %dma_start3A_437 = tpu.memref_slice %arg4[%add3A_27, %dma_start3A_436] : memref<25000x128xf32, #tpu.memory_space<hbm>> -> memref<64x128xf32, #tpu.memory_space<hbm>>
    tpu.enqueue_dma source(%dma_start3A_437 : memref<64x128xf32, #tpu.memory_space<hbm>>) target(%arg12 : memref<64x128xf32, #tpu.memory_space<vmem>>) target_semaphore(%arg22 : memref<!tpu.dma_semaphore, #tpu.memory_space<semaphore_mem>>)
    %scan3A_438 = arith.constant 0 : i32
    %scan3A_439 = arith.constant 0 : i32
    %scan3A_440 = arith.constant 64 : i32
    %scan3A_441 = arith.addi %scan3A_439, %scan3A_440 : i32
    %scan3A_442 = arith.constant 1 : i32
    %scan3A_443 = scf.for %scan3A_632 = %scan3A_439 to %scan3A_441 step %scan3A_442 iter_args(%scan3A_633 = %scan3A_438) -> (i32)  : i32 {
      %mul3A_634 = arith.constant 2 : i32
      %mul3A_635 = arith.muli %mul3A_634, %scan3A_632 : i32
      %dma_start3A_636 = arith.constant 0 : i32
      %dma_start3A_637 = tpu.memref_slice %arg8[%scan3A_632, %dma_start3A_636] : memref<64x128xf32, #tpu.memory_space<vmem>> -> memref<1x128xf32, #tpu.memory_space<vmem>>
      %dma_start3A_638 = tpu.memref_squeeze %dma_start3A_637 : memref<1x128xf32, #tpu.memory_space<vmem>> -> memref<128xf32, #tpu.memory_space<vmem>>
      %dma_start3A_639 = arith.constant 0 : i32
      %dma_start3A_640 = tpu.memref_slice %arg7[%mul3A_635, %dma_start3A_639] : memref<128x128xi32, #tpu.memory_space<vmem>> -> memref<1x128xi32, #tpu.memory_space<vmem>>
      %dma_start3A_641 = tpu.memref_squeeze %dma_start3A_640 : memref<1x128xi32, #tpu.memory_space<vmem>> -> memref<128xi32, #tpu.memory_space<vmem>>
      %dma_start3A_642 = arith.constant 0 : i32
      %dma_start3A_643 = tpu.memref_slice %arg20[%dma_start3A_642] : memref<100352xf32, #tpu.memory_space<vmem_shared>> -> memref<100352xf32, #tpu.memory_space<vmem_shared>>
      tpu.enqueue_indirect_dma source(%dma_start3A_638 : memref<128xf32, #tpu.memory_space<vmem>>) target(%dma_start3A_643 : memref<100352xf32, #tpu.memory_space<vmem_shared>>) offsets(%dma_start3A_641 : memref<128xi32, #tpu.memory_space<vmem>>) semaphore(%arg23 : memref<!tpu.dma_semaphore, #tpu.memory_space<semaphore_mem>>) {add = true}
      %mul3A_644 = arith.constant 2 : i32
      %mul3A_645 = arith.muli %mul3A_644, %scan3A_632 : i32
      %dma_start3A_646 = arith.constant 0 : i32
      %dma_start3A_647 = tpu.memref_slice %arg9[%scan3A_632, %dma_start3A_646] : memref<64x128xf32, #tpu.memory_space<vmem>> -> memref<1x128xf32, #tpu.memory_space<vmem>>
      %dma_start3A_648 = tpu.memref_squeeze %dma_start3A_647 : memref<1x128xf32, #tpu.memory_space<vmem>> -> memref<128xf32, #tpu.memory_space<vmem>>
      %dma_start3A_649 = arith.constant 0 : i32
      %dma_start3A_650 = tpu.memref_slice %arg7[%mul3A_645, %dma_start3A_649] : memref<128x128xi32, #tpu.memory_space<vmem>> -> memref<1x128xi32, #tpu.memory_space<vmem>>
      %dma_start3A_651 = tpu.memref_squeeze %dma_start3A_650 : memref<1x128xi32, #tpu.memory_space<vmem>> -> memref<128xi32, #tpu.memory_space<vmem>>
      %dma_start3A_652 = arith.constant 0 : i32
      %dma_start3A_653 = tpu.memref_slice %arg21[%dma_start3A_652] : memref<100352xf32, #tpu.memory_space<vmem_shared>> -> memref<100352xf32, #tpu.memory_space<vmem_shared>>
      tpu.enqueue_indirect_dma source(%dma_start3A_648 : memref<128xf32, #tpu.memory_space<vmem>>) target(%dma_start3A_653 : memref<100352xf32, #tpu.memory_space<vmem_shared>>) offsets(%dma_start3A_651 : memref<128xi32, #tpu.memory_space<vmem>>) semaphore(%arg23 : memref<!tpu.dma_semaphore, #tpu.memory_space<semaphore_mem>>) {add = true}
      %scan3A_654 = arith.constant 0 : i32
      scf.yield %scan3A_654 : i32
    }
    %scan3A_444 = arith.constant 64 : i32
    %mul3A_445 = arith.constant 2 : i32
    %mul3A_446 = arith.muli %mul3A_445, %add3A_27 : i32
    %dma_wait3A_447 = arith.constant 0 : i32
    %dma_wait3A_448 = tpu.memref_slice %arg2[%mul3A_446, %dma_wait3A_447] : memref<50000x128xi32, #tpu.memory_space<hbm>> -> memref<128x128xi32, #tpu.memory_space<hbm>>
    %dma_wait3A_449 = arith.constant 0 : i32
    %dma_wait3A_450 = tpu.memref_slice %arg2[%mul3A_446, %dma_wait3A_449] : memref<50000x128xi32, #tpu.memory_space<hbm>> -> memref<128x128xi32, #tpu.memory_space<hbm>>
    tpu.wait_dma2 semaphore(%arg22 : memref<!tpu.dma_semaphore, #tpu.memory_space<semaphore_mem>>) src(%dma_wait3A_450 : memref<128x128xi32, #tpu.memory_space<hbm>>) dst(%arg10 : memref<128x128xi32, #tpu.memory_space<vmem>>)
    %dma_wait3A_451 = arith.constant 0 : i32
    %dma_wait3A_452 = tpu.memref_slice %arg3[%add3A_27, %dma_wait3A_451] : memref<25000x128xf32, #tpu.memory_space<hbm>> -> memref<64x128xf32, #tpu.memory_space<hbm>>
    %dma_wait3A_453 = arith.constant 0 : i32
    %dma_wait3A_454 = tpu.memref_slice %arg3[%add3A_27, %dma_wait3A_453] : memref<25000x128xf32, #tpu.memory_space<hbm>> -> memref<64x128xf32, #tpu.memory_space<hbm>>
    tpu.wait_dma2 semaphore(%arg22 : memref<!tpu.dma_semaphore, #tpu.memory_space<semaphore_mem>>) src(%dma_wait3A_454 : memref<64x128xf32, #tpu.memory_space<hbm>>) dst(%arg11 : memref<64x128xf32, #tpu.memory_space<vmem>>)
    %dma_wait3A_455 = arith.constant 0 : i32
    %dma_wait3A_456 = tpu.memref_slice %arg4[%add3A_27, %dma_wait3A_455] : memref<25000x128xf32, #tpu.memory_space<hbm>> -> memref<64x128xf32, #tpu.memory_space<hbm>>
    %dma_wait3A_457 = arith.constant 0 : i32
    %dma_wait3A_458 = tpu.memref_slice %arg4[%add3A_27, %dma_wait3A_457] : memref<25000x128xf32, #tpu.memory_space<hbm>> -> memref<64x128xf32, #tpu.memory_space<hbm>>
    tpu.wait_dma2 semaphore(%arg22 : memref<!tpu.dma_semaphore, #tpu.memory_space<semaphore_mem>>) src(%dma_wait3A_458 : memref<64x128xf32, #tpu.memory_space<hbm>>) dst(%arg12 : memref<64x128xf32, #tpu.memory_space<vmem>>)
    %scan3A_459 = arith.constant 0 : i32
    %scan3A_460 = arith.constant 0 : i32
    %scan3A_461 = arith.constant 128 : i32
    %scan3A_462 = arith.addi %scan3A_460, %scan3A_461 : i32
    %scan3A_463 = arith.constant 1 : i32
    %scan3A_464 = scf.for %scan3A_632 = %scan3A_460 to %scan3A_462 step %scan3A_463 iter_args(%scan3A_633 = %scan3A_459) -> (i32)  : i32 {
      %dma_wait3A_634 = arith.constant 0 : i32
      %dma_wait3A_635 = arith.constant 0 : i32
      %dma_wait3A_636 = arith.constant 0 : i32
      %dma_wait3A_637 = tpu.memref_slice %arg8[%dma_wait3A_634, %dma_wait3A_636] : memref<64x128xf32, #tpu.memory_space<vmem>> -> memref<1x128xf32, #tpu.memory_space<vmem>>
      %dma_wait3A_638 = tpu.memref_squeeze %dma_wait3A_637 : memref<1x128xf32, #tpu.memory_space<vmem>> -> memref<128xf32, #tpu.memory_space<vmem>>
      %dma_wait3A_639 = arith.constant 0 : i32
      %dma_wait3A_640 = tpu.memref_slice %arg7[%dma_wait3A_635, %dma_wait3A_639] : memref<128x128xi32, #tpu.memory_space<vmem>> -> memref<1x128xi32, #tpu.memory_space<vmem>>
      %dma_wait3A_641 = tpu.memref_squeeze %dma_wait3A_640 : memref<1x128xi32, #tpu.memory_space<vmem>> -> memref<128xi32, #tpu.memory_space<vmem>>
      %dma_wait3A_642 = arith.constant 0 : i32
      %dma_wait3A_643 = tpu.memref_slice %arg20[%dma_wait3A_642] : memref<100352xf32, #tpu.memory_space<vmem_shared>> -> memref<100352xf32, #tpu.memory_space<vmem_shared>>
      tpu.wait_indirect_dma semaphore(%arg23 : memref<!tpu.dma_semaphore, #tpu.memory_space<semaphore_mem>>) src(%dma_wait3A_638 : memref<128xf32, #tpu.memory_space<vmem>>) dst(%dma_wait3A_643 : memref<100352xf32, #tpu.memory_space<vmem_shared>>)
      %scan3A_644 = arith.constant 0 : i32
      scf.yield %scan3A_644 : i32
    }
    %scan3A_465 = arith.constant 128 : i32
    %mul3A_466 = arith.constant 2 : i32
    %mul3A_467 = arith.muli %mul3A_466, %add3A_29 : i32
    %dma_start3A_468 = arith.constant 0 : i32
    %dma_start3A_469 = tpu.memref_slice %arg2[%mul3A_467, %dma_start3A_468] : memref<50000x128xi32, #tpu.memory_space<hbm>> -> memref<128x128xi32, #tpu.memory_space<hbm>>
    %dma_start3A_470 = arith.constant 0 : i32
    %dma_start3A_471 = tpu.memref_slice %arg2[%mul3A_467, %dma_start3A_470] : memref<50000x128xi32, #tpu.memory_space<hbm>> -> memref<128x128xi32, #tpu.memory_space<hbm>>
    tpu.enqueue_dma source(%dma_start3A_471 : memref<128x128xi32, #tpu.memory_space<hbm>>) target(%arg7 : memref<128x128xi32, #tpu.memory_space<vmem>>) target_semaphore(%arg22 : memref<!tpu.dma_semaphore, #tpu.memory_space<semaphore_mem>>)
    %dma_start3A_472 = arith.constant 0 : i32
    %dma_start3A_473 = tpu.memref_slice %arg3[%add3A_29, %dma_start3A_472] : memref<25000x128xf32, #tpu.memory_space<hbm>> -> memref<64x128xf32, #tpu.memory_space<hbm>>
    %dma_start3A_474 = arith.constant 0 : i32
    %dma_start3A_475 = tpu.memref_slice %arg3[%add3A_29, %dma_start3A_474] : memref<25000x128xf32, #tpu.memory_space<hbm>> -> memref<64x128xf32, #tpu.memory_space<hbm>>
    tpu.enqueue_dma source(%dma_start3A_475 : memref<64x128xf32, #tpu.memory_space<hbm>>) target(%arg8 : memref<64x128xf32, #tpu.memory_space<vmem>>) target_semaphore(%arg22 : memref<!tpu.dma_semaphore, #tpu.memory_space<semaphore_mem>>)
    %dma_start3A_476 = arith.constant 0 : i32
    %dma_start3A_477 = tpu.memref_slice %arg4[%add3A_29, %dma_start3A_476] : memref<25000x128xf32, #tpu.memory_space<hbm>> -> memref<64x128xf32, #tpu.memory_space<hbm>>
    %dma_start3A_478 = arith.constant 0 : i32
    %dma_start3A_479 = tpu.memref_slice %arg4[%add3A_29, %dma_start3A_478] : memref<25000x128xf32, #tpu.memory_space<hbm>> -> memref<64x128xf32, #tpu.memory_space<hbm>>
    tpu.enqueue_dma source(%dma_start3A_479 : memref<64x128xf32, #tpu.memory_space<hbm>>) target(%arg9 : memref<64x128xf32, #tpu.memory_space<vmem>>) target_semaphore(%arg22 : memref<!tpu.dma_semaphore, #tpu.memory_space<semaphore_mem>>)
    %scan3A_480 = arith.constant 0 : i32
    %scan3A_481 = arith.constant 0 : i32
    %scan3A_482 = arith.constant 64 : i32
    %scan3A_483 = arith.addi %scan3A_481, %scan3A_482 : i32
    %scan3A_484 = arith.constant 1 : i32
    %scan3A_485 = scf.for %scan3A_632 = %scan3A_481 to %scan3A_483 step %scan3A_484 iter_args(%scan3A_633 = %scan3A_480) -> (i32)  : i32 {
      %mul3A_634 = arith.constant 2 : i32
      %mul3A_635 = arith.muli %mul3A_634, %scan3A_632 : i32
      %dma_start3A_636 = arith.constant 0 : i32
      %dma_start3A_637 = tpu.memref_slice %arg11[%scan3A_632, %dma_start3A_636] : memref<64x128xf32, #tpu.memory_space<vmem>> -> memref<1x128xf32, #tpu.memory_space<vmem>>
      %dma_start3A_638 = tpu.memref_squeeze %dma_start3A_637 : memref<1x128xf32, #tpu.memory_space<vmem>> -> memref<128xf32, #tpu.memory_space<vmem>>
      %dma_start3A_639 = arith.constant 0 : i32
      %dma_start3A_640 = tpu.memref_slice %arg10[%mul3A_635, %dma_start3A_639] : memref<128x128xi32, #tpu.memory_space<vmem>> -> memref<1x128xi32, #tpu.memory_space<vmem>>
      %dma_start3A_641 = tpu.memref_squeeze %dma_start3A_640 : memref<1x128xi32, #tpu.memory_space<vmem>> -> memref<128xi32, #tpu.memory_space<vmem>>
      %dma_start3A_642 = arith.constant 0 : i32
      %dma_start3A_643 = tpu.memref_slice %arg20[%dma_start3A_642] : memref<100352xf32, #tpu.memory_space<vmem_shared>> -> memref<100352xf32, #tpu.memory_space<vmem_shared>>
      tpu.enqueue_indirect_dma source(%dma_start3A_638 : memref<128xf32, #tpu.memory_space<vmem>>) target(%dma_start3A_643 : memref<100352xf32, #tpu.memory_space<vmem_shared>>) offsets(%dma_start3A_641 : memref<128xi32, #tpu.memory_space<vmem>>) semaphore(%arg23 : memref<!tpu.dma_semaphore, #tpu.memory_space<semaphore_mem>>) {add = true}
      %mul3A_644 = arith.constant 2 : i32
      %mul3A_645 = arith.muli %mul3A_644, %scan3A_632 : i32
      %dma_start3A_646 = arith.constant 0 : i32
      %dma_start3A_647 = tpu.memref_slice %arg12[%scan3A_632, %dma_start3A_646] : memref<64x128xf32, #tpu.memory_space<vmem>> -> memref<1x128xf32, #tpu.memory_space<vmem>>
      %dma_start3A_648 = tpu.memref_squeeze %dma_start3A_647 : memref<1x128xf32, #tpu.memory_space<vmem>> -> memref<128xf32, #tpu.memory_space<vmem>>
      %dma_start3A_649 = arith.constant 0 : i32
      %dma_start3A_650 = tpu.memref_slice %arg10[%mul3A_645, %dma_start3A_649] : memref<128x128xi32, #tpu.memory_space<vmem>> -> memref<1x128xi32, #tpu.memory_space<vmem>>
      %dma_start3A_651 = tpu.memref_squeeze %dma_start3A_650 : memref<1x128xi32, #tpu.memory_space<vmem>> -> memref<128xi32, #tpu.memory_space<vmem>>
      %dma_start3A_652 = arith.constant 0 : i32
      %dma_start3A_653 = tpu.memref_slice %arg21[%dma_start3A_652] : memref<100352xf32, #tpu.memory_space<vmem_shared>> -> memref<100352xf32, #tpu.memory_space<vmem_shared>>
      tpu.enqueue_indirect_dma source(%dma_start3A_648 : memref<128xf32, #tpu.memory_space<vmem>>) target(%dma_start3A_653 : memref<100352xf32, #tpu.memory_space<vmem_shared>>) offsets(%dma_start3A_651 : memref<128xi32, #tpu.memory_space<vmem>>) semaphore(%arg23 : memref<!tpu.dma_semaphore, #tpu.memory_space<semaphore_mem>>) {add = true}
      %scan3A_654 = arith.constant 0 : i32
      scf.yield %scan3A_654 : i32
    }
    %scan3A_486 = arith.constant 64 : i32
    %mul3A_487 = arith.constant 2 : i32
    %mul3A_488 = arith.muli %mul3A_487, %add3A_29 : i32
    %dma_wait3A_489 = arith.constant 0 : i32
    %dma_wait3A_490 = tpu.memref_slice %arg2[%mul3A_488, %dma_wait3A_489] : memref<50000x128xi32, #tpu.memory_space<hbm>> -> memref<128x128xi32, #tpu.memory_space<hbm>>
    %dma_wait3A_491 = arith.constant 0 : i32
    %dma_wait3A_492 = tpu.memref_slice %arg2[%mul3A_488, %dma_wait3A_491] : memref<50000x128xi32, #tpu.memory_space<hbm>> -> memref<128x128xi32, #tpu.memory_space<hbm>>
    tpu.wait_dma2 semaphore(%arg22 : memref<!tpu.dma_semaphore, #tpu.memory_space<semaphore_mem>>) src(%dma_wait3A_492 : memref<128x128xi32, #tpu.memory_space<hbm>>) dst(%arg7 : memref<128x128xi32, #tpu.memory_space<vmem>>)
    %dma_wait3A_493 = arith.constant 0 : i32
    %dma_wait3A_494 = tpu.memref_slice %arg3[%add3A_29, %dma_wait3A_493] : memref<25000x128xf32, #tpu.memory_space<hbm>> -> memref<64x128xf32, #tpu.memory_space<hbm>>
    %dma_wait3A_495 = arith.constant 0 : i32
    %dma_wait3A_496 = tpu.memref_slice %arg3[%add3A_29, %dma_wait3A_495] : memref<25000x128xf32, #tpu.memory_space<hbm>> -> memref<64x128xf32, #tpu.memory_space<hbm>>
    tpu.wait_dma2 semaphore(%arg22 : memref<!tpu.dma_semaphore, #tpu.memory_space<semaphore_mem>>) src(%dma_wait3A_496 : memref<64x128xf32, #tpu.memory_space<hbm>>) dst(%arg8 : memref<64x128xf32, #tpu.memory_space<vmem>>)
    %dma_wait3A_497 = arith.constant 0 : i32
    %dma_wait3A_498 = tpu.memref_slice %arg4[%add3A_29, %dma_wait3A_497] : memref<25000x128xf32, #tpu.memory_space<hbm>> -> memref<64x128xf32, #tpu.memory_space<hbm>>
    %dma_wait3A_499 = arith.constant 0 : i32
    %dma_wait3A_500 = tpu.memref_slice %arg4[%add3A_29, %dma_wait3A_499] : memref<25000x128xf32, #tpu.memory_space<hbm>> -> memref<64x128xf32, #tpu.memory_space<hbm>>
    tpu.wait_dma2 semaphore(%arg22 : memref<!tpu.dma_semaphore, #tpu.memory_space<semaphore_mem>>) src(%dma_wait3A_500 : memref<64x128xf32, #tpu.memory_space<hbm>>) dst(%arg9 : memref<64x128xf32, #tpu.memory_space<vmem>>)
    %scan3A_501 = arith.constant 0 : i32
    %scan3A_502 = arith.constant 0 : i32
    %scan3A_503 = arith.constant 128 : i32
    %scan3A_504 = arith.addi %scan3A_502, %scan3A_503 : i32
    %scan3A_505 = arith.constant 1 : i32
    %scan3A_506 = scf.for %scan3A_632 = %scan3A_502 to %scan3A_504 step %scan3A_505 iter_args(%scan3A_633 = %scan3A_501) -> (i32)  : i32 {
      %dma_wait3A_634 = arith.constant 0 : i32
      %dma_wait3A_635 = arith.constant 0 : i32
      %dma_wait3A_636 = arith.constant 0 : i32
      %dma_wait3A_637 = tpu.memref_slice %arg11[%dma_wait3A_634, %dma_wait3A_636] : memref<64x128xf32, #tpu.memory_space<vmem>> -> memref<1x128xf32, #tpu.memory_space<vmem>>
      %dma_wait3A_638 = tpu.memref_squeeze %dma_wait3A_637 : memref<1x128xf32, #tpu.memory_space<vmem>> -> memref<128xf32, #tpu.memory_space<vmem>>
      %dma_wait3A_639 = arith.constant 0 : i32
      %dma_wait3A_640 = tpu.memref_slice %arg10[%dma_wait3A_635, %dma_wait3A_639] : memref<128x128xi32, #tpu.memory_space<vmem>> -> memref<1x128xi32, #tpu.memory_space<vmem>>
      %dma_wait3A_641 = tpu.memref_squeeze %dma_wait3A_640 : memref<1x128xi32, #tpu.memory_space<vmem>> -> memref<128xi32, #tpu.memory_space<vmem>>
      %dma_wait3A_642 = arith.constant 0 : i32
      %dma_wait3A_643 = tpu.memref_slice %arg20[%dma_wait3A_642] : memref<100352xf32, #tpu.memory_space<vmem_shared>> -> memref<100352xf32, #tpu.memory_space<vmem_shared>>
      tpu.wait_indirect_dma semaphore(%arg23 : memref<!tpu.dma_semaphore, #tpu.memory_space<semaphore_mem>>) src(%dma_wait3A_638 : memref<128xf32, #tpu.memory_space<vmem>>) dst(%dma_wait3A_643 : memref<100352xf32, #tpu.memory_space<vmem_shared>>)
      %scan3A_644 = arith.constant 0 : i32
      scf.yield %scan3A_644 : i32
    }
    %scan3A_507 = arith.constant 128 : i32
    %mul3A_508 = arith.constant 2 : i32
    %mul3A_509 = arith.muli %mul3A_508, %add3A_31 : i32
    %dma_start3A_510 = arith.constant 0 : i32
    %dma_start3A_511 = tpu.memref_slice %arg2[%mul3A_509, %dma_start3A_510] : memref<50000x128xi32, #tpu.memory_space<hbm>> -> memref<128x128xi32, #tpu.memory_space<hbm>>
    %dma_start3A_512 = arith.constant 0 : i32
    %dma_start3A_513 = tpu.memref_slice %arg2[%mul3A_509, %dma_start3A_512] : memref<50000x128xi32, #tpu.memory_space<hbm>> -> memref<128x128xi32, #tpu.memory_space<hbm>>
    tpu.enqueue_dma source(%dma_start3A_513 : memref<128x128xi32, #tpu.memory_space<hbm>>) target(%arg10 : memref<128x128xi32, #tpu.memory_space<vmem>>) target_semaphore(%arg22 : memref<!tpu.dma_semaphore, #tpu.memory_space<semaphore_mem>>)
    %dma_start3A_514 = arith.constant 0 : i32
    %dma_start3A_515 = tpu.memref_slice %arg3[%add3A_31, %dma_start3A_514] : memref<25000x128xf32, #tpu.memory_space<hbm>> -> memref<64x128xf32, #tpu.memory_space<hbm>>
    %dma_start3A_516 = arith.constant 0 : i32
    %dma_start3A_517 = tpu.memref_slice %arg3[%add3A_31, %dma_start3A_516] : memref<25000x128xf32, #tpu.memory_space<hbm>> -> memref<64x128xf32, #tpu.memory_space<hbm>>
    tpu.enqueue_dma source(%dma_start3A_517 : memref<64x128xf32, #tpu.memory_space<hbm>>) target(%arg11 : memref<64x128xf32, #tpu.memory_space<vmem>>) target_semaphore(%arg22 : memref<!tpu.dma_semaphore, #tpu.memory_space<semaphore_mem>>)
    %dma_start3A_518 = arith.constant 0 : i32
    %dma_start3A_519 = tpu.memref_slice %arg4[%add3A_31, %dma_start3A_518] : memref<25000x128xf32, #tpu.memory_space<hbm>> -> memref<64x128xf32, #tpu.memory_space<hbm>>
    %dma_start3A_520 = arith.constant 0 : i32
    %dma_start3A_521 = tpu.memref_slice %arg4[%add3A_31, %dma_start3A_520] : memref<25000x128xf32, #tpu.memory_space<hbm>> -> memref<64x128xf32, #tpu.memory_space<hbm>>
    tpu.enqueue_dma source(%dma_start3A_521 : memref<64x128xf32, #tpu.memory_space<hbm>>) target(%arg12 : memref<64x128xf32, #tpu.memory_space<vmem>>) target_semaphore(%arg22 : memref<!tpu.dma_semaphore, #tpu.memory_space<semaphore_mem>>)
    %scan3A_522 = arith.constant 0 : i32
    %scan3A_523 = arith.constant 0 : i32
    %scan3A_524 = arith.constant 64 : i32
    %scan3A_525 = arith.addi %scan3A_523, %scan3A_524 : i32
    %scan3A_526 = arith.constant 1 : i32
    %scan3A_527 = scf.for %scan3A_632 = %scan3A_523 to %scan3A_525 step %scan3A_526 iter_args(%scan3A_633 = %scan3A_522) -> (i32)  : i32 {
      %mul3A_634 = arith.constant 2 : i32
      %mul3A_635 = arith.muli %mul3A_634, %scan3A_632 : i32
      %dma_start3A_636 = arith.constant 0 : i32
      %dma_start3A_637 = tpu.memref_slice %arg8[%scan3A_632, %dma_start3A_636] : memref<64x128xf32, #tpu.memory_space<vmem>> -> memref<1x128xf32, #tpu.memory_space<vmem>>
      %dma_start3A_638 = tpu.memref_squeeze %dma_start3A_637 : memref<1x128xf32, #tpu.memory_space<vmem>> -> memref<128xf32, #tpu.memory_space<vmem>>
      %dma_start3A_639 = arith.constant 0 : i32
      %dma_start3A_640 = tpu.memref_slice %arg7[%mul3A_635, %dma_start3A_639] : memref<128x128xi32, #tpu.memory_space<vmem>> -> memref<1x128xi32, #tpu.memory_space<vmem>>
      %dma_start3A_641 = tpu.memref_squeeze %dma_start3A_640 : memref<1x128xi32, #tpu.memory_space<vmem>> -> memref<128xi32, #tpu.memory_space<vmem>>
      %dma_start3A_642 = arith.constant 0 : i32
      %dma_start3A_643 = tpu.memref_slice %arg20[%dma_start3A_642] : memref<100352xf32, #tpu.memory_space<vmem_shared>> -> memref<100352xf32, #tpu.memory_space<vmem_shared>>
      tpu.enqueue_indirect_dma source(%dma_start3A_638 : memref<128xf32, #tpu.memory_space<vmem>>) target(%dma_start3A_643 : memref<100352xf32, #tpu.memory_space<vmem_shared>>) offsets(%dma_start3A_641 : memref<128xi32, #tpu.memory_space<vmem>>) semaphore(%arg23 : memref<!tpu.dma_semaphore, #tpu.memory_space<semaphore_mem>>) {add = true}
      %mul3A_644 = arith.constant 2 : i32
      %mul3A_645 = arith.muli %mul3A_644, %scan3A_632 : i32
      %dma_start3A_646 = arith.constant 0 : i32
      %dma_start3A_647 = tpu.memref_slice %arg9[%scan3A_632, %dma_start3A_646] : memref<64x128xf32, #tpu.memory_space<vmem>> -> memref<1x128xf32, #tpu.memory_space<vmem>>
      %dma_start3A_648 = tpu.memref_squeeze %dma_start3A_647 : memref<1x128xf32, #tpu.memory_space<vmem>> -> memref<128xf32, #tpu.memory_space<vmem>>
      %dma_start3A_649 = arith.constant 0 : i32
      %dma_start3A_650 = tpu.memref_slice %arg7[%mul3A_645, %dma_start3A_649] : memref<128x128xi32, #tpu.memory_space<vmem>> -> memref<1x128xi32, #tpu.memory_space<vmem>>
      %dma_start3A_651 = tpu.memref_squeeze %dma_start3A_650 : memref<1x128xi32, #tpu.memory_space<vmem>> -> memref<128xi32, #tpu.memory_space<vmem>>
      %dma_start3A_652 = arith.constant 0 : i32
      %dma_start3A_653 = tpu.memref_slice %arg21[%dma_start3A_652] : memref<100352xf32, #tpu.memory_space<vmem_shared>> -> memref<100352xf32, #tpu.memory_space<vmem_shared>>
      tpu.enqueue_indirect_dma source(%dma_start3A_648 : memref<128xf32, #tpu.memory_space<vmem>>) target(%dma_start3A_653 : memref<100352xf32, #tpu.memory_space<vmem_shared>>) offsets(%dma_start3A_651 : memref<128xi32, #tpu.memory_space<vmem>>) semaphore(%arg23 : memref<!tpu.dma_semaphore, #tpu.memory_space<semaphore_mem>>) {add = true}
      %scan3A_654 = arith.constant 0 : i32
      scf.yield %scan3A_654 : i32
    }
    %scan3A_528 = arith.constant 64 : i32
    %mul3A_529 = arith.constant 2 : i32
    %mul3A_530 = arith.muli %mul3A_529, %add3A_31 : i32
    %dma_wait3A_531 = arith.constant 0 : i32
    %dma_wait3A_532 = tpu.memref_slice %arg2[%mul3A_530, %dma_wait3A_531] : memref<50000x128xi32, #tpu.memory_space<hbm>> -> memref<128x128xi32, #tpu.memory_space<hbm>>
    %dma_wait3A_533 = arith.constant 0 : i32
    %dma_wait3A_534 = tpu.memref_slice %arg2[%mul3A_530, %dma_wait3A_533] : memref<50000x128xi32, #tpu.memory_space<hbm>> -> memref<128x128xi32, #tpu.memory_space<hbm>>
    tpu.wait_dma2 semaphore(%arg22 : memref<!tpu.dma_semaphore, #tpu.memory_space<semaphore_mem>>) src(%dma_wait3A_534 : memref<128x128xi32, #tpu.memory_space<hbm>>) dst(%arg10 : memref<128x128xi32, #tpu.memory_space<vmem>>)
    %dma_wait3A_535 = arith.constant 0 : i32
    %dma_wait3A_536 = tpu.memref_slice %arg3[%add3A_31, %dma_wait3A_535] : memref<25000x128xf32, #tpu.memory_space<hbm>> -> memref<64x128xf32, #tpu.memory_space<hbm>>
    %dma_wait3A_537 = arith.constant 0 : i32
    %dma_wait3A_538 = tpu.memref_slice %arg3[%add3A_31, %dma_wait3A_537] : memref<25000x128xf32, #tpu.memory_space<hbm>> -> memref<64x128xf32, #tpu.memory_space<hbm>>
    tpu.wait_dma2 semaphore(%arg22 : memref<!tpu.dma_semaphore, #tpu.memory_space<semaphore_mem>>) src(%dma_wait3A_538 : memref<64x128xf32, #tpu.memory_space<hbm>>) dst(%arg11 : memref<64x128xf32, #tpu.memory_space<vmem>>)
    %dma_wait3A_539 = arith.constant 0 : i32
    %dma_wait3A_540 = tpu.memref_slice %arg4[%add3A_31, %dma_wait3A_539] : memref<25000x128xf32, #tpu.memory_space<hbm>> -> memref<64x128xf32, #tpu.memory_space<hbm>>
    %dma_wait3A_541 = arith.constant 0 : i32
    %dma_wait3A_542 = tpu.memref_slice %arg4[%add3A_31, %dma_wait3A_541] : memref<25000x128xf32, #tpu.memory_space<hbm>> -> memref<64x128xf32, #tpu.memory_space<hbm>>
    tpu.wait_dma2 semaphore(%arg22 : memref<!tpu.dma_semaphore, #tpu.memory_space<semaphore_mem>>) src(%dma_wait3A_542 : memref<64x128xf32, #tpu.memory_space<hbm>>) dst(%arg12 : memref<64x128xf32, #tpu.memory_space<vmem>>)
    %scan3A_543 = arith.constant 0 : i32
    %scan3A_544 = arith.constant 0 : i32
    %scan3A_545 = arith.constant 128 : i32
    %scan3A_546 = arith.addi %scan3A_544, %scan3A_545 : i32
    %scan3A_547 = arith.constant 1 : i32
    %scan3A_548 = scf.for %scan3A_632 = %scan3A_544 to %scan3A_546 step %scan3A_547 iter_args(%scan3A_633 = %scan3A_543) -> (i32)  : i32 {
      %dma_wait3A_634 = arith.constant 0 : i32
      %dma_wait3A_635 = arith.constant 0 : i32
      %dma_wait3A_636 = arith.constant 0 : i32
      %dma_wait3A_637 = tpu.memref_slice %arg8[%dma_wait3A_634, %dma_wait3A_636] : memref<64x128xf32, #tpu.memory_space<vmem>> -> memref<1x128xf32, #tpu.memory_space<vmem>>
      %dma_wait3A_638 = tpu.memref_squeeze %dma_wait3A_637 : memref<1x128xf32, #tpu.memory_space<vmem>> -> memref<128xf32, #tpu.memory_space<vmem>>
      %dma_wait3A_639 = arith.constant 0 : i32
      %dma_wait3A_640 = tpu.memref_slice %arg7[%dma_wait3A_635, %dma_wait3A_639] : memref<128x128xi32, #tpu.memory_space<vmem>> -> memref<1x128xi32, #tpu.memory_space<vmem>>
      %dma_wait3A_641 = tpu.memref_squeeze %dma_wait3A_640 : memref<1x128xi32, #tpu.memory_space<vmem>> -> memref<128xi32, #tpu.memory_space<vmem>>
      %dma_wait3A_642 = arith.constant 0 : i32
      %dma_wait3A_643 = tpu.memref_slice %arg20[%dma_wait3A_642] : memref<100352xf32, #tpu.memory_space<vmem_shared>> -> memref<100352xf32, #tpu.memory_space<vmem_shared>>
      tpu.wait_indirect_dma semaphore(%arg23 : memref<!tpu.dma_semaphore, #tpu.memory_space<semaphore_mem>>) src(%dma_wait3A_638 : memref<128xf32, #tpu.memory_space<vmem>>) dst(%dma_wait3A_643 : memref<100352xf32, #tpu.memory_space<vmem_shared>>)
      %scan3A_644 = arith.constant 0 : i32
      scf.yield %scan3A_644 : i32
    }
    %scan3A_549 = arith.constant 128 : i32
    %mul3A_550 = arith.constant 2 : i32
    %mul3A_551 = arith.muli %mul3A_550, %add3A_33 : i32
    %dma_start3A_552 = arith.constant 0 : i32
    %dma_start3A_553 = tpu.memref_slice %arg2[%mul3A_551, %dma_start3A_552] : memref<50000x128xi32, #tpu.memory_space<hbm>> -> memref<16x128xi32, #tpu.memory_space<hbm>>
    %dma_start3A_554 = arith.constant 0 : i32
    %dma_start3A_555 = tpu.memref_slice %arg2[%mul3A_551, %dma_start3A_554] : memref<50000x128xi32, #tpu.memory_space<hbm>> -> memref<16x128xi32, #tpu.memory_space<hbm>>
    tpu.enqueue_dma source(%dma_start3A_555 : memref<16x128xi32, #tpu.memory_space<hbm>>) target(%arg13 : memref<16x128xi32, #tpu.memory_space<vmem>>) target_semaphore(%arg22 : memref<!tpu.dma_semaphore, #tpu.memory_space<semaphore_mem>>)
    %dma_start3A_556 = arith.constant 0 : i32
    %dma_start3A_557 = tpu.memref_slice %arg3[%add3A_33, %dma_start3A_556] : memref<25000x128xf32, #tpu.memory_space<hbm>> -> memref<8x128xf32, #tpu.memory_space<hbm>>
    %dma_start3A_558 = arith.constant 0 : i32
    %dma_start3A_559 = tpu.memref_slice %arg3[%add3A_33, %dma_start3A_558] : memref<25000x128xf32, #tpu.memory_space<hbm>> -> memref<8x128xf32, #tpu.memory_space<hbm>>
    tpu.enqueue_dma source(%dma_start3A_559 : memref<8x128xf32, #tpu.memory_space<hbm>>) target(%arg14 : memref<8x128xf32, #tpu.memory_space<vmem>>) target_semaphore(%arg22 : memref<!tpu.dma_semaphore, #tpu.memory_space<semaphore_mem>>)
    %dma_start3A_560 = arith.constant 0 : i32
    %dma_start3A_561 = tpu.memref_slice %arg4[%add3A_33, %dma_start3A_560] : memref<25000x128xf32, #tpu.memory_space<hbm>> -> memref<8x128xf32, #tpu.memory_space<hbm>>
    %dma_start3A_562 = arith.constant 0 : i32
    %dma_start3A_563 = tpu.memref_slice %arg4[%add3A_33, %dma_start3A_562] : memref<25000x128xf32, #tpu.memory_space<hbm>> -> memref<8x128xf32, #tpu.memory_space<hbm>>
    tpu.enqueue_dma source(%dma_start3A_563 : memref<8x128xf32, #tpu.memory_space<hbm>>) target(%arg15 : memref<8x128xf32, #tpu.memory_space<vmem>>) target_semaphore(%arg22 : memref<!tpu.dma_semaphore, #tpu.memory_space<semaphore_mem>>)
    %scan3A_564 = arith.constant 0 : i32
    %scan3A_565 = arith.constant 0 : i32
    %scan3A_566 = arith.constant 64 : i32
    %scan3A_567 = arith.addi %scan3A_565, %scan3A_566 : i32
    %scan3A_568 = arith.constant 1 : i32
    %scan3A_569 = scf.for %scan3A_632 = %scan3A_565 to %scan3A_567 step %scan3A_568 iter_args(%scan3A_633 = %scan3A_564) -> (i32)  : i32 {
      %mul3A_634 = arith.constant 2 : i32
      %mul3A_635 = arith.muli %mul3A_634, %scan3A_632 : i32
      %dma_start3A_636 = arith.constant 0 : i32
      %dma_start3A_637 = tpu.memref_slice %arg11[%scan3A_632, %dma_start3A_636] : memref<64x128xf32, #tpu.memory_space<vmem>> -> memref<1x128xf32, #tpu.memory_space<vmem>>
      %dma_start3A_638 = tpu.memref_squeeze %dma_start3A_637 : memref<1x128xf32, #tpu.memory_space<vmem>> -> memref<128xf32, #tpu.memory_space<vmem>>
      %dma_start3A_639 = arith.constant 0 : i32
      %dma_start3A_640 = tpu.memref_slice %arg10[%mul3A_635, %dma_start3A_639] : memref<128x128xi32, #tpu.memory_space<vmem>> -> memref<1x128xi32, #tpu.memory_space<vmem>>
      %dma_start3A_641 = tpu.memref_squeeze %dma_start3A_640 : memref<1x128xi32, #tpu.memory_space<vmem>> -> memref<128xi32, #tpu.memory_space<vmem>>
      %dma_start3A_642 = arith.constant 0 : i32
      %dma_start3A_643 = tpu.memref_slice %arg20[%dma_start3A_642] : memref<100352xf32, #tpu.memory_space<vmem_shared>> -> memref<100352xf32, #tpu.memory_space<vmem_shared>>
      tpu.enqueue_indirect_dma source(%dma_start3A_638 : memref<128xf32, #tpu.memory_space<vmem>>) target(%dma_start3A_643 : memref<100352xf32, #tpu.memory_space<vmem_shared>>) offsets(%dma_start3A_641 : memref<128xi32, #tpu.memory_space<vmem>>) semaphore(%arg23 : memref<!tpu.dma_semaphore, #tpu.memory_space<semaphore_mem>>) {add = true}
      %mul3A_644 = arith.constant 2 : i32
      %mul3A_645 = arith.muli %mul3A_644, %scan3A_632 : i32
      %dma_start3A_646 = arith.constant 0 : i32
      %dma_start3A_647 = tpu.memref_slice %arg12[%scan3A_632, %dma_start3A_646] : memref<64x128xf32, #tpu.memory_space<vmem>> -> memref<1x128xf32, #tpu.memory_space<vmem>>
      %dma_start3A_648 = tpu.memref_squeeze %dma_start3A_647 : memref<1x128xf32, #tpu.memory_space<vmem>> -> memref<128xf32, #tpu.memory_space<vmem>>
      %dma_start3A_649 = arith.constant 0 : i32
      %dma_start3A_650 = tpu.memref_slice %arg10[%mul3A_645, %dma_start3A_649] : memref<128x128xi32, #tpu.memory_space<vmem>> -> memref<1x128xi32, #tpu.memory_space<vmem>>
      %dma_start3A_651 = tpu.memref_squeeze %dma_start3A_650 : memref<1x128xi32, #tpu.memory_space<vmem>> -> memref<128xi32, #tpu.memory_space<vmem>>
      %dma_start3A_652 = arith.constant 0 : i32
      %dma_start3A_653 = tpu.memref_slice %arg21[%dma_start3A_652] : memref<100352xf32, #tpu.memory_space<vmem_shared>> -> memref<100352xf32, #tpu.memory_space<vmem_shared>>
      tpu.enqueue_indirect_dma source(%dma_start3A_648 : memref<128xf32, #tpu.memory_space<vmem>>) target(%dma_start3A_653 : memref<100352xf32, #tpu.memory_space<vmem_shared>>) offsets(%dma_start3A_651 : memref<128xi32, #tpu.memory_space<vmem>>) semaphore(%arg23 : memref<!tpu.dma_semaphore, #tpu.memory_space<semaphore_mem>>) {add = true}
      %scan3A_654 = arith.constant 0 : i32
      scf.yield %scan3A_654 : i32
    }
    %scan3A_570 = arith.constant 64 : i32
    %mul3A_571 = arith.constant 2 : i32
    %mul3A_572 = arith.muli %mul3A_571, %add3A_33 : i32
    %dma_wait3A_573 = arith.constant 0 : i32
    %dma_wait3A_574 = tpu.memref_slice %arg2[%mul3A_572, %dma_wait3A_573] : memref<50000x128xi32, #tpu.memory_space<hbm>> -> memref<16x128xi32, #tpu.memory_space<hbm>>
    %dma_wait3A_575 = arith.constant 0 : i32
    %dma_wait3A_576 = tpu.memref_slice %arg2[%mul3A_572, %dma_wait3A_575] : memref<50000x128xi32, #tpu.memory_space<hbm>> -> memref<16x128xi32, #tpu.memory_space<hbm>>
    tpu.wait_dma2 semaphore(%arg22 : memref<!tpu.dma_semaphore, #tpu.memory_space<semaphore_mem>>) src(%dma_wait3A_576 : memref<16x128xi32, #tpu.memory_space<hbm>>) dst(%arg13 : memref<16x128xi32, #tpu.memory_space<vmem>>)
    %dma_wait3A_577 = arith.constant 0 : i32
    %dma_wait3A_578 = tpu.memref_slice %arg3[%add3A_33, %dma_wait3A_577] : memref<25000x128xf32, #tpu.memory_space<hbm>> -> memref<8x128xf32, #tpu.memory_space<hbm>>
    %dma_wait3A_579 = arith.constant 0 : i32
    %dma_wait3A_580 = tpu.memref_slice %arg3[%add3A_33, %dma_wait3A_579] : memref<25000x128xf32, #tpu.memory_space<hbm>> -> memref<8x128xf32, #tpu.memory_space<hbm>>
    tpu.wait_dma2 semaphore(%arg22 : memref<!tpu.dma_semaphore, #tpu.memory_space<semaphore_mem>>) src(%dma_wait3A_580 : memref<8x128xf32, #tpu.memory_space<hbm>>) dst(%arg14 : memref<8x128xf32, #tpu.memory_space<vmem>>)
    %dma_wait3A_581 = arith.constant 0 : i32
    %dma_wait3A_582 = tpu.memref_slice %arg4[%add3A_33, %dma_wait3A_581] : memref<25000x128xf32, #tpu.memory_space<hbm>> -> memref<8x128xf32, #tpu.memory_space<hbm>>
    %dma_wait3A_583 = arith.constant 0 : i32
    %dma_wait3A_584 = tpu.memref_slice %arg4[%add3A_33, %dma_wait3A_583] : memref<25000x128xf32, #tpu.memory_space<hbm>> -> memref<8x128xf32, #tpu.memory_space<hbm>>
    tpu.wait_dma2 semaphore(%arg22 : memref<!tpu.dma_semaphore, #tpu.memory_space<semaphore_mem>>) src(%dma_wait3A_584 : memref<8x128xf32, #tpu.memory_space<hbm>>) dst(%arg15 : memref<8x128xf32, #tpu.memory_space<vmem>>)
    %scan3A_585 = arith.constant 0 : i32
    %scan3A_586 = arith.constant 0 : i32
    %scan3A_587 = arith.constant 128 : i32
    %scan3A_588 = arith.addi %scan3A_586, %scan3A_587 : i32
    %scan3A_589 = arith.constant 1 : i32
    %scan3A_590 = scf.for %scan3A_632 = %scan3A_586 to %scan3A_588 step %scan3A_589 iter_args(%scan3A_633 = %scan3A_585) -> (i32)  : i32 {
      %dma_wait3A_634 = arith.constant 0 : i32
      %dma_wait3A_635 = arith.constant 0 : i32
      %dma_wait3A_636 = arith.constant 0 : i32
      %dma_wait3A_637 = tpu.memref_slice %arg11[%dma_wait3A_634, %dma_wait3A_636] : memref<64x128xf32, #tpu.memory_space<vmem>> -> memref<1x128xf32, #tpu.memory_space<vmem>>
      %dma_wait3A_638 = tpu.memref_squeeze %dma_wait3A_637 : memref<1x128xf32, #tpu.memory_space<vmem>> -> memref<128xf32, #tpu.memory_space<vmem>>
      %dma_wait3A_639 = arith.constant 0 : i32
      %dma_wait3A_640 = tpu.memref_slice %arg10[%dma_wait3A_635, %dma_wait3A_639] : memref<128x128xi32, #tpu.memory_space<vmem>> -> memref<1x128xi32, #tpu.memory_space<vmem>>
      %dma_wait3A_641 = tpu.memref_squeeze %dma_wait3A_640 : memref<1x128xi32, #tpu.memory_space<vmem>> -> memref<128xi32, #tpu.memory_space<vmem>>
      %dma_wait3A_642 = arith.constant 0 : i32
      %dma_wait3A_643 = tpu.memref_slice %arg20[%dma_wait3A_642] : memref<100352xf32, #tpu.memory_space<vmem_shared>> -> memref<100352xf32, #tpu.memory_space<vmem_shared>>
      tpu.wait_indirect_dma semaphore(%arg23 : memref<!tpu.dma_semaphore, #tpu.memory_space<semaphore_mem>>) src(%dma_wait3A_638 : memref<128xf32, #tpu.memory_space<vmem>>) dst(%dma_wait3A_643 : memref<100352xf32, #tpu.memory_space<vmem_shared>>)
      %scan3A_644 = arith.constant 0 : i32
      scf.yield %scan3A_644 : i32
    }
    %scan3A_591 = arith.constant 128 : i32
    %lt3A = arith.constant 21 : i32
    %lt3A_592 = arith.cmpi slt, %add3A, %lt3A : i32
    %convert_element_type3A = arith.extui %lt3A_592 : i1 to i32
    %cond3A = arith.constant 0 : i32
    %cond3A_593 = arith.cmpi ne, %convert_element_type3A, %cond3A : i32
    scf.if %cond3A_593 {
      %mul3A_632 = arith.constant 2 : i32
      %mul3A_633 = arith.muli %mul3A_632, %add3A_37 : i32
      %dma_start3A_634 = arith.constant 0 : i32
      %dma_start3A_635 = tpu.memref_slice %arg2[%mul3A_633, %dma_start3A_634] : memref<50000x128xi32, #tpu.memory_space<hbm>> -> memref<16x128xi32, #tpu.memory_space<hbm>>
      %dma_start3A_636 = arith.constant 0 : i32
      %dma_start3A_637 = tpu.memref_slice %arg2[%mul3A_633, %dma_start3A_636] : memref<50000x128xi32, #tpu.memory_space<hbm>> -> memref<16x128xi32, #tpu.memory_space<hbm>>
      tpu.enqueue_dma source(%dma_start3A_637 : memref<16x128xi32, #tpu.memory_space<hbm>>) target(%arg16 : memref<16x128xi32, #tpu.memory_space<vmem>>) target_semaphore(%arg22 : memref<!tpu.dma_semaphore, #tpu.memory_space<semaphore_mem>>)
      %dma_start3A_638 = arith.constant 0 : i32
      %dma_start3A_639 = tpu.memref_slice %arg3[%add3A_37, %dma_start3A_638] : memref<25000x128xf32, #tpu.memory_space<hbm>> -> memref<8x128xf32, #tpu.memory_space<hbm>>
      %dma_start3A_640 = arith.constant 0 : i32
      %dma_start3A_641 = tpu.memref_slice %arg3[%add3A_37, %dma_start3A_640] : memref<25000x128xf32, #tpu.memory_space<hbm>> -> memref<8x128xf32, #tpu.memory_space<hbm>>
      tpu.enqueue_dma source(%dma_start3A_641 : memref<8x128xf32, #tpu.memory_space<hbm>>) target(%arg17 : memref<8x128xf32, #tpu.memory_space<vmem>>) target_semaphore(%arg22 : memref<!tpu.dma_semaphore, #tpu.memory_space<semaphore_mem>>)
      %dma_start3A_642 = arith.constant 0 : i32
      %dma_start3A_643 = tpu.memref_slice %arg4[%add3A_37, %dma_start3A_642] : memref<25000x128xf32, #tpu.memory_space<hbm>> -> memref<8x128xf32, #tpu.memory_space<hbm>>
      %dma_start3A_644 = arith.constant 0 : i32
      %dma_start3A_645 = tpu.memref_slice %arg4[%add3A_37, %dma_start3A_644] : memref<25000x128xf32, #tpu.memory_space<hbm>> -> memref<8x128xf32, #tpu.memory_space<hbm>>
      tpu.enqueue_dma source(%dma_start3A_645 : memref<8x128xf32, #tpu.memory_space<hbm>>) target(%arg18 : memref<8x128xf32, #tpu.memory_space<vmem>>) target_semaphore(%arg22 : memref<!tpu.dma_semaphore, #tpu.memory_space<semaphore_mem>>)
    } else {
    }
    %scan3A_594 = arith.constant 0 : i32
    %scan3A_595 = arith.constant 0 : i32
    %scan3A_596 = arith.constant 8 : i32
    %scan3A_597 = arith.addi %scan3A_595, %scan3A_596 : i32
    %scan3A_598 = arith.constant 1 : i32
    %scan3A_599 = scf.for %scan3A_632 = %scan3A_595 to %scan3A_597 step %scan3A_598 iter_args(%scan3A_633 = %scan3A_594) -> (i32)  : i32 {
      %mul3A_634 = arith.constant 2 : i32
      %mul3A_635 = arith.muli %mul3A_634, %scan3A_632 : i32
      %dma_start3A_636 = arith.constant 0 : i32
      %dma_start3A_637 = tpu.memref_slice %arg14[%scan3A_632, %dma_start3A_636] : memref<8x128xf32, #tpu.memory_space<vmem>> -> memref<1x128xf32, #tpu.memory_space<vmem>>
      %dma_start3A_638 = tpu.memref_squeeze %dma_start3A_637 : memref<1x128xf32, #tpu.memory_space<vmem>> -> memref<128xf32, #tpu.memory_space<vmem>>
      %dma_start3A_639 = arith.constant 0 : i32
      %dma_start3A_640 = tpu.memref_slice %arg13[%mul3A_635, %dma_start3A_639] : memref<16x128xi32, #tpu.memory_space<vmem>> -> memref<1x128xi32, #tpu.memory_space<vmem>>
      %dma_start3A_641 = tpu.memref_squeeze %dma_start3A_640 : memref<1x128xi32, #tpu.memory_space<vmem>> -> memref<128xi32, #tpu.memory_space<vmem>>
      %dma_start3A_642 = arith.constant 0 : i32
      %dma_start3A_643 = tpu.memref_slice %arg20[%dma_start3A_642] : memref<100352xf32, #tpu.memory_space<vmem_shared>> -> memref<100352xf32, #tpu.memory_space<vmem_shared>>
      tpu.enqueue_indirect_dma source(%dma_start3A_638 : memref<128xf32, #tpu.memory_space<vmem>>) target(%dma_start3A_643 : memref<100352xf32, #tpu.memory_space<vmem_shared>>) offsets(%dma_start3A_641 : memref<128xi32, #tpu.memory_space<vmem>>) semaphore(%arg23 : memref<!tpu.dma_semaphore, #tpu.memory_space<semaphore_mem>>) {add = true}
      %mul3A_644 = arith.constant 2 : i32
      %mul3A_645 = arith.muli %mul3A_644, %scan3A_632 : i32
      %dma_start3A_646 = arith.constant 0 : i32
      %dma_start3A_647 = tpu.memref_slice %arg15[%scan3A_632, %dma_start3A_646] : memref<8x128xf32, #tpu.memory_space<vmem>> -> memref<1x128xf32, #tpu.memory_space<vmem>>
      %dma_start3A_648 = tpu.memref_squeeze %dma_start3A_647 : memref<1x128xf32, #tpu.memory_space<vmem>> -> memref<128xf32, #tpu.memory_space<vmem>>
      %dma_start3A_649 = arith.constant 0 : i32
      %dma_start3A_650 = tpu.memref_slice %arg13[%mul3A_645, %dma_start3A_649] : memref<16x128xi32, #tpu.memory_space<vmem>> -> memref<1x128xi32, #tpu.memory_space<vmem>>
      %dma_start3A_651 = tpu.memref_squeeze %dma_start3A_650 : memref<1x128xi32, #tpu.memory_space<vmem>> -> memref<128xi32, #tpu.memory_space<vmem>>
      %dma_start3A_652 = arith.constant 0 : i32
      %dma_start3A_653 = tpu.memref_slice %arg21[%dma_start3A_652] : memref<100352xf32, #tpu.memory_space<vmem_shared>> -> memref<100352xf32, #tpu.memory_space<vmem_shared>>
      tpu.enqueue_indirect_dma source(%dma_start3A_648 : memref<128xf32, #tpu.memory_space<vmem>>) target(%dma_start3A_653 : memref<100352xf32, #tpu.memory_space<vmem_shared>>) offsets(%dma_start3A_651 : memref<128xi32, #tpu.memory_space<vmem>>) semaphore(%arg23 : memref<!tpu.dma_semaphore, #tpu.memory_space<semaphore_mem>>) {add = true}
      %scan3A_654 = arith.constant 0 : i32
      scf.yield %scan3A_654 : i32
    }
    %scan3A_600 = arith.constant 8 : i32
    %lt3A_601 = arith.constant 21 : i32
    %lt3A_602 = arith.cmpi slt, %add3A, %lt3A_601 : i32
    %convert_element_type3A_603 = arith.extui %lt3A_602 : i1 to i32
    %cond3A_604 = arith.constant 0 : i32
    %cond3A_605 = arith.cmpi ne, %convert_element_type3A_603, %cond3A_604 : i32
    scf.if %cond3A_605 {
      %mul3A_632 = arith.constant 2 : i32
      %mul3A_633 = arith.muli %mul3A_632, %add3A_37 : i32
      %dma_wait3A_634 = arith.constant 0 : i32
      %dma_wait3A_635 = tpu.memref_slice %arg2[%mul3A_633, %dma_wait3A_634] : memref<50000x128xi32, #tpu.memory_space<hbm>> -> memref<16x128xi32, #tpu.memory_space<hbm>>
      %dma_wait3A_636 = arith.constant 0 : i32
      %dma_wait3A_637 = tpu.memref_slice %arg2[%mul3A_633, %dma_wait3A_636] : memref<50000x128xi32, #tpu.memory_space<hbm>> -> memref<16x128xi32, #tpu.memory_space<hbm>>
      tpu.wait_dma2 semaphore(%arg22 : memref<!tpu.dma_semaphore, #tpu.memory_space<semaphore_mem>>) src(%dma_wait3A_637 : memref<16x128xi32, #tpu.memory_space<hbm>>) dst(%arg16 : memref<16x128xi32, #tpu.memory_space<vmem>>)
      %dma_wait3A_638 = arith.constant 0 : i32
      %dma_wait3A_639 = tpu.memref_slice %arg3[%add3A_37, %dma_wait3A_638] : memref<25000x128xf32, #tpu.memory_space<hbm>> -> memref<8x128xf32, #tpu.memory_space<hbm>>
      %dma_wait3A_640 = arith.constant 0 : i32
      %dma_wait3A_641 = tpu.memref_slice %arg3[%add3A_37, %dma_wait3A_640] : memref<25000x128xf32, #tpu.memory_space<hbm>> -> memref<8x128xf32, #tpu.memory_space<hbm>>
      tpu.wait_dma2 semaphore(%arg22 : memref<!tpu.dma_semaphore, #tpu.memory_space<semaphore_mem>>) src(%dma_wait3A_641 : memref<8x128xf32, #tpu.memory_space<hbm>>) dst(%arg17 : memref<8x128xf32, #tpu.memory_space<vmem>>)
      %dma_wait3A_642 = arith.constant 0 : i32
      %dma_wait3A_643 = tpu.memref_slice %arg4[%add3A_37, %dma_wait3A_642] : memref<25000x128xf32, #tpu.memory_space<hbm>> -> memref<8x128xf32, #tpu.memory_space<hbm>>
      %dma_wait3A_644 = arith.constant 0 : i32
      %dma_wait3A_645 = tpu.memref_slice %arg4[%add3A_37, %dma_wait3A_644] : memref<25000x128xf32, #tpu.memory_space<hbm>> -> memref<8x128xf32, #tpu.memory_space<hbm>>
      tpu.wait_dma2 semaphore(%arg22 : memref<!tpu.dma_semaphore, #tpu.memory_space<semaphore_mem>>) src(%dma_wait3A_645 : memref<8x128xf32, #tpu.memory_space<hbm>>) dst(%arg18 : memref<8x128xf32, #tpu.memory_space<vmem>>)
    } else {
    }
    %scan3A_606 = arith.constant 0 : i32
    %scan3A_607 = arith.constant 0 : i32
    %scan3A_608 = arith.constant 16 : i32
    %scan3A_609 = arith.addi %scan3A_607, %scan3A_608 : i32
    %scan3A_610 = arith.constant 1 : i32
    %scan3A_611 = scf.for %scan3A_632 = %scan3A_607 to %scan3A_609 step %scan3A_610 iter_args(%scan3A_633 = %scan3A_606) -> (i32)  : i32 {
      %dma_wait3A_634 = arith.constant 0 : i32
      %dma_wait3A_635 = arith.constant 0 : i32
      %dma_wait3A_636 = arith.constant 0 : i32
      %dma_wait3A_637 = tpu.memref_slice %arg14[%dma_wait3A_634, %dma_wait3A_636] : memref<8x128xf32, #tpu.memory_space<vmem>> -> memref<1x128xf32, #tpu.memory_space<vmem>>
      %dma_wait3A_638 = tpu.memref_squeeze %dma_wait3A_637 : memref<1x128xf32, #tpu.memory_space<vmem>> -> memref<128xf32, #tpu.memory_space<vmem>>
      %dma_wait3A_639 = arith.constant 0 : i32
      %dma_wait3A_640 = tpu.memref_slice %arg13[%dma_wait3A_635, %dma_wait3A_639] : memref<16x128xi32, #tpu.memory_space<vmem>> -> memref<1x128xi32, #tpu.memory_space<vmem>>
      %dma_wait3A_641 = tpu.memref_squeeze %dma_wait3A_640 : memref<1x128xi32, #tpu.memory_space<vmem>> -> memref<128xi32, #tpu.memory_space<vmem>>
      %dma_wait3A_642 = arith.constant 0 : i32
      %dma_wait3A_643 = tpu.memref_slice %arg20[%dma_wait3A_642] : memref<100352xf32, #tpu.memory_space<vmem_shared>> -> memref<100352xf32, #tpu.memory_space<vmem_shared>>
      tpu.wait_indirect_dma semaphore(%arg23 : memref<!tpu.dma_semaphore, #tpu.memory_space<semaphore_mem>>) src(%dma_wait3A_638 : memref<128xf32, #tpu.memory_space<vmem>>) dst(%dma_wait3A_643 : memref<100352xf32, #tpu.memory_space<vmem_shared>>)
      %scan3A_644 = arith.constant 0 : i32
      scf.yield %scan3A_644 : i32
    }
    %scan3A_612 = arith.constant 16 : i32
    %lt3A_613 = arith.constant 21 : i32
    %lt3A_614 = arith.cmpi slt, %add3A, %lt3A_613 : i32
    %convert_element_type3A_615 = arith.extui %lt3A_614 : i1 to i32
    %cond3A_616 = arith.constant 0 : i32
    %cond3A_617 = arith.cmpi ne, %convert_element_type3A_615, %cond3A_616 : i32
    scf.if %cond3A_617 {
      %scan3A_632 = arith.constant 0 : i32
      %scan3A_633 = arith.constant 0 : i32
      %scan3A_634 = arith.constant 8 : i32
      %scan3A_635 = arith.addi %scan3A_633, %scan3A_634 : i32
      %scan3A_636 = arith.constant 1 : i32
      %scan3A_637 = scf.for %scan3A_639 = %scan3A_633 to %scan3A_635 step %scan3A_636 iter_args(%scan3A_640 = %scan3A_632) -> (i32)  : i32 {
        %mul3A_641 = arith.constant 2 : i32
        %mul3A_642 = arith.muli %mul3A_641, %scan3A_639 : i32
        %dma_start3A_643 = arith.constant 0 : i32
        %dma_start3A_644 = tpu.memref_slice %arg17[%scan3A_639, %dma_start3A_643] : memref<8x128xf32, #tpu.memory_space<vmem>> -> memref<1x128xf32, #tpu.memory_space<vmem>>
        %dma_start3A_645 = tpu.memref_squeeze %dma_start3A_644 : memref<1x128xf32, #tpu.memory_space<vmem>> -> memref<128xf32, #tpu.memory_space<vmem>>
        %dma_start3A_646 = arith.constant 0 : i32
        %dma_start3A_647 = tpu.memref_slice %arg16[%mul3A_642, %dma_start3A_646] : memref<16x128xi32, #tpu.memory_space<vmem>> -> memref<1x128xi32, #tpu.memory_space<vmem>>
        %dma_start3A_648 = tpu.memref_squeeze %dma_start3A_647 : memref<1x128xi32, #tpu.memory_space<vmem>> -> memref<128xi32, #tpu.memory_space<vmem>>
        %dma_start3A_649 = arith.constant 0 : i32
        %dma_start3A_650 = tpu.memref_slice %arg20[%dma_start3A_649] : memref<100352xf32, #tpu.memory_space<vmem_shared>> -> memref<100352xf32, #tpu.memory_space<vmem_shared>>
        tpu.enqueue_indirect_dma source(%dma_start3A_645 : memref<128xf32, #tpu.memory_space<vmem>>) target(%dma_start3A_650 : memref<100352xf32, #tpu.memory_space<vmem_shared>>) offsets(%dma_start3A_648 : memref<128xi32, #tpu.memory_space<vmem>>) semaphore(%arg23 : memref<!tpu.dma_semaphore, #tpu.memory_space<semaphore_mem>>) {add = true}
        %mul3A_651 = arith.constant 2 : i32
        %mul3A_652 = arith.muli %mul3A_651, %scan3A_639 : i32
        %dma_start3A_653 = arith.constant 0 : i32
        %dma_start3A_654 = tpu.memref_slice %arg18[%scan3A_639, %dma_start3A_653] : memref<8x128xf32, #tpu.memory_space<vmem>> -> memref<1x128xf32, #tpu.memory_space<vmem>>
        %dma_start3A_655 = tpu.memref_squeeze %dma_start3A_654 : memref<1x128xf32, #tpu.memory_space<vmem>> -> memref<128xf32, #tpu.memory_space<vmem>>
        %dma_start3A_656 = arith.constant 0 : i32
        %dma_start3A_657 = tpu.memref_slice %arg16[%mul3A_652, %dma_start3A_656] : memref<16x128xi32, #tpu.memory_space<vmem>> -> memref<1x128xi32, #tpu.memory_space<vmem>>
        %dma_start3A_658 = tpu.memref_squeeze %dma_start3A_657 : memref<1x128xi32, #tpu.memory_space<vmem>> -> memref<128xi32, #tpu.memory_space<vmem>>
        %dma_start3A_659 = arith.constant 0 : i32
        %dma_start3A_660 = tpu.memref_slice %arg21[%dma_start3A_659] : memref<100352xf32, #tpu.memory_space<vmem_shared>> -> memref<100352xf32, #tpu.memory_space<vmem_shared>>
        tpu.enqueue_indirect_dma source(%dma_start3A_655 : memref<128xf32, #tpu.memory_space<vmem>>) target(%dma_start3A_660 : memref<100352xf32, #tpu.memory_space<vmem_shared>>) offsets(%dma_start3A_658 : memref<128xi32, #tpu.memory_space<vmem>>) semaphore(%arg23 : memref<!tpu.dma_semaphore, #tpu.memory_space<semaphore_mem>>) {add = true}
        %scan3A_661 = arith.constant 0 : i32
        scf.yield %scan3A_661 : i32
      }
      %scan3A_638 = arith.constant 8 : i32
    } else {
    }
    %lt3A_618 = arith.constant 21 : i32
    %lt3A_619 = arith.cmpi slt, %add3A, %lt3A_618 : i32
    %convert_element_type3A_620 = arith.extui %lt3A_619 : i1 to i32
    %cond3A_621 = arith.constant 0 : i32
    %cond3A_622 = arith.cmpi ne, %convert_element_type3A_620, %cond3A_621 : i32
    scf.if %cond3A_622 {
      %scan3A_632 = arith.constant 0 : i32
      %scan3A_633 = arith.constant 0 : i32
      %scan3A_634 = arith.constant 16 : i32
      %scan3A_635 = arith.addi %scan3A_633, %scan3A_634 : i32
      %scan3A_636 = arith.constant 1 : i32
      %scan3A_637 = scf.for %scan3A_639 = %scan3A_633 to %scan3A_635 step %scan3A_636 iter_args(%scan3A_640 = %scan3A_632) -> (i32)  : i32 {
        %dma_wait3A_641 = arith.constant 0 : i32
        %dma_wait3A_642 = arith.constant 0 : i32
        %dma_wait3A_643 = arith.constant 0 : i32
        %dma_wait3A_644 = tpu.memref_slice %arg17[%dma_wait3A_641, %dma_wait3A_643] : memref<8x128xf32, #tpu.memory_space<vmem>> -> memref<1x128xf32, #tpu.memory_space<vmem>>
        %dma_wait3A_645 = tpu.memref_squeeze %dma_wait3A_644 : memref<1x128xf32, #tpu.memory_space<vmem>> -> memref<128xf32, #tpu.memory_space<vmem>>
        %dma_wait3A_646 = arith.constant 0 : i32
        %dma_wait3A_647 = tpu.memref_slice %arg16[%dma_wait3A_642, %dma_wait3A_646] : memref<16x128xi32, #tpu.memory_space<vmem>> -> memref<1x128xi32, #tpu.memory_space<vmem>>
        %dma_wait3A_648 = tpu.memref_squeeze %dma_wait3A_647 : memref<1x128xi32, #tpu.memory_space<vmem>> -> memref<128xi32, #tpu.memory_space<vmem>>
        %dma_wait3A_649 = arith.constant 0 : i32
        %dma_wait3A_650 = tpu.memref_slice %arg20[%dma_wait3A_649] : memref<100352xf32, #tpu.memory_space<vmem_shared>> -> memref<100352xf32, #tpu.memory_space<vmem_shared>>
        tpu.wait_indirect_dma semaphore(%arg23 : memref<!tpu.dma_semaphore, #tpu.memory_space<semaphore_mem>>) src(%dma_wait3A_645 : memref<128xf32, #tpu.memory_space<vmem>>) dst(%dma_wait3A_650 : memref<100352xf32, #tpu.memory_space<vmem_shared>>)
        %scan3A_651 = arith.constant 0 : i32
        scf.yield %scan3A_651 : i32
      }
      %scan3A_638 = arith.constant 16 : i32
    } else {
    }
    %barrier3A_623 = arith.constant 0 : index
    tpu.barrier barrier_id(%barrier3A_623)
    %mul3A_624 = arith.constant 6272 : i32
    %mul3A_625 = arith.muli %arg1, %mul3A_624 : i32
    %mul3A_626 = arith.constant 6272 : i32
    %mul3A_627 = arith.muli %arg1, %mul3A_626 : i32
    "tpu.region"() ({
      %run_scoped3A = tpu.sem_alloc : memref<!tpu.dma_semaphore, #tpu.memory_space<semaphore_mem>>
      %dma_start3A_632 = tpu.memref_slice %arg5[%arg0, %mul3A_627] : memref<2x100352xf32, #tpu.memory_space<hbm>> -> memref<1x6272xf32, #tpu.memory_space<hbm>>
      %dma_start3A_633 = tpu.memref_squeeze %dma_start3A_632 : memref<1x6272xf32, #tpu.memory_space<hbm>> -> memref<6272xf32, #tpu.memory_space<hbm>>
      %dma_start3A_634 = tpu.memref_slice %arg20[%mul3A_625] : memref<100352xf32, #tpu.memory_space<vmem_shared>> -> memref<6272xf32, #tpu.memory_space<vmem_shared>>
      tpu.enqueue_dma source(%dma_start3A_634 : memref<6272xf32, #tpu.memory_space<vmem_shared>>) target(%dma_start3A_633 : memref<6272xf32, #tpu.memory_space<hbm>>) target_semaphore(%run_scoped3A : memref<!tpu.dma_semaphore, #tpu.memory_space<semaphore_mem>>)
      %dma_wait3A_635 = tpu.memref_slice %arg5[%arg0, %mul3A_627] : memref<2x100352xf32, #tpu.memory_space<hbm>> -> memref<1x6272xf32, #tpu.memory_space<hbm>>
      %dma_wait3A_636 = tpu.memref_squeeze %dma_wait3A_635 : memref<1x6272xf32, #tpu.memory_space<hbm>> -> memref<6272xf32, #tpu.memory_space<hbm>>
      %dma_wait3A_637 = tpu.memref_slice %arg20[%mul3A_625] : memref<100352xf32, #tpu.memory_space<vmem_shared>> -> memref<6272xf32, #tpu.memory_space<vmem_shared>>
      tpu.wait_dma2 semaphore(%run_scoped3A : memref<!tpu.dma_semaphore, #tpu.memory_space<semaphore_mem>>) src(%dma_wait3A_637 : memref<6272xf32, #tpu.memory_space<vmem_shared>>) dst(%dma_wait3A_636 : memref<6272xf32, #tpu.memory_space<hbm>>)
      tpu.yield
    }) : () -> ()
    %mul3A_628 = arith.constant 6272 : i32
    %mul3A_629 = arith.muli %arg1, %mul3A_628 : i32
    %mul3A_630 = arith.constant 6272 : i32
    %mul3A_631 = arith.muli %arg1, %mul3A_630 : i32
    "tpu.region"() ({
      %run_scoped3A = tpu.sem_alloc : memref<!tpu.dma_semaphore, #tpu.memory_space<semaphore_mem>>
      %dma_start3A_632 = tpu.memref_slice %arg6[%arg0, %mul3A_631] : memref<2x100352xf32, #tpu.memory_space<hbm>> -> memref<1x6272xf32, #tpu.memory_space<hbm>>
      %dma_start3A_633 = tpu.memref_squeeze %dma_start3A_632 : memref<1x6272xf32, #tpu.memory_space<hbm>> -> memref<6272xf32, #tpu.memory_space<hbm>>
      %dma_start3A_634 = tpu.memref_slice %arg21[%mul3A_629] : memref<100352xf32, #tpu.memory_space<vmem_shared>> -> memref<6272xf32, #tpu.memory_space<vmem_shared>>
      tpu.enqueue_dma source(%dma_start3A_634 : memref<6272xf32, #tpu.memory_space<vmem_shared>>) target(%dma_start3A_633 : memref<6272xf32, #tpu.memory_space<hbm>>) target_semaphore(%run_scoped3A : memref<!tpu.dma_semaphore, #tpu.memory_space<semaphore_mem>>)
      %dma_wait3A_635 = tpu.memref_slice %arg6[%arg0, %mul3A_631] : memref<2x100352xf32, #tpu.memory_space<hbm>> -> memref<1x6272xf32, #tpu.memory_space<hbm>>
      %dma_wait3A_636 = tpu.memref_squeeze %dma_wait3A_635 : memref<1x6272xf32, #tpu.memory_space<hbm>> -> memref<6272xf32, #tpu.memory_space<hbm>>
      %dma_wait3A_637 = tpu.memref_slice %arg21[%mul3A_629] : memref<100352xf32, #tpu.memory_space<vmem_shared>> -> memref<6272xf32, #tpu.memory_space<vmem_shared>>
      tpu.wait_dma2 semaphore(%run_scoped3A : memref<!tpu.dma_semaphore, #tpu.memory_space<semaphore_mem>>) src(%dma_wait3A_637 : memref<6272xf32, #tpu.memory_space<vmem_shared>>) dst(%dma_wait3A_636 : memref<6272xf32, #tpu.memory_space<hbm>>)
      tpu.yield
    }) : () -> ()
    return
  }
}

module attributes {stable_mosaic.version = 14 : i64} {
  func.func @_combine_body(%arg0: i32, %arg1: memref<2x14336xf32, #tpu.memory_space<vmem>>, %arg2: memref<2x14336xf32, #tpu.memory_space<vmem>>, %arg3: memref<14336xf32, #tpu.memory_space<vmem>>, %arg4: memref<14336xf32, #tpu.memory_space<vmem>>) attributes {dimension_semantics = [#tpu.dimension_semantics<arbitrary>], iteration_bounds = array<i64: 7>, scalar_prefetch = 0 : i64, scratch_operands = 0 : i64, tpu.core_type = #tpu.core_type<tc>, window_params = [{transform_indices = @transform_0, window_bounds = array<i64: 2, 14336>}, {transform_indices = @transform_1, window_bounds = array<i64: 2, 14336>}, {transform_indices = @transform_2, window_bounds = array<i64: 14336>}, {transform_indices = @transform_3, window_bounds = array<i64: 14336>}]} {
    %get3A = arith.constant 0 : index
    %get3A_0 = arith.constant 0 : index
    %get3A_1 = vector.load %arg1[%get3A, %get3A_0] : memref<2x14336xf32, #tpu.memory_space<vmem>>, vector<1x14336xf32>
    %get3A_2 = vector.shape_cast %get3A_1 : vector<1x14336xf32> to vector<14336xf32>
    %get3A_3 = arith.constant 1 : index
    %get3A_4 = arith.constant 0 : index
    %get3A_5 = vector.load %arg1[%get3A_3, %get3A_4] : memref<2x14336xf32, #tpu.memory_space<vmem>>, vector<1x14336xf32>
    %get3A_6 = vector.shape_cast %get3A_5 : vector<1x14336xf32> to vector<14336xf32>
    %add3A = arith.addf %get3A_2, %get3A_6 : vector<14336xf32>
    %swap3A = arith.constant 0 : index
    %swap3A_7 = vector.load %arg3[%swap3A] : memref<14336xf32, #tpu.memory_space<vmem>>, vector<14336xf32>
    tpu.vector_store %arg3[%swap3A], %add3A {strides = array<i32>} : memref<14336xf32, #tpu.memory_space<vmem>>, vector<14336xf32>,
    %get3A_8 = arith.constant 0 : index
    %get3A_9 = arith.constant 0 : index
    %get3A_10 = vector.load %arg2[%get3A_8, %get3A_9] : memref<2x14336xf32, #tpu.memory_space<vmem>>, vector<1x14336xf32>
    %get3A_11 = vector.shape_cast %get3A_10 : vector<1x14336xf32> to vector<14336xf32>
    %get3A_12 = arith.constant 1 : index
    %get3A_13 = arith.constant 0 : index
    %get3A_14 = vector.load %arg2[%get3A_12, %get3A_13] : memref<2x14336xf32, #tpu.memory_space<vmem>>, vector<1x14336xf32>
    %get3A_15 = vector.shape_cast %get3A_14 : vector<1x14336xf32> to vector<14336xf32>
    %add3A_16 = arith.addf %get3A_11, %get3A_15 : vector<14336xf32>
    %swap3A_17 = arith.constant 0 : index
    %swap3A_18 = vector.load %arg4[%swap3A_17] : memref<14336xf32, #tpu.memory_space<vmem>>, vector<14336xf32>
    tpu.vector_store %arg4[%swap3A_17], %add3A_16 {strides = array<i32>} : memref<14336xf32, #tpu.memory_space<vmem>>, vector<14336xf32>,
    return
  }
  func.func @transform_0(%arg0: i32) -> (i32, i32) {
    %c0_i32 = arith.constant 0 : i32
    %c0_i32_0 = arith.constant 0 : i32
    return %c0_i32, %arg0 : i32, i32
  }
  func.func @transform_1(%arg0: i32) -> (i32, i32) {
    %c0_i32 = arith.constant 0 : i32
    %c0_i32_0 = arith.constant 0 : i32
    return %c0_i32, %arg0 : i32, i32
  }
  func.func @transform_2(%arg0: i32) -> i32 {
    %c0_i32 = arith.constant 0 : i32
    return %arg0 : i32
  }
  func.func @transform_3(%arg0: i32) -> i32 {
    %c0_i32 = arith.constant 0 : i32
    return %arg0 : i32
  }
}

</mosaic_0001>

<sc_bundles>
// kernel: kernel.4.cloned.1.call-start
scs
__scs_entry_jumppad:
0x0: {  	(pc) =	sbr.rel $0x88, $3  }
0x1: {  	(tag) =	ssettag $0x0;
	lr =	simm.s32 $0x1  }
0x2: {  	[smem:$0x3F9E] =	sst lr;
	_ =	strace $0xD0000000  }
0x3: {  	_ = 	snop  }
0x4: {  	_ = 	snop  }
0x5: {  	_ = 	snop  }
0x6: {  	_ = 	snop  }
0x7: {  	_ = 	snop  }
__scs_overlays_trampoline_lowered:
0x8: {  	[smem:$0x3FAD] =	sst s0  }
0x9: {  	[smem:$0x3FAE] =	sst s1  }
0xa: {  	[smem:$0x3FAF] =	sst s2  }
0xb: {  	[smem:$0x3FB0] =	sst s3  }
0xc: {  	[smem:$0x3FB1] =	sst s4  }
0xd: {  	[smem:$0x3FB2] =	sst s5  }
0xe: {  	[smem:$0x3FB3] =	sst s6  }
0xf: {  	[smem:$0x3FB4] =	sst s7  }
0x10: {  	[smem:$0x3FB5] =	sst s8  }
0x11: {  	[smem:$0x3FB6] =	sst s9;
	s0 =	simm.s32 @!p0 $0x0  }
0x12: {  	s1 =	sld [smem:$0x3F9C];
	s0 =	simm.s32 @p0 $0x1  }
0x13: {  	[smem:$0x3FB7] =	sst s0;
	s0 =	simm.s32 @!p1 $0x0  }
0x14: {  	s2 =	sld [smem:$0x3F9B];
	s0 =	simm.s32 @p1 $0x1  }
0x15: {  	[smem:$0x3FB8] =	sst s0;
	s0 =	simm.s32 @!p2 $0x0  }
0x16: {  	s3 =	sld [smem:$0x3FDB];
	s0 =	simm.s32 @p2 $0x1  }
0x17: {  	s4 =	simm.s32 $0x1BF5;
	[smem:$0x3FBA] =	sst s0  }
0x18: {  	s0 =	sld [smem:$0x3F9D];
	_ =	swait.ge [sflag:s4], $0x0  }
0x19: {  	s7 =	sld [smem:$0x3F9E]  }
0x1a: {  	s8 =	sadd.s32 $0xFFFFE003, lr  }
0x1b: {  	s9 =	sadd.s32 $0xFFFFFEF7, lr;
	s5 =	simm.s32 $0xFFFFFFFF;
	p2 =	slt.u32 s8, $0xFFFFF086  }
0x1c: {  	p1 =	slt.u32 s9, $0xF7A;
	s5 =	simm.s32 @!p2 $0x0  }
0x1d: {  	s5 =	simm.s32 @p1 $0x1;
	p0 =	seq.s32 s7, s2  }
0x1e: {  	s7 =	smul.u32 @!p0 $0xF7A, s2;
	p2 =	seq.s32 @!p0 s5, $0x0  }
0x1f: {  	s9 =	smul.u32 $0xF7A, s1;
	s8 =	simm.s32 @!p0 $0x1BF5;
	p2 =	por !p2, p0  }
0x20: {  	[sflag:s8] =	ssyncset.s32 @!p0 $0xFFFFF086;
	s6 =	sadd.s32 @!p0 s3, s7;
	s7 =	simm.s32 @!p0 $0x108  }
0x21: {  	s3 =	sadd.s32 s3, s9;
	s6 =	sadd.s32 @!p0 $0x88, s6;
	s7 =	simm.s32 @p2 $0x1082  }
0x22: {  	[simem:s7], [sflag:s8] =	dma.local @!p0 [hbm:s6], $0xF7A  }
0x23: {  	s9 =	sor.u32 $0xD0000000, s2;
	s6 =	simm.s32 $0x108;
	_ =	swait.ge @!p0 [sflag:s8], $0x0  }
0x24: {  	s3 =	sadd.s32 $0x88, s3;
	s6 =	simm.s32 @!p1 $0x1082;
	[sflag:s4] =	ssyncset.s32 $0xFFFFF086  }
0x25: {  	[simem:s6], [sflag:s4] =	dma.local [hbm:s3], $0xF7A  }
0x26: {  	[smem:$0x3F9E] =	sst s1;
	(tag) =	ssettag s2;
	_ =	strace s9  }
0x27: {  	s1 =	sld [smem:$0x3FAE]  }
0x28: {  	s2 =	sld [smem:$0x3FAF]  }
0x29: {  	s4 =	sld [smem:$0x3FB1]  }
0x2a: {  	p0 =	seq.s32 s5, $0x0;
	s5 =	sld [smem:$0x3FB2]  }
0x2b: {  	s6 =	sld [smem:$0x3FB3]  }
0x2c: {  	s7 =	sld [smem:$0x3FB4]  }
0x2d: {  	s3 =	simm.s32 $0x108;
	s8 =	sld [smem:$0x3FB5]  }
0x2e: {  	s3 =	simm.s32 @!p0 $0x1082;
	s9 =	sld [smem:$0x3FB6]  }
0x2f: {  	lr =	sadd.s32 s0, s3;
	s0 =	sld [smem:$0x3FAD]  }
0x30: {  	s3 =	sld [smem:$0x3FB0]  }
0x31: {  	[smem:$0x3FB9] =	sst s10  }
0x32: {  	s10 =	sld [smem:$0x3FB7];
	_ =	sdelay $0x3  }
0x33: {  	p0 =	seq.s32 s10, $0x1;
	s10 =	sld [smem:$0x3FB9];
	_ =	sdelay $0x3  }
0x34: {  	[smem:$0x3FB9] =	sst s10  }
0x35: {  	s10 =	sld [smem:$0x3FB8];
	_ =	sdelay $0x3  }
0x36: {  	p1 =	seq.s32 s10, $0x1;
	s10 =	sld [smem:$0x3FB9];
	_ =	sdelay $0x3  }
0x37: {  	[smem:$0x3FB9] =	sst s10  }
0x38: {  	s10 =	sld [smem:$0x3FBA]  }
0x39: {  	_ = 	snop;
	(pc) =	sbr.ind lr, $3  }
0x3a: {  	_ = 	snop  }
0x3b: {  	_ = 	snop  }
0x3c: {  	p2 =	seq.s32 s10, $0x1;
	s10 =	sld [smem:$0x3FB9]  }
0x3d: {  	_ =	shalt  }
0x3e: {  	_ =	shalt  }
0x3f: {  	_ =	shalt  }
0x40: {  	_ =	shalt  }
0x41: {  	_ =	shalt  }
0x42: {  	_ =	shalt  }
0x43: {  	_ =	shalt  }
0x44: {  	_ =	shalt  }
0x45: {  	_ =	shalt  }
0x46: {  	_ =	shalt  }
0x47: {  	_ =	shalt  }
0x48: {  	_ =	shalt  }
0x49: {  	_ =	shalt  }
0x4a: {  	_ =	shalt  }
0x4b: {  	_ =	shalt  }
0x4c: {  	_ =	shalt  }
0x4d: {  	_ =	shalt  }
0x4e: {  	_ =	shalt  }
0x4f: {  	_ =	shalt  }
0x50: {  	_ =	shalt  }
0x51: {  	_ =	shalt  }
0x52: {  	_ =	shalt  }
0x53: {  	_ =	shalt  }
0x54: {  	_ =	shalt  }
0x55: {  	_ =	shalt  }
0x56: {  	_ =	shalt  }
0x57: {  	_ =	shalt  }
0x58: {  	_ =	shalt  }
0x59: {  	_ =	shalt  }
0x5a: {  	_ =	shalt  }
0x5b: {  	_ =	shalt  }
0x5c: {  	_ =	shalt  }
0x5d: {  	_ =	shalt  }
0x5e: {  	_ =	shalt  }
0x5f: {  	_ =	shalt  }
0x60: {  	_ =	shalt  }
0x61: {  	_ =	shalt  }
0x62: {  	_ =	shalt  }
0x63: {  	_ =	shalt  }
0x64: {  	_ =	shalt  }
0x65: {  	_ =	shalt  }
0x66: {  	_ =	shalt  }
0x67: {  	_ =	shalt  }
0x68: {  	_ =	shalt  }
0x69: {  	_ =	shalt  }
0x6a: {  	_ =	shalt  }
0x6b: {  	_ =	shalt  }
0x6c: {  	_ =	shalt  }
0x6d: {  	_ =	shalt  }
0x6e: {  	_ =	shalt  }
0x6f: {  	_ =	shalt  }
0x70: {  	_ =	shalt  }
0x71: {  	_ =	shalt  }
0x72: {  	_ =	shalt  }
0x73: {  	_ =	shalt  }
0x74: {  	_ =	shalt  }
0x75: {  	_ =	shalt  }
0x76: {  	_ =	shalt  }
0x77: {  	_ =	shalt  }
0x78: {  	_ =	shalt  }
0x79: {  	_ =	shalt  }
0x7a: {  	_ =	shalt  }
0x7b: {  	_ =	shalt  }
0x7c: {  	_ =	shalt  }
0x7d: {  	_ =	shalt  }
0x7e: {  	_ =	shalt  }
0x7f: {  	_ =	shalt  }
0x80: {  	_ =	shalt  }
0x81: {  	_ =	shalt  }
0x82: {  	_ =	shalt  }
0x83: {  	_ =	shalt  }
0x84: {  	_ =	shalt  }
0x85: {  	_ =	shalt  }
0x86: {  	_ =	shalt  }
0x87: {  	_ =	shalt  }
.Lfunc_end0:
.L_simem_size_0:
called_computation_lowered:
.L_overlay_start_0:
0x88: {  	s2 =	sld [smem:$0x3FD9]  }
0x89: {  	s3 =	sld [smem:$0x3FFE];
	_ =	sdelay $0x1  }
0x8a: {  	s1 =	srdreg.scid  }
0x8b: {  	s0 =	sand.u32 $0x1, s1  }
0x8c: {  	s17 =	sshll.u32 s0, $0xA;
	s2 =	sadd.s32 s3, s2  }
0x8d: {  	s2 =	sadd.s32 s2, s17  }
0x8e: {  	[smem:$0x3FC5] =	sst s2  }
0x8f: {  	_ = 	snop  }
0x90: {  	s2 =	sld [smem:$0x3FC9]  }
0x91: {  	s18 =	sld [smem:$0x3FC8]  }
0x92: {  	s4 =	sld [smem:$0x3FC7];
	(tm) =	ssettm $0x1  }
0x93: {  	s5 =	sld [smem:$0x3FFB];
	_ =	sdelay $0x3  }
0x94: {  	_ =	strace s5  }
0x95: {  	s5 =	sld [smem:$0x3FFC];
	_ =	sdelay $0x3  }
0x96: {  	_ =	strace s5  }
0x97: {  	s5 =	sld [smem:$0x3FFD];
	_ =	sdelay $0x3  }
0x98: {  	_ =	strace s5  }
0x99: {  	_ =	strace $0x8FFFFFFF  }
0x9a: {  	s19 =	sld [smem:$0x3FDB];
	_ =	sdelay $0x1  }
0x9b: {  	s6 =	simm.s32 $_scs_section_size  }
0x9c: {  	s7 =	simm.s32 $_size__tile_overlayer_lowered;
	s8 =	simm.s32 $_tile_overlayer_lowered  }
0x9d: {  	s22 =	simm.s32 $0x1BFF;
	s21 =	sshll.u32 s8, $0x1;
	s5 =	sadd.s32 s6, s19  }
0x9e: {  	s9 =	simm.s32 $0x0;
	s20 =	sshll.u32 s7, $0x1;
	s7 =	sadd.s32 s21, s5  }
0x9f: {  	[timem:s9], [sflag:s22] =	dma.local [hbm:s7], s20  }
0xa0: {  	_ =	swait.ge [sflag:s22], s20  }
0xa1: {  	s6 =	ssub.s32 $0x0, s20;
	[sflag:s22] =	ssyncset.done $0x0  }
0xa2: {  	[sflag:s22] =	ssyncadd.s32 s6;
	_ =	sdelay $0x1  }
0xa3: {  	s23 =	simm.s32 $0x1B8B  }
0xa4: {  	_ =	swait.ge [sflag:s23], $0x1  }
0xa5: {  	[sflag:s23] =	ssyncset.done $0x0  }
0xa6: {  	s25 =	simm.s32 $0x1B8E;
	s24 =	sld [smem:$0x3FFE];
	[sflag:s23] =	ssyncadd.s32 $0xFFFFFFFF  }
0xa7: {  	s26 =	simm.s32 $execute0_lowered;
	[smem:$0x3FD2] =	sst s25  }
0xa8: {  	s7 =	sshll.u32 s26, $0x1;
	_ =	strace $0x80000046;
	[dreg:$0x1] =	wrdreg $0xFFFFFFFF  }
0xa9: {  	s28 =	simm.s32 $_size_execute0_lowered;
	s5 =	sadd.s32 s5, s7;
	[dreg:$0x0] =	wrdreg $0x0  }
0xaa: {  	s7 =	sshll.u32 s28, $0x1;
	[dreg:$0x2] =	wrdreg s5  }
0xab: {  	[dreg:$0x3] =	wrdreg s7  }
0xac: {  	[dreg:$0x4] =	wrdreg $0xC0  }
0xad: {  	_ =	task [dreg:s9], $0x5FFFF  }
0xae: {  	[dreg:$0x1] =	wrdreg $0xFFFFFFFF  }
0xaf: {  	[dreg:$0x0] =	wrdreg $0x60  }
0xb0: {  	[dreg:$0x2] =	wrdreg s4  }
0xb1: {  	[dreg:$0x3] =	wrdreg s2  }
0xb2: {  	[dreg:$0x4] =	wrdreg s18  }
0xb3: {  	[dreg:$0x5] =	wrdreg s24  }
0xb4: {  	[dreg:$0x6] =	wrdreg $0x126800  }
0xb5: {  	[dreg:$0x7] =	wrdreg $0x13F000  }
0xb6: {  	[dreg:$0x8] =	wrdreg $0x9  }
0xb7: {  	_ =	task.clear_ibuf [dreg:s9], $0x9FFFF;
	_ =	strace $0x90000046  }
0xb8: {  	s29 =	simm.s32 $0x9;
	_ =	strace $0x80000048  }
0xb9: {  	_ =	swait.ge [sflag:s29], $0x1  }
0xba: {  	[sflag:s29] =	ssyncadd.s32 $0xFFFFFFFF  }
0xbb: {  	_ =	strace $0x90000048  }
0xbc: {  	_ =	sfence  }
0xbd: {  	s30 =	sld [smem:$0x0];
	_ =	sdelay $0x2  }
0xbe: {  	s31 =	sshll.u32 s1, $0xD;
	s1 =	sshrl.u32 s1, $0x2  }
0xbf: {  	s3 =	sand.u32 $0x4000, s31;
	s1 =	sadd.s32 s1, s30  }
0xc0: {  	s0 =	sor.u32 s3, s0;
	s1 =	sshll.u32 s1, $0x11  }
0xc1: {  	s0 =	sor.u32 s1, s0  }
0xc2: {  	s0 =	sadd.s32 $0x8F2B, s0  }
0xc3: {  	[sflag:s0] =	ssyncadd.remote.s32 $0x1  }
0xc4: {  	_ =	sfence.sel $0xFFFF  }
0xc5: {  	[dreg:$0x0] =	wrdreg $0xFFFFFFFF;
	(pc) =	sbr.abs _section_cstart, $3  }
0xc6: {  	[dreg:$0x1] =	wrdreg $0xFFFFFFFF  }
0xc7: {  	_ =	task.clear_ibuf [dreg:s9], $0x2FFFF;
	_ =	strace $0x9FFFFFFF  }
0xc8: {  	(tm) =	ssettm $0x7FFFFFFF  }
0xc9: {  	_ =	shalt  }
tec
execute0_lowered:
.L_overlay_start_1:
0x0: {  	(tag) =	ssettag $0x1  }
0x1: {  	s7 =	rddreg [dreg:$0x0]  }
0x2: {  	s0 =	srdreg.scid;
	s2 =	rddreg [dreg:$0x3]  }
0x3: {  	s1 =	simm.s32 $0x0;
	s22 =	stileid.u32;
	s0 =	sand.u32 $0x1, s0  }
0x4: {  	[smem:$0x7FF] =	sst s1;
	s4 =	smul.u32 $0x3100, s22;
	s3 =	sshll.u32 s0, $0x4  }
0x5: {  	s5 =	sshll.u32 s0, $0x7;
	s23 =	ssub.s32 $0x2, s0;
	s3 =	sor.u32 s22, s3  }
0x6: {  	s4 =	sor.u32 s5, s4;
	s6 =	smul.u32 $0x310, s3;
	s8 =	smax.u32 s3, $0x15  }
0x7: {  	s25 =	sshrl.u32 s23, $0x1;
	s4 =	sshrl.u32 s4, $0x3;
	s24 =	sshll.u32 s8, $0x3  }
0x8: {  	s0 =	sadd.s32 s4, s2;
	s2 =	ssub.s32 s23, s25;
	s15 =	ssub.s32 s6, s24  }
0x9: {  	s16 =	sadd.s32 $0xA8, s15;
	s17 =	sadd.s32 $0xE8, s15;
	s18 =	sadd.s32 $0x128, s15  }
0xa: {  	s19 =	sadd.s32 $0x168, s15;
	s14 =	sadd.s32 $0x1A8, s15;
	s13 =	sadd.s32 $0x1E8, s15  }
0xb: {  	s12 =	sadd.s32 $0x228, s15;
	s11 =	sadd.s32 $0x268, s15;
	s10 =	sadd.s32 $0x2A8, s15  }
0xc: {  	s9 =	sadd.s32 $0x2E8, s15;
	s8 =	sadd.s32 $0x328, s15;
	s6 =	sadd.s32 $0x368, s15  }
0xd: {  	s5 =	sadd.s32 $0x3A8, s15;
	s4 =	sadd.s32 $0x3B0, s15;
	s26 =	sshll.u32 s16, $0x5  }
0xe: {  	s21 =	sshll.u32 s17, $0x5;
	s24 =	sshll.u32 s18, $0x5;
	s25 =	sshll.u32 s19, $0x5  }
0xf: {  	s20 =	sand.u32 $0x1FFFFF00, s26;
	s23 =	sand.u32 $0x1FFFFF00, s21;
	s26 =	sshll.u32 s14, $0x5  }
0x10: {  	s20 =	sadd.s32 s7, s20;
	s15 =	sadd.s32 s7, s23;
	s23 =	sand.u32 $0x1FFFFF00, s26  }
0x11: {  	s26 =	sshll.u32 s11, $0x5;
	[dreg:$0x8] =	wrdreg s15;
	s15 =	sand.u32 $0x1FFFFF00, s24  }
0x12: {  	[dreg:$0x7] =	wrdreg s20;
	s20 =	sand.u32 $0x1FFFFF00, s25;
	s15 =	sadd.s32 s7, s15  }
0x13: {  	s24 =	sshll.u32 s13, $0x5;
	s20 =	sadd.s32 s7, s20;
	[dreg:$0x9] =	wrdreg s15  }
0x14: {  	s25 =	sshll.u32 s12, $0x5;
	[dreg:$0xa] =	wrdreg s20;
	s15 =	sadd.s32 s7, s23  }
0x15: {  	s20 =	sand.u32 $0x1FFFFF00, s25;
	s23 =	sand.u32 $0x1FFFFF00, s26;
	s25 =	sshll.u32 s9, $0x5  }
0x16: {  	s26 =	sshll.u32 s8, $0x5;
	[dreg:$0xb] =	wrdreg s15;
	s15 =	sand.u32 $0x1FFFFF00, s24  }
0x17: {  	s20 =	sadd.s32 s7, s20;
	s24 =	sshll.u32 s10, $0x5;
	s21 =	sand.u32 $0x1FFFFF00, s26  }
0x18: {  	s15 =	sadd.s32 s7, s15;
	[dreg:$0xd] =	wrdreg s20;
	s20 =	sand.u32 $0x1FFFFF00, s25  }
0x19: {  	s25 =	sshll.u32 s4, $0x5;
	[dreg:$0xc] =	wrdreg s15;
	s15 =	sadd.s32 s7, s23  }
0x1a: {  	s20 =	sadd.s32 s7, s20;
	[dreg:$0xe] =	wrdreg s15;
	s15 =	sand.u32 $0x1FFFFF00, s24  }
0x1b: {  	[dreg:$0x10] =	wrdreg s20;
	s24 =	sshll.u32 s5, $0x5;
	s15 =	sadd.s32 s7, s15  }
0x1c: {  	s20 =	sand.u32 $0x1FFFFF00, s24;
	[dreg:$0xf] =	wrdreg s15;
	s15 =	sadd.s32 s7, s21  }
0x1d: {  	s23 =	sshll.u32 s6, $0x5;
	s26 =	sadd.s32 s7, s20;
	[dreg:$0x11] =	wrdreg s15  }
0x1e: {  	s20 =	sand.u32 $0x1FFFFF00, s25;
	s15 =	sand.u32 $0x1FFFFF00, s23;
	[dreg:$0x13] =	wrdreg s26  }
0x1f: {  	s23 =	sshll.u32 s17, $0x4;
	s17 =	rddreg [dreg:$0x2];
	s15 =	sadd.s32 s7, s15  }
0x20: {  	s7 =	sadd.s32 s7, s20;
	[dreg:$0x12] =	wrdreg s15  }
0x21: {  	s13 =	sshll.u32 s13, $0x4;
	[dreg:$0x14] =	wrdreg s7  }
0x22: {  	s21 =	sshll.u32 s16, $0x4;
	s16 =	sadd.s32 s17, s23;
	s15 =	rddreg [dreg:$0x1]  }
0x23: {  	s20 =	sshll.u32 s19, $0x4;
	s19 =	sadd.s32 s17, s13;
	[dreg:$0x18] =	wrdreg s16  }
0x24: {  	s7 =	sadd.s32 s17, s21;
	[smem:$0x7E5] =	sst s19  }
0x25: {  	s24 =	sadd.s32 s15, s21;
	[dreg:$0x16] =	wrdreg s7  }
0x26: {  	s25 =	sshll.u32 s18, $0x4;
	s26 =	sadd.s32 s15, s23;
	[dreg:$0x15] =	wrdreg s24  }
0x27: {  	s21 =	sadd.s32 s15, s25;
	[dreg:$0x17] =	wrdreg s26  }
0x28: {  	s7 =	sadd.s32 s17, s25;
	[dreg:$0x19] =	wrdreg s21  }
0x29: {  	s25 =	sadd.s32 s17, s20;
	[dreg:$0x1a] =	wrdreg s7  }
0x2a: {  	s6 =	sshll.u32 s6, $0x4;
	s18 =	sadd.s32 s15, s13;
	[dreg:$0x1c] =	wrdreg s25  }
0x2b: {  	s28 =	simm.s32 $0x4000;
	s13 =	sadd.s32 s15, s6;
	[dreg:$0x1f] =	wrdreg s18  }
0x2c: {  	s5 =	sshll.u32 s5, $0x4;
	s6 =	sadd.s32 s17, s6;
	[smem:$0x7F0] =	sst s13  }
0x2d: {  	s23 =	sshll.u32 s14, $0x4;
	s14 =	sadd.s32 s15, s5;
	[smem:$0x7F1] =	sst s6  }
0x2e: {  	s29 =	simm.s32 $0x6000;
	s5 =	sadd.s32 s17, s5;
	[smem:$0x7F2] =	sst s14  }
0x2f: {  	s30 =	simm.s32 $0x12000;
	s24 =	sadd.s32 s15, s20;
	[smem:$0x7F3] =	sst s5  }
0x30: {  	s11 =	sshll.u32 s11, $0x4;
	s26 =	sadd.s32 s15, s23;
	[dreg:$0x1b] =	wrdreg s24  }
0x31: {  	s16 =	sshll.u32 s12, $0x4;
	s7 =	sadd.s32 s17, s23;
	[dreg:$0x1d] =	wrdreg s26  }
0x32: {  	s9 =	sshll.u32 s9, $0x4;
	s20 =	sadd.s32 s15, s16;
	[dreg:$0x1e] =	wrdreg s7  }
0x33: {  	s4 =	sshll.u32 s4, $0x4;
	s23 =	sadd.s32 s15, s11;
	[smem:$0x7E6] =	sst s20  }
0x34: {  	s21 =	sshll.u32 s10, $0x4;
	s10 =	sadd.s32 s15, s9;
	[smem:$0x7E8] =	sst s23  }
0x35: {  	s31 =	simm.s32 $0x3;
	s18 =	sadd.s32 s15, s4;
	[smem:$0x7EC] =	sst s10  }
0x36: {  	p0 =	sgt.u32 s3, $0x14;
	s4 =	sadd.s32 s17, s4;
	[smem:$0x7F4] =	sst s18  }
0x37: {  	s5 =	simm.s32 $0x80;
	s7 =	sadd.s32 s17, s16;
	[smem:$0x7F5] =	sst s4  }
0x38: {  	s6 =	simm.s32 $0x2;
	s24 =	sadd.s32 s17, s11;
	[smem:$0x7E7] =	sst s7  }
0x39: {  	s13 =	simm.s32 $0x10300;
	s25 =	sadd.s32 s15, s21;
	[smem:$0x7E9] =	sst s24  }
0x3a: {  	s14 =	simm.s32 $0x10400;
	s11 =	sadd.s32 s17, s9;
	[smem:$0x7EA] =	sst s25  }
0x3b: {  	s26 =	sshll.u32 s8, $0x4;
	s16 =	smul.u32 $0x1880, s22;
	[smem:$0x7ED] =	sst s11  }
0x3c: {  	s7 =	sadd.s32 s17, s21;
	s12 =	sadd.s32 s15, s26;
	s15 =	rddreg [dreg:$0x5]  }
0x3d: {  	s4 =	simm.s32 $0xE000;
	s10 =	simm.s32 $0x10100;
	[smem:$0x7EB] =	sst s7  }
0x3e: {  	s18 =	simm.s32 $0x10700;
	s11 =	simm.s32 $0x10200;
	[smem:$0x7EE] =	sst s12  }
0x3f: {  	s7 =	sadd.s32 s17, s26;
	s12 =	rddreg [dreg:$0x4];
	s19 =	sadd.s32 $0x620, s16  }
0x40: {  	s21 =	sadd.s32 $0xC40, s16;
	s24 =	sadd.s32 $0x1260, s16;
	s26 =	sadd.s32 $0xE00, s0  }
0x41: {  	s0 =	sadd.s32 $0x7000, s0;
	[smem:$0x7EF] =	sst s7;
	s20 =	sadd.s32 s19, s12  }
0x42: {  	s3 =	sadd.s32 s19, s15;
	_ =	strace $0x80000047;
	[smem:$0x7F6] =	sst s20  }
0x43: {  	s17 =	simm.s32 $0x10600;
	s22 =	sadd.s32 s21, s12;
	[smem:$0x7F7] =	sst s3  }
0x44: {  	s23 =	sadd.s32 s21, s15;
	s21 =	sadd.s32 s16, s15;
	[smem:$0x7F8] =	sst s22  }
0x45: {  	s25 =	sadd.s32 s24, s12;
	s7 =	simm.s32 $0x10000;
	[smem:$0x7F9] =	sst s23  }
.Ltmp0:
0x46: {  	s19 =	simm.s32 $0x20;
	[smem:$0x7FA] =	sst s25;
	(pc) =	sbr.rel .LBB2_1-.Ltmp0, $4  }
0x47: {  	s20 =	sadd.s32 s16, s12;
	s3 =	sadd.s32 s24, s15;
	[smem:$0x7FC] =	sst s26  }
0x48: {  	[smem:$0x7FD] =	sst s0;
	s26 =	smax.u32 s2, $0x1;
	s0 =	simm.s32 $0x1  }
0x49: {  	s2 =	simm.s32 $0x8000;
	s16 =	simm.s32 $0x10500;
	s22 =	simm.s32 $0x10  }
0x4a: {  	v0 =	vimm.f32 $0.0e+00;
	s23 =	simm.s32 $0x0;
	[smem:$0x7FB] =	sst s3;
	s3 =	simm.s32 $0xC000  }
.LBB2_53:
0x4b: {  	[bflag:$0x0] =	sbarrier.arrive $0xFFFF  }
0x4c: {  	s8 =	stileid.u32;
	s24 =	sld [smem:$0x7FC]  }
0x4d: {  	s8 =	sshll.u32 s8, $0x6  }
0x4e: {  	s9 =	sshrl.u32 s20, $0x3;
	s8 =	sor.u32 $0x1C03, s8  }
0x4f: {  	[hbm:s24@s19], [sflag:s8] =	dma.strided [spmem:s9@s22], $0x310, s0, $0x10   }
0x50: {  	_ =	swait.ge [sflag:s31], $0x310  }
0x51: {  	s23 =	sadd.s32 $0x1, s23;
	s25 =	sld [smem:$0x7FD]  }
0x52: {  	p1 =	sne.s32 s23, s26;
	[sflag:s31] =	ssyncset.done $0x0  }
.Ltmp1:
0x53: {  	s24 =	sshrl.u32 s21, $0x3;
	[sflag:s31] =	ssyncadd.s32 $0xFFFFFCF0;
	(pc) =	sbr.rel @!p1 .LBB2_54-.Ltmp1, $4  }
0x54: {  	[hbm:s25@s19], [sflag:s8] =	dma.strided [spmem:s24@s22], $0x310, s0, $0x10   }
0x55: {  	_ =	swait.ge [sflag:s31], $0x310  }
0x56: {  	[sflag:s31] =	ssyncset.done $0x0  }
0x57: {  	[sflag:s31] =	ssyncadd.s32 $0xFFFFFCF0  }
.LBB2_1:
0x58: {  	s8 =	rddreg [dreg:$0x7]  }
0x59: {  	[tilespmem:s1], [sflag:$0x1] =	stream.linear.gather [hbm4b:s8+s1], $0x4000, $0x38;
	[tilespmem:$0x15780] =	vst v63  }
0x5a: {  	s24 =	rddreg [dreg:$0x15]  }
0x5b: {  	[tilespmem:s28], [sflag:$0x1] =	stream.linear.gather [hbm4b:s24+s1], $0x2000, $0x38;
	[tilespmem:$0x15780] =	vst v63  }
0x5c: {  	s25 =	rddreg [dreg:$0x16];
	s8 =	simm.s32 $0x40;
	s24 =	simm.s32 $0x0  }
0x5d: {  	[tilespmem:s29], [sflag:$0x1] =	stream.linear.gather [hbm4b:s25+s1], $0x2000, $0x38;
	[tilespmem:$0x15780] =	vst v63  }
.LBB2_2:
0x5e: {  	p1 =	sne.s32 s8, $0x1840;
	[tilespmem:s24+$0x12000] =	vst v0;
	s24 =	smov.u32 s8;
	s8 =	sadd.s32 $0x40, s8  }
.Ltmp2:
0x5f: {  	(pc) =	sbr.rel @p1 .LBB2_2-.Ltmp2, $2  }
0x60: {  	_ =	sdelay $0x2  }
0x61: {  	s24 =	sshra.s32 s24, $0x2  }
0x62: {  	[tilespmem:s24+$0x12000] =	vst v0  }
0x63: {  	[spmem:s20] =	stream.linear.scatter [tilespmem:s30], [sflag:$0x3], $0x620, $0x38;
	[tilespmem:$0x15780] =	vst v63  }
0x64: {  	_ =	swait.ge [sflag:s31], $0x620  }
0x65: {  	[sflag:s31] =	ssyncset.done $0x0  }
0x66: {  	[sflag:s31] =	ssyncadd.s32 $0xFFFFF9E0  }
0x67: {  	[spmem:s21] =	stream.linear.scatter [tilespmem:s30], [sflag:$0x3], $0x620, $0x38;
	[tilespmem:$0x15780] =	vst v63  }
0x68: {  	_ =	swait.ge [sflag:s31], $0x620  }
0x69: {  	s8 =	sld [smem:$0x7F6]  }
0x6a: {  	[sflag:s31] =	ssyncset.done $0x0  }
0x6b: {  	[sflag:s31] =	ssyncadd.s32 $0xFFFFF9E0  }
0x6c: {  	[spmem:s8] =	stream.linear.scatter [tilespmem:s30], [sflag:$0x3], $0x620, $0x38;
	[tilespmem:$0x15780] =	vst v63  }
0x6d: {  	_ =	swait.ge [sflag:s31], $0x620  }
0x6e: {  	s25 =	sld [smem:$0x7F7]  }
0x6f: {  	[sflag:s31] =	ssyncset.done $0x0  }
0x70: {  	[sflag:s31] =	ssyncadd.s32 $0xFFFFF9E0  }
0x71: {  	[spmem:s25] =	stream.linear.scatter [tilespmem:s30], [sflag:$0x3], $0x620, $0x38;
	[tilespmem:$0x15780] =	vst v63  }
0x72: {  	_ =	swait.ge [sflag:s31], $0x620  }
0x73: {  	s9 =	sld [smem:$0x7F8]  }
0x74: {  	[sflag:s31] =	ssyncset.done $0x0  }
0x75: {  	[sflag:s31] =	ssyncadd.s32 $0xFFFFF9E0  }
0x76: {  	[spmem:s9] =	stream.linear.scatter [tilespmem:s30], [sflag:$0x3], $0x620, $0x38;
	[tilespmem:$0x15780] =	vst v63  }
0x77: {  	_ =	swait.ge [sflag:s31], $0x620  }
0x78: {  	s24 =	sld [smem:$0x7F9]  }
0x79: {  	[sflag:s31] =	ssyncset.done $0x0  }
0x7a: {  	[sflag:s31] =	ssyncadd.s32 $0xFFFFF9E0  }
0x7b: {  	[spmem:s24] =	stream.linear.scatter [tilespmem:s30], [sflag:$0x3], $0x620, $0x38;
	[tilespmem:$0x15780] =	vst v63  }
0x7c: {  	_ =	swait.ge [sflag:s31], $0x620  }
0x7d: {  	s25 =	sld [smem:$0x7FA]  }
0x7e: {  	[sflag:s31] =	ssyncset.done $0x0  }
0x7f: {  	[sflag:s31] =	ssyncadd.s32 $0xFFFFF9E0  }
0x80: {  	[spmem:s25] =	stream.linear.scatter [tilespmem:s30], [sflag:$0x3], $0x620, $0x38;
	[tilespmem:$0x15780] =	vst v63  }
0x81: {  	_ =	swait.ge [sflag:s31], $0x620  }
0x82: {  	s9 =	sld [smem:$0x7FB]  }
0x83: {  	[sflag:s31] =	ssyncset.done $0x0  }
0x84: {  	[sflag:s31] =	ssyncadd.s32 $0xFFFFF9E0  }
0x85: {  	[spmem:s9] =	stream.linear.scatter [tilespmem:s30], [sflag:$0x3], $0x620, $0x38;
	[tilespmem:$0x15780] =	vst v63  }
0x86: {  	_ =	swait.ge [sflag:s31], $0x620  }
0x87: {  	[sflag:s31] =	ssyncset.done $0x0  }
0x88: {  	[sflag:s31] =	ssyncadd.s32 $0xFFFFF9E0  }
0x89: {  	[bflag:$0x0] =	sbarrier.arrive $0xFFFF  }
0x8a: {  	_ =	swait.ge [sflag:s0], $0x4000  }
0x8b: {  	[sflag:s0] =	ssyncset.done $0x0  }
0x8c: {  	[sflag:s0] =	ssyncadd.s32 $0xFFFFC000  }
0x8d: {  	_ =	swait.ge [sflag:s0], $0x2000  }
0x8e: {  	[sflag:s0] =	ssyncset.done $0x0  }
0x8f: {  	[sflag:s0] =	ssyncadd.s32 $0xFFFFE000  }
0x90: {  	_ =	swait.ge [sflag:s0], $0x2000  }
0x91: {  	[sflag:s0] =	ssyncset.done $0x0  }
0x92: {  	s8 =	simm.s32 $0x0;
	s9 =	rddreg [dreg:$0x8];
	[sflag:s0] =	ssyncadd.s32 $0xFFFFE000  }
0x93: {  	[tilespmem:s2], [sflag:$0x1] =	stream.linear.gather [hbm4b:s9+s8], $0x4000, $0x38;
	[tilespmem:$0x15780] =	vst v63  }
0x94: {  	s24 =	rddreg [dreg:$0x17]  }
0x95: {  	[tilespmem:s3], [sflag:$0x1] =	stream.linear.gather [hbm4b:s24+s8], $0x2000, $0x38;
	[tilespmem:$0x15780] =	vst v63  }
0x96: {  	s25 =	rddreg [dreg:$0x18]  }
0x97: {  	[tilespmem:s4], [sflag:$0x1] =	stream.linear.gather [hbm4b:s25+s8], $0x2000, $0x38;
	[tilespmem:$0x15780] =	vst v63  }
0x98: {  	s9 =	simm.s32 $0x4000  }
0x99: {  	[spmem:s12] =	stream.indirect.scatter.add.f32 [tilespmem:s9], [sflag:$0x2], $0x1, s8, s5, $0xb8;
	[tilespmem:$0x15780] =	vst v63  }
0x9a: {  	s24 =	simm.s32 $0x200;
	s25 =	simm.s32 $0x6000  }
0x9b: {  	[spmem:s15] =	stream.indirect.scatter.add.f32 [tilespmem:s25], [sflag:$0x2], $0x1, s8, s5, $0xb8;
	[tilespmem:$0x15780] =	vst v63  }
.LBB2_4:
0x9c: {  	p1 =	sne.s32 s24, $0x7E00  }
.Ltmp3:
0x9d: {  	s9 =	sshra.s32 s24, $0x2;
	s24 =	sadd.s32 $0x200, s24;
	(pc) =	sbr.rel @p1 .LBB2_4-.Ltmp3, $4  }
0x9e: {  	s8 =	sadd.s32 $0x100, s8;
	s25 =	sadd.s32 $0x4000, s9  }
0x9f: {  	[spmem:s12] =	stream.indirect.scatter.add.f32 [tilespmem:s25], [sflag:$0x2], $0x1, s8, s5, $0xb8;
	[tilespmem:$0x15780] =	vst v63  }
0xa0: {  	s9 =	sadd.s32 $0x6000, s9  }
0xa1: {  	[spmem:s15] =	stream.indirect.scatter.add.f32 [tilespmem:s9], [sflag:$0x2], $0x1, s8, s5, $0xb8;
	[tilespmem:$0x15780] =	vst v63  }
0xa2: {  	_ =	swait.ge [sflag:s0], $0x4000  }
0xa3: {  	[sflag:s0] =	ssyncset.done $0x0  }
0xa4: {  	[sflag:s0] =	ssyncadd.s32 $0xFFFFC000  }
0xa5: {  	_ =	swait.ge [sflag:s0], $0x2000  }
0xa6: {  	[sflag:s0] =	ssyncset.done $0x0  }
0xa7: {  	[sflag:s0] =	ssyncadd.s32 $0xFFFFE000  }
0xa8: {  	_ =	swait.ge [sflag:s0], $0x2000  }
0xa9: {  	[sflag:s0] =	ssyncset.done $0x0  }
0xaa: {  	[sflag:s0] =	ssyncadd.s32 $0xFFFFE000  }
0xab: {  	_ =	swait.ge [sflag:s6], $0x80  }
0xac: {  	s8 =	simm.s32 $0x7F;
	[sflag:s6] =	ssyncset.done $0x0  }
.LBB2_6:
0xad: {  	p1 =	sne.s32 s8, $0x1;
	s8 =	sadd.s32 $0xFFFFFFFF, s8;
	[sflag:s6] =	ssyncadd.s32 $0xFFFFFF80  }
.Ltmp4:
0xae: {  	(pc) =	sbr.rel @p1 .LBB2_6-.Ltmp4, $3  }
0xaf: {  	_ =	sdelay $0x1  }
0xb0: {  	_ =	swait.ge [sflag:s6], $0x80  }
0xb1: {  	[sflag:s6] =	ssyncset.done $0x0  }
0xb2: {  	[sflag:s6] =	ssyncadd.s32 $0xFFFFFF80;
	s8 =	simm.s32 $0x0;
	s9 =	rddreg [dreg:$0x9]  }
0xb3: {  	[tilespmem:s8], [sflag:$0x1] =	stream.linear.gather [hbm4b:s9+s8], $0x4000, $0x38;
	[tilespmem:$0x15780] =	vst v63  }
0xb4: {  	s24 =	rddreg [dreg:$0x19]  }
0xb5: {  	[tilespmem:s28], [sflag:$0x1] =	stream.linear.gather [hbm4b:s24+s8], $0x2000, $0x38;
	[tilespmem:$0x15780] =	vst v63  }
0xb6: {  	s25 =	rddreg [dreg:$0x1a]  }
0xb7: {  	[tilespmem:s29], [sflag:$0x1] =	stream.linear.gather [hbm4b:s25+s8], $0x2000, $0x38;
	[tilespmem:$0x15780] =	vst v63  }
0xb8: {  	s24 =	simm.s32 $0xC000;
	s8 =	simm.s32 $0x8000  }
0xb9: {  	[spmem:s12] =	stream.indirect.scatter.add.f32 [tilespmem:s24], [sflag:$0x2], $0x1, s8, s5, $0xb8;
	[tilespmem:$0x15780] =	vst v63  }
0xba: {  	s25 =	simm.s32 $0xE000;
	s24 =	simm.s32 $0x200  }
0xbb: {  	[spmem:s15] =	stream.indirect.scatter.add.f32 [tilespmem:s25], [sflag:$0x2], $0x1, s8, s5, $0xb8;
	[tilespmem:$0x15780] =	vst v63  }
.LBB2_8:
0xbc: {  	p1 =	sne.s32 s24, $0x7E00  }
.Ltmp5:
0xbd: {  	s9 =	sshra.s32 s24, $0x2;
	s24 =	sadd.s32 $0x200, s24;
	(pc) =	sbr.rel @p1 .LBB2_8-.Ltmp5, $4  }
0xbe: {  	s8 =	sadd.s32 $0x100, s8;
	s25 =	sadd.s32 $0xC000, s9  }
0xbf: {  	[spmem:s12] =	stream.indirect.scatter.add.f32 [tilespmem:s25], [sflag:$0x2], $0x1, s8, s5, $0xb8;
	[tilespmem:$0x15780] =	vst v63  }
0xc0: {  	s9 =	sadd.s32 $0xE000, s9  }
0xc1: {  	[spmem:s15] =	stream.indirect.scatter.add.f32 [tilespmem:s9], [sflag:$0x2], $0x1, s8, s5, $0xb8;
	[tilespmem:$0x15780] =	vst v63  }
0xc2: {  	_ =	swait.ge [sflag:s0], $0x4000  }
0xc3: {  	[sflag:s0] =	ssyncset.done $0x0  }
0xc4: {  	[sflag:s0] =	ssyncadd.s32 $0xFFFFC000  }
0xc5: {  	_ =	swait.ge [sflag:s0], $0x2000  }
0xc6: {  	[sflag:s0] =	ssyncset.done $0x0  }
0xc7: {  	[sflag:s0] =	ssyncadd.s32 $0xFFFFE000  }
0xc8: {  	_ =	swait.ge [sflag:s0], $0x2000  }
0xc9: {  	[sflag:s0] =	ssyncset.done $0x0  }
0xca: {  	[sflag:s0] =	ssyncadd.s32 $0xFFFFE000  }
0xcb: {  	_ =	swait.ge [sflag:s6], $0x80  }
0xcc: {  	s8 =	simm.s32 $0x7F;
	[sflag:s6] =	ssyncset.done $0x0  }
.LBB2_10:
0xcd: {  	p1 =	sne.s32 s8, $0x1;
	s8 =	sadd.s32 $0xFFFFFFFF, s8;
	[sflag:s6] =	ssyncadd.s32 $0xFFFFFF80  }
.Ltmp6:
0xce: {  	(pc) =	sbr.rel @p1 .LBB2_10-.Ltmp6, $3  }
0xcf: {  	_ =	sdelay $0x1  }
0xd0: {  	_ =	swait.ge [sflag:s6], $0x80  }
0xd1: {  	[sflag:s6] =	ssyncset.done $0x0  }
0xd2: {  	[sflag:s6] =	ssyncadd.s32 $0xFFFFFF80;
	s8 =	simm.s32 $0x0;
	s9 =	rddreg [dreg:$0xa]  }
0xd3: {  	[tilespmem:s2], [sflag:$0x1] =	stream.linear.gather [hbm4b:s9+s8], $0x4000, $0x38;
	[tilespmem:$0x15780] =	vst v63  }
0xd4: {  	s24 =	rddreg [dreg:$0x1b]  }
0xd5: {  	[tilespmem:s3], [sflag:$0x1] =	stream.linear.gather [hbm4b:s24+s8], $0x2000, $0x38;
	[tilespmem:$0x15780] =	vst v63  }
0xd6: {  	s25 =	rddreg [dreg:$0x1c]  }
0xd7: {  	[tilespmem:s4], [sflag:$0x1] =	stream.linear.gather [hbm4b:s25+s8], $0x2000, $0x38;
	[tilespmem:$0x15780] =	vst v63  }
0xd8: {  	s24 =	simm.s32 $0x4000  }
0xd9: {  	[spmem:s12] =	stream.indirect.scatter.add.f32 [tilespmem:s24], [sflag:$0x2], $0x1, s8, s5, $0xb8;
	[tilespmem:$0x15780] =	vst v63  }
0xda: {  	s25 =	simm.s32 $0x6000;
	s24 =	simm.s32 $0x200  }
0xdb: {  	[spmem:s15] =	stream.indirect.scatter.add.f32 [tilespmem:s25], [sflag:$0x2], $0x1, s8, s5, $0xb8;
	[tilespmem:$0x15780] =	vst v63  }
.LBB2_12:
0xdc: {  	p1 =	sne.s32 s24, $0x7E00  }
.Ltmp7:
0xdd: {  	s9 =	sshra.s32 s24, $0x2;
	s24 =	sadd.s32 $0x200, s24;
	(pc) =	sbr.rel @p1 .LBB2_12-.Ltmp7, $4  }
0xde: {  	s8 =	sadd.s32 $0x100, s8;
	s25 =	sadd.s32 $0x4000, s9  }
0xdf: {  	[spmem:s12] =	stream.indirect.scatter.add.f32 [tilespmem:s25], [sflag:$0x2], $0x1, s8, s5, $0xb8;
	[tilespmem:$0x15780] =	vst v63  }
0xe0: {  	s9 =	sadd.s32 $0x6000, s9  }
0xe1: {  	[spmem:s15] =	stream.indirect.scatter.add.f32 [tilespmem:s9], [sflag:$0x2], $0x1, s8, s5, $0xb8;
	[tilespmem:$0x15780] =	vst v63  }
0xe2: {  	_ =	swait.ge [sflag:s0], $0x4000  }
0xe3: {  	[sflag:s0] =	ssyncset.done $0x0  }
0xe4: {  	[sflag:s0] =	ssyncadd.s32 $0xFFFFC000  }
0xe5: {  	_ =	swait.ge [sflag:s0], $0x2000  }
0xe6: {  	[sflag:s0] =	ssyncset.done $0x0  }
0xe7: {  	[sflag:s0] =	ssyncadd.s32 $0xFFFFE000  }
0xe8: {  	_ =	swait.ge [sflag:s0], $0x2000  }
0xe9: {  	[sflag:s0] =	ssyncset.done $0x0  }
0xea: {  	[sflag:s0] =	ssyncadd.s32 $0xFFFFE000  }
0xeb: {  	_ =	swait.ge [sflag:s6], $0x80  }
0xec: {  	s8 =	simm.s32 $0x7F;
	[sflag:s6] =	ssyncset.done $0x0  }
.LBB2_14:
0xed: {  	p1 =	sne.s32 s8, $0x1;
	s8 =	sadd.s32 $0xFFFFFFFF, s8;
	[sflag:s6] =	ssyncadd.s32 $0xFFFFFF80  }
.Ltmp8:
0xee: {  	(pc) =	sbr.rel @p1 .LBB2_14-.Ltmp8, $3  }
0xef: {  	_ =	sdelay $0x1  }
0xf0: {  	_ =	swait.ge [sflag:s6], $0x80  }
0xf1: {  	[sflag:s6] =	ssyncset.done $0x0  }
0xf2: {  	[sflag:s6] =	ssyncadd.s32 $0xFFFFFF80;
	s8 =	simm.s32 $0x0;
	s9 =	rddreg [dreg:$0xb]  }
0xf3: {  	[tilespmem:s8], [sflag:$0x1] =	stream.linear.gather [hbm4b:s9+s8], $0x4000, $0x38;
	[tilespmem:$0x15780] =	vst v63  }
0xf4: {  	s24 =	rddreg [dreg:$0x1d]  }
0xf5: {  	[tilespmem:s28], [sflag:$0x1] =	stream.linear.gather [hbm4b:s24+s8], $0x2000, $0x38;
	[tilespmem:$0x15780] =	vst v63  }
0xf6: {  	s25 =	rddreg [dreg:$0x1e]  }
0xf7: {  	[tilespmem:s29], [sflag:$0x1] =	stream.linear.gather [hbm4b:s25+s8], $0x2000, $0x38;
	[tilespmem:$0x15780] =	vst v63  }
0xf8: {  	s24 =	simm.s32 $0xC000;
	s8 =	simm.s32 $0x8000  }
0xf9: {  	[spmem:s12] =	stream.indirect.scatter.add.f32 [tilespmem:s24], [sflag:$0x2], $0x1, s8, s5, $0xb8;
	[tilespmem:$0x15780] =	vst v63  }
0xfa: {  	s25 =	simm.s32 $0xE000;
	s24 =	simm.s32 $0x200  }
0xfb: {  	[spmem:s15] =	stream.indirect.scatter.add.f32 [tilespmem:s25], [sflag:$0x2], $0x1, s8, s5, $0xb8;
	[tilespmem:$0x15780] =	vst v63  }
.LBB2_16:
0xfc: {  	p1 =	sne.s32 s24, $0x7E00  }
.Ltmp9:
0xfd: {  	s9 =	sshra.s32 s24, $0x2;
	s24 =	sadd.s32 $0x200, s24;
	(pc) =	sbr.rel @p1 .LBB2_16-.Ltmp9, $4  }
0xfe: {  	s8 =	sadd.s32 $0x100, s8;
	s25 =	sadd.s32 $0xC000, s9  }
0xff: {  	[spmem:s12] =	stream.indirect.scatter.add.f32 [tilespmem:s25], [sflag:$0x2], $0x1, s8, s5, $0xb8;
	[tilespmem:$0x15780] =	vst v63  }
0x100: {  	s9 =	sadd.s32 $0xE000, s9  }
0x101: {  	[spmem:s15] =	stream.indirect.scatter.add.f32 [tilespmem:s9], [sflag:$0x2], $0x1, s8, s5, $0xb8;
	[tilespmem:$0x15780] =	vst v63  }
0x102: {  	_ =	swait.ge [sflag:s0], $0x4000  }
0x103: {  	[sflag:s0] =	ssyncset.done $0x0  }
0x104: {  	[sflag:s0] =	ssyncadd.s32 $0xFFFFC000  }
0x105: {  	_ =	swait.ge [sflag:s0], $0x2000  }
0x106: {  	[sflag:s0] =	ssyncset.done $0x0  }
0x107: {  	[sflag:s0] =	ssyncadd.s32 $0xFFFFE000  }
0x108: {  	_ =	swait.ge [sflag:s0], $0x2000  }
0x109: {  	[sflag:s0] =	ssyncset.done $0x0  }
0x10a: {  	[sflag:s0] =	ssyncadd.s32 $0xFFFFE000  }
0x10b: {  	_ =	swait.ge [sflag:s6], $0x80  }
0x10c: {  	s8 =	simm.s32 $0x7F;
	[sflag:s6] =	ssyncset.done $0x0  }
.LBB2_18:
0x10d: {  	p1 =	sne.s32 s8, $0x1;
	s8 =	sadd.s32 $0xFFFFFFFF, s8;
	[sflag:s6] =	ssyncadd.s32 $0xFFFFFF80  }
.Ltmp10:
0x10e: {  	(pc) =	sbr.rel @p1 .LBB2_18-.Ltmp10, $3  }
0x10f: {  	_ =	sdelay $0x1  }
0x110: {  	_ =	swait.ge [sflag:s6], $0x80  }
0x111: {  	[sflag:s6] =	ssyncset.done $0x0  }
0x112: {  	s9 =	rddreg [dreg:$0xc]  }
0x113: {  	[sflag:s6] =	ssyncadd.s32 $0xFFFFFF80;
	s8 =	simm.s32 $0x0;
	s24 =	rddreg [dreg:$0x1f]  }
0x114: {  	[tilespmem:s2], [sflag:$0x1] =	stream.linear.gather [hbm4b:s9+s8], $0x4000, $0x38;
	[tilespmem:$0x15780] =	vst v63  }
0x115: {  	s25 =	sld [smem:$0x7E5]  }
0x116: {  	[tilespmem:s3], [sflag:$0x1] =	stream.linear.gather [hbm4b:s24+s8], $0x2000, $0x38;
	[tilespmem:$0x15780] =	vst v63  }
0x117: {  	_ = 	snop  }
0x118: {  	[tilespmem:s4], [sflag:$0x1] =	stream.linear.gather [hbm4b:s25+s8], $0x2000, $0x38;
	[tilespmem:$0x15780] =	vst v63  }
0x119: {  	s24 =	simm.s32 $0x4000  }
0x11a: {  	[spmem:s12] =	stream.indirect.scatter.add.f32 [tilespmem:s24], [sflag:$0x2], $0x1, s8, s5, $0xb8;
	[tilespmem:$0x15780] =	vst v63  }
0x11b: {  	s25 =	simm.s32 $0x6000;
	s24 =	simm.s32 $0x200  }
0x11c: {  	[spmem:s15] =	stream.indirect.scatter.add.f32 [tilespmem:s25], [sflag:$0x2], $0x1, s8, s5, $0xb8;
	[tilespmem:$0x15780] =	vst v63  }
.LBB2_20:
0x11d: {  	p1 =	sne.s32 s24, $0x7E00  }
.Ltmp11:
0x11e: {  	s9 =	sshra.s32 s24, $0x2;
	s24 =	sadd.s32 $0x200, s24;
	(pc) =	sbr.rel @p1 .LBB2_20-.Ltmp11, $4  }
0x11f: {  	s8 =	sadd.s32 $0x100, s8;
	s25 =	sadd.s32 $0x4000, s9  }
0x120: {  	[spmem:s12] =	stream.indirect.scatter.add.f32 [tilespmem:s25], [sflag:$0x2], $0x1, s8, s5, $0xb8;
	[tilespmem:$0x15780] =	vst v63  }
0x121: {  	s9 =	sadd.s32 $0x6000, s9  }
0x122: {  	[spmem:s15] =	stream.indirect.scatter.add.f32 [tilespmem:s9], [sflag:$0x2], $0x1, s8, s5, $0xb8;
	[tilespmem:$0x15780] =	vst v63  }
0x123: {  	_ =	swait.ge [sflag:s0], $0x4000  }
0x124: {  	[sflag:s0] =	ssyncset.done $0x0  }
0x125: {  	[sflag:s0] =	ssyncadd.s32 $0xFFFFC000  }
0x126: {  	_ =	swait.ge [sflag:s0], $0x2000  }
0x127: {  	[sflag:s0] =	ssyncset.done $0x0  }
0x128: {  	[sflag:s0] =	ssyncadd.s32 $0xFFFFE000  }
0x129: {  	_ =	swait.ge [sflag:s0], $0x2000  }
0x12a: {  	[sflag:s0] =	ssyncset.done $0x0  }
0x12b: {  	[sflag:s0] =	ssyncadd.s32 $0xFFFFE000  }
0x12c: {  	_ =	swait.ge [sflag:s6], $0x80  }
0x12d: {  	s8 =	simm.s32 $0x7F;
	[sflag:s6] =	ssyncset.done $0x0  }
.LBB2_22:
0x12e: {  	p1 =	sne.s32 s8, $0x1;
	s8 =	sadd.s32 $0xFFFFFFFF, s8;
	[sflag:s6] =	ssyncadd.s32 $0xFFFFFF80  }
.Ltmp12:
0x12f: {  	(pc) =	sbr.rel @p1 .LBB2_22-.Ltmp12, $3  }
0x130: {  	_ =	sdelay $0x1  }
0x131: {  	_ =	swait.ge [sflag:s6], $0x80  }
0x132: {  	[sflag:s6] =	ssyncset.done $0x0  }
0x133: {  	s9 =	rddreg [dreg:$0xd]  }
0x134: {  	[sflag:s6] =	ssyncadd.s32 $0xFFFFFF80;
	s8 =	simm.s32 $0x0;
	s24 =	sld [smem:$0x7E6]  }
0x135: {  	[tilespmem:s8], [sflag:$0x1] =	stream.linear.gather [hbm4b:s9+s8], $0x4000, $0x38;
	[tilespmem:$0x15780] =	vst v63  }
0x136: {  	s25 =	sld [smem:$0x7E7]  }
0x137: {  	[tilespmem:s28], [sflag:$0x1] =	stream.linear.gather [hbm4b:s24+s8], $0x2000, $0x38;
	[tilespmem:$0x15780] =	vst v63  }
0x138: {  	_ = 	snop  }
0x139: {  	[tilespmem:s29], [sflag:$0x1] =	stream.linear.gather [hbm4b:s25+s8], $0x2000, $0x38;
	[tilespmem:$0x15780] =	vst v63  }
0x13a: {  	s24 =	simm.s32 $0xC000;
	s8 =	simm.s32 $0x8000  }
0x13b: {  	[spmem:s12] =	stream.indirect.scatter.add.f32 [tilespmem:s24], [sflag:$0x2], $0x1, s8, s5, $0xb8;
	[tilespmem:$0x15780] =	vst v63  }
0x13c: {  	s25 =	simm.s32 $0xE000;
	s24 =	simm.s32 $0x200  }
0x13d: {  	[spmem:s15] =	stream.indirect.scatter.add.f32 [tilespmem:s25], [sflag:$0x2], $0x1, s8, s5, $0xb8;
	[tilespmem:$0x15780] =	vst v63  }
.LBB2_24:
0x13e: {  	p1 =	sne.s32 s24, $0x7E00  }
.Ltmp13:
0x13f: {  	s9 =	sshra.s32 s24, $0x2;
	s24 =	sadd.s32 $0x200, s24;
	(pc) =	sbr.rel @p1 .LBB2_24-.Ltmp13, $4  }
0x140: {  	s8 =	sadd.s32 $0x100, s8;
	s25 =	sadd.s32 $0xC000, s9  }
0x141: {  	[spmem:s12] =	stream.indirect.scatter.add.f32 [tilespmem:s25], [sflag:$0x2], $0x1, s8, s5, $0xb8;
	[tilespmem:$0x15780] =	vst v63  }
0x142: {  	s9 =	sadd.s32 $0xE000, s9  }
0x143: {  	[spmem:s15] =	stream.indirect.scatter.add.f32 [tilespmem:s9], [sflag:$0x2], $0x1, s8, s5, $0xb8;
	[tilespmem:$0x15780] =	vst v63  }
0x144: {  	_ =	swait.ge [sflag:s0], $0x4000  }
0x145: {  	[sflag:s0] =	ssyncset.done $0x0  }
0x146: {  	[sflag:s0] =	ssyncadd.s32 $0xFFFFC000  }
0x147: {  	_ =	swait.ge [sflag:s0], $0x2000  }
0x148: {  	[sflag:s0] =	ssyncset.done $0x0  }
0x149: {  	[sflag:s0] =	ssyncadd.s32 $0xFFFFE000  }
0x14a: {  	_ =	swait.ge [sflag:s0], $0x2000  }
0x14b: {  	[sflag:s0] =	ssyncset.done $0x0  }
0x14c: {  	[sflag:s0] =	ssyncadd.s32 $0xFFFFE000  }
0x14d: {  	_ =	swait.ge [sflag:s6], $0x80  }
0x14e: {  	s8 =	simm.s32 $0x7F;
	[sflag:s6] =	ssyncset.done $0x0  }
.LBB2_26:
0x14f: {  	p1 =	sne.s32 s8, $0x1;
	s8 =	sadd.s32 $0xFFFFFFFF, s8;
	[sflag:s6] =	ssyncadd.s32 $0xFFFFFF80  }
.Ltmp14:
0x150: {  	(pc) =	sbr.rel @p1 .LBB2_26-.Ltmp14, $3  }
0x151: {  	_ =	sdelay $0x1  }
0x152: {  	_ =	swait.ge [sflag:s6], $0x80  }
0x153: {  	[sflag:s6] =	ssyncset.done $0x0  }
0x154: {  	s9 =	rddreg [dreg:$0xe]  }
0x155: {  	[sflag:s6] =	ssyncadd.s32 $0xFFFFFF80;
	s8 =	simm.s32 $0x0;
	s24 =	sld [smem:$0x7E8]  }
0x156: {  	[tilespmem:s2], [sflag:$0x1] =	stream.linear.gather [hbm4b:s9+s8], $0x4000, $0x38;
	[tilespmem:$0x15780] =	vst v63  }
0x157: {  	s25 =	sld [smem:$0x7E9]  }
0x158: {  	[tilespmem:s3], [sflag:$0x1] =	stream.linear.gather [hbm4b:s24+s8], $0x2000, $0x38;
	[tilespmem:$0x15780] =	vst v63  }
0x159: {  	_ = 	snop  }
0x15a: {  	[tilespmem:s4], [sflag:$0x1] =	stream.linear.gather [hbm4b:s25+s8], $0x2000, $0x38;
	[tilespmem:$0x15780] =	vst v63  }
0x15b: {  	s24 =	simm.s32 $0x4000  }
0x15c: {  	[spmem:s12] =	stream.indirect.scatter.add.f32 [tilespmem:s24], [sflag:$0x2], $0x1, s8, s5, $0xb8;
	[tilespmem:$0x15780] =	vst v63  }
0x15d: {  	s25 =	simm.s32 $0x6000;
	s24 =	simm.s32 $0x200  }
0x15e: {  	[spmem:s15] =	stream.indirect.scatter.add.f32 [tilespmem:s25], [sflag:$0x2], $0x1, s8, s5, $0xb8;
	[tilespmem:$0x15780] =	vst v63  }
.LBB2_28:
0x15f: {  	p1 =	sne.s32 s24, $0x7E00  }
.Ltmp15:
0x160: {  	s9 =	sshra.s32 s24, $0x2;
	s24 =	sadd.s32 $0x200, s24;
	(pc) =	sbr.rel @p1 .LBB2_28-.Ltmp15, $4  }
0x161: {  	s8 =	sadd.s32 $0x100, s8;
	s25 =	sadd.s32 $0x4000, s9  }
0x162: {  	[spmem:s12] =	stream.indirect.scatter.add.f32 [tilespmem:s25], [sflag:$0x2], $0x1, s8, s5, $0xb8;
	[tilespmem:$0x15780] =	vst v63  }
0x163: {  	s9 =	sadd.s32 $0x6000, s9  }
0x164: {  	[spmem:s15] =	stream.indirect.scatter.add.f32 [tilespmem:s9], [sflag:$0x2], $0x1, s8, s5, $0xb8;
	[tilespmem:$0x15780] =	vst v63  }
0x165: {  	_ =	swait.ge [sflag:s0], $0x4000  }
0x166: {  	[sflag:s0] =	ssyncset.done $0x0  }
0x167: {  	[sflag:s0] =	ssyncadd.s32 $0xFFFFC000  }
0x168: {  	_ =	swait.ge [sflag:s0], $0x2000  }
0x169: {  	[sflag:s0] =	ssyncset.done $0x0  }
0x16a: {  	[sflag:s0] =	ssyncadd.s32 $0xFFFFE000  }
0x16b: {  	_ =	swait.ge [sflag:s0], $0x2000  }
0x16c: {  	[sflag:s0] =	ssyncset.done $0x0  }
0x16d: {  	[sflag:s0] =	ssyncadd.s32 $0xFFFFE000  }
0x16e: {  	_ =	swait.ge [sflag:s6], $0x80  }
0x16f: {  	s8 =	simm.s32 $0x7F;
	[sflag:s6] =	ssyncset.done $0x0  }
.LBB2_30:
0x170: {  	p1 =	sne.s32 s8, $0x1;
	s8 =	sadd.s32 $0xFFFFFFFF, s8;
	[sflag:s6] =	ssyncadd.s32 $0xFFFFFF80  }
.Ltmp16:
0x171: {  	(pc) =	sbr.rel @p1 .LBB2_30-.Ltmp16, $3  }
0x172: {  	_ =	sdelay $0x1  }
0x173: {  	_ =	swait.ge [sflag:s6], $0x80  }
0x174: {  	[sflag:s6] =	ssyncset.done $0x0  }
0x175: {  	s9 =	rddreg [dreg:$0xf]  }
0x176: {  	[sflag:s6] =	ssyncadd.s32 $0xFFFFFF80;
	s8 =	simm.s32 $0x0;
	s24 =	sld [smem:$0x7EA]  }
0x177: {  	[tilespmem:s8], [sflag:$0x1] =	stream.linear.gather [hbm4b:s9+s8], $0x4000, $0x38;
	[tilespmem:$0x15780] =	vst v63  }
0x178: {  	s25 =	sld [smem:$0x7EB]  }
0x179: {  	[tilespmem:s28], [sflag:$0x1] =	stream.linear.gather [hbm4b:s24+s8], $0x2000, $0x38;
	[tilespmem:$0x15780] =	vst v63  }
0x17a: {  	_ = 	snop  }
0x17b: {  	[tilespmem:s29], [sflag:$0x1] =	stream.linear.gather [hbm4b:s25+s8], $0x2000, $0x38;
	[tilespmem:$0x15780] =	vst v63  }
0x17c: {  	s24 =	simm.s32 $0xC000;
	s8 =	simm.s32 $0x8000  }
0x17d: {  	[spmem:s12] =	stream.indirect.scatter.add.f32 [tilespmem:s24], [sflag:$0x2], $0x1, s8, s5, $0xb8;
	[tilespmem:$0x15780] =	vst v63  }
0x17e: {  	s25 =	simm.s32 $0xE000;
	s24 =	simm.s32 $0x200  }
0x17f: {  	[spmem:s15] =	stream.indirect.scatter.add.f32 [tilespmem:s25], [sflag:$0x2], $0x1, s8, s5, $0xb8;
	[tilespmem:$0x15780] =	vst v63  }
.LBB2_32:
0x180: {  	p1 =	sne.s32 s24, $0x7E00  }
.Ltmp17:
0x181: {  	s9 =	sshra.s32 s24, $0x2;
	s24 =	sadd.s32 $0x200, s24;
	(pc) =	sbr.rel @p1 .LBB2_32-.Ltmp17, $4  }
0x182: {  	s8 =	sadd.s32 $0x100, s8;
	s25 =	sadd.s32 $0xC000, s9  }
0x183: {  	[spmem:s12] =	stream.indirect.scatter.add.f32 [tilespmem:s25], [sflag:$0x2], $0x1, s8, s5, $0xb8;
	[tilespmem:$0x15780] =	vst v63  }
0x184: {  	s9 =	sadd.s32 $0xE000, s9  }
0x185: {  	[spmem:s15] =	stream.indirect.scatter.add.f32 [tilespmem:s9], [sflag:$0x2], $0x1, s8, s5, $0xb8;
	[tilespmem:$0x15780] =	vst v63  }
0x186: {  	_ =	swait.ge [sflag:s0], $0x4000  }
0x187: {  	[sflag:s0] =	ssyncset.done $0x0  }
0x188: {  	[sflag:s0] =	ssyncadd.s32 $0xFFFFC000  }
0x189: {  	_ =	swait.ge [sflag:s0], $0x2000  }
0x18a: {  	[sflag:s0] =	ssyncset.done $0x0  }
0x18b: {  	[sflag:s0] =	ssyncadd.s32 $0xFFFFE000  }
0x18c: {  	_ =	swait.ge [sflag:s0], $0x2000  }
0x18d: {  	[sflag:s0] =	ssyncset.done $0x0  }
0x18e: {  	[sflag:s0] =	ssyncadd.s32 $0xFFFFE000  }
0x18f: {  	_ =	swait.ge [sflag:s6], $0x80  }
0x190: {  	s8 =	simm.s32 $0x7F;
	[sflag:s6] =	ssyncset.done $0x0  }
.LBB2_34:
0x191: {  	p1 =	sne.s32 s8, $0x1;
	s8 =	sadd.s32 $0xFFFFFFFF, s8;
	[sflag:s6] =	ssyncadd.s32 $0xFFFFFF80  }
.Ltmp18:
0x192: {  	(pc) =	sbr.rel @p1 .LBB2_34-.Ltmp18, $3  }
0x193: {  	_ =	sdelay $0x1  }
0x194: {  	_ =	swait.ge [sflag:s6], $0x80  }
0x195: {  	[sflag:s6] =	ssyncset.done $0x0  }
0x196: {  	s9 =	rddreg [dreg:$0x10]  }
0x197: {  	[sflag:s6] =	ssyncadd.s32 $0xFFFFFF80;
	s8 =	simm.s32 $0x0;
	s24 =	sld [smem:$0x7EC]  }
0x198: {  	[tilespmem:s2], [sflag:$0x1] =	stream.linear.gather [hbm4b:s9+s8], $0x4000, $0x38;
	[tilespmem:$0x15780] =	vst v63  }
0x199: {  	s25 =	sld [smem:$0x7ED]  }
0x19a: {  	[tilespmem:s3], [sflag:$0x1] =	stream.linear.gather [hbm4b:s24+s8], $0x2000, $0x38;
	[tilespmem:$0x15780] =	vst v63  }
0x19b: {  	_ = 	snop  }
0x19c: {  	[tilespmem:s4], [sflag:$0x1] =	stream.linear.gather [hbm4b:s25+s8], $0x2000, $0x38;
	[tilespmem:$0x15780] =	vst v63  }
0x19d: {  	s24 =	simm.s32 $0x4000  }
0x19e: {  	[spmem:s12] =	stream.indirect.scatter.add.f32 [tilespmem:s24], [sflag:$0x2], $0x1, s8, s5, $0xb8;
	[tilespmem:$0x15780] =	vst v63  }
0x19f: {  	s25 =	simm.s32 $0x6000;
	s24 =	simm.s32 $0x200  }
0x1a0: {  	[spmem:s15] =	stream.indirect.scatter.add.f32 [tilespmem:s25], [sflag:$0x2], $0x1, s8, s5, $0xb8;
	[tilespmem:$0x15780] =	vst v63  }
.LBB2_36:
0x1a1: {  	p1 =	sne.s32 s24, $0x7E00  }
.Ltmp19:
0x1a2: {  	s9 =	sshra.s32 s24, $0x2;
	s24 =	sadd.s32 $0x200, s24;
	(pc) =	sbr.rel @p1 .LBB2_36-.Ltmp19, $4  }
0x1a3: {  	s8 =	sadd.s32 $0x100, s8;
	s25 =	sadd.s32 $0x4000, s9  }
0x1a4: {  	[spmem:s12] =	stream.indirect.scatter.add.f32 [tilespmem:s25], [sflag:$0x2], $0x1, s8, s5, $0xb8;
	[tilespmem:$0x15780] =	vst v63  }
0x1a5: {  	s9 =	sadd.s32 $0x6000, s9  }
0x1a6: {  	[spmem:s15] =	stream.indirect.scatter.add.f32 [tilespmem:s9], [sflag:$0x2], $0x1, s8, s5, $0xb8;
	[tilespmem:$0x15780] =	vst v63  }
0x1a7: {  	_ =	swait.ge [sflag:s0], $0x4000  }
0x1a8: {  	[sflag:s0] =	ssyncset.done $0x0  }
0x1a9: {  	[sflag:s0] =	ssyncadd.s32 $0xFFFFC000  }
0x1aa: {  	_ =	swait.ge [sflag:s0], $0x2000  }
0x1ab: {  	[sflag:s0] =	ssyncset.done $0x0  }
0x1ac: {  	[sflag:s0] =	ssyncadd.s32 $0xFFFFE000  }
0x1ad: {  	_ =	swait.ge [sflag:s0], $0x2000  }
0x1ae: {  	[sflag:s0] =	ssyncset.done $0x0  }
0x1af: {  	[sflag:s0] =	ssyncadd.s32 $0xFFFFE000  }
0x1b0: {  	_ =	swait.ge [sflag:s6], $0x80  }
0x1b1: {  	s8 =	simm.s32 $0x7F;
	[sflag:s6] =	ssyncset.done $0x0  }
.LBB2_38:
0x1b2: {  	p1 =	sne.s32 s8, $0x1;
	s8 =	sadd.s32 $0xFFFFFFFF, s8;
	[sflag:s6] =	ssyncadd.s32 $0xFFFFFF80  }
.Ltmp20:
0x1b3: {  	(pc) =	sbr.rel @p1 .LBB2_38-.Ltmp20, $3  }
0x1b4: {  	_ =	sdelay $0x1  }
0x1b5: {  	_ =	swait.ge [sflag:s6], $0x80  }
0x1b6: {  	[sflag:s6] =	ssyncset.done $0x0  }
0x1b7: {  	s9 =	rddreg [dreg:$0x11]  }
0x1b8: {  	[sflag:s6] =	ssyncadd.s32 $0xFFFFFF80;
	s8 =	simm.s32 $0x0;
	s24 =	sld [smem:$0x7EE]  }
0x1b9: {  	[tilespmem:s8], [sflag:$0x1] =	stream.linear.gather [hbm4b:s9+s8], $0x4000, $0x38;
	[tilespmem:$0x15780] =	vst v63  }
0x1ba: {  	s25 =	sld [smem:$0x7EF]  }
0x1bb: {  	[tilespmem:s28], [sflag:$0x1] =	stream.linear.gather [hbm4b:s24+s8], $0x2000, $0x38;
	[tilespmem:$0x15780] =	vst v63  }
0x1bc: {  	_ = 	snop  }
0x1bd: {  	[tilespmem:s29], [sflag:$0x1] =	stream.linear.gather [hbm4b:s25+s8], $0x2000, $0x38;
	[tilespmem:$0x15780] =	vst v63  }
0x1be: {  	s24 =	simm.s32 $0xC000;
	s8 =	simm.s32 $0x8000  }
0x1bf: {  	[spmem:s12] =	stream.indirect.scatter.add.f32 [tilespmem:s24], [sflag:$0x2], $0x1, s8, s5, $0xb8;
	[tilespmem:$0x15780] =	vst v63  }
0x1c0: {  	s25 =	simm.s32 $0xE000;
	s24 =	simm.s32 $0x200  }
0x1c1: {  	[spmem:s15] =	stream.indirect.scatter.add.f32 [tilespmem:s25], [sflag:$0x2], $0x1, s8, s5, $0xb8;
	[tilespmem:$0x15780] =	vst v63  }
.LBB2_40:
0x1c2: {  	p1 =	sne.s32 s24, $0x7E00  }
.Ltmp21:
0x1c3: {  	s9 =	sshra.s32 s24, $0x2;
	s24 =	sadd.s32 $0x200, s24;
	(pc) =	sbr.rel @p1 .LBB2_40-.Ltmp21, $4  }
0x1c4: {  	s8 =	sadd.s32 $0x100, s8;
	s25 =	sadd.s32 $0xC000, s9  }
0x1c5: {  	[spmem:s12] =	stream.indirect.scatter.add.f32 [tilespmem:s25], [sflag:$0x2], $0x1, s8, s5, $0xb8;
	[tilespmem:$0x15780] =	vst v63  }
0x1c6: {  	s9 =	sadd.s32 $0xE000, s9  }
0x1c7: {  	[spmem:s15] =	stream.indirect.scatter.add.f32 [tilespmem:s9], [sflag:$0x2], $0x1, s8, s5, $0xb8;
	[tilespmem:$0x15780] =	vst v63  }
0x1c8: {  	_ =	swait.ge [sflag:s0], $0x4000  }
0x1c9: {  	[sflag:s0] =	ssyncset.done $0x0  }
0x1ca: {  	[sflag:s0] =	ssyncadd.s32 $0xFFFFC000  }
0x1cb: {  	_ =	swait.ge [sflag:s0], $0x2000  }
0x1cc: {  	[sflag:s0] =	ssyncset.done $0x0  }
0x1cd: {  	[sflag:s0] =	ssyncadd.s32 $0xFFFFE000  }
0x1ce: {  	_ =	swait.ge [sflag:s0], $0x2000  }
0x1cf: {  	[sflag:s0] =	ssyncset.done $0x0  }
0x1d0: {  	[sflag:s0] =	ssyncadd.s32 $0xFFFFE000  }
0x1d1: {  	_ =	swait.ge [sflag:s6], $0x80  }
0x1d2: {  	s8 =	simm.s32 $0x7F;
	[sflag:s6] =	ssyncset.done $0x0  }
.LBB2_42:
0x1d3: {  	p1 =	sne.s32 s8, $0x1;
	s8 =	sadd.s32 $0xFFFFFFFF, s8;
	[sflag:s6] =	ssyncadd.s32 $0xFFFFFF80  }
.Ltmp22:
0x1d4: {  	(pc) =	sbr.rel @p1 .LBB2_42-.Ltmp22, $3  }
0x1d5: {  	_ =	sdelay $0x1  }
0x1d6: {  	_ =	swait.ge [sflag:s6], $0x80  }
0x1d7: {  	[sflag:s6] =	ssyncset.done $0x0  }
0x1d8: {  	s9 =	rddreg [dreg:$0x12]  }
0x1d9: {  	[sflag:s6] =	ssyncadd.s32 $0xFFFFFF80;
	s8 =	simm.s32 $0x0;
	s24 =	sld [smem:$0x7F0]  }
0x1da: {  	[tilespmem:s2], [sflag:$0x1] =	stream.linear.gather [hbm4b:s9+s8], $0x4000, $0x38;
	[tilespmem:$0x15780] =	vst v63  }
0x1db: {  	s25 =	sld [smem:$0x7F1]  }
0x1dc: {  	[tilespmem:s3], [sflag:$0x1] =	stream.linear.gather [hbm4b:s24+s8], $0x2000, $0x38;
	[tilespmem:$0x15780] =	vst v63  }
0x1dd: {  	_ = 	snop  }
0x1de: {  	[tilespmem:s4], [sflag:$0x1] =	stream.linear.gather [hbm4b:s25+s8], $0x2000, $0x38;
	[tilespmem:$0x15780] =	vst v63  }
0x1df: {  	s24 =	simm.s32 $0x4000  }
0x1e0: {  	[spmem:s12] =	stream.indirect.scatter.add.f32 [tilespmem:s24], [sflag:$0x2], $0x1, s8, s5, $0xb8;
	[tilespmem:$0x15780] =	vst v63  }
0x1e1: {  	s25 =	simm.s32 $0x6000;
	s24 =	simm.s32 $0x200  }
0x1e2: {  	[spmem:s15] =	stream.indirect.scatter.add.f32 [tilespmem:s25], [sflag:$0x2], $0x1, s8, s5, $0xb8;
	[tilespmem:$0x15780] =	vst v63  }
.LBB2_44:
0x1e3: {  	p1 =	sne.s32 s24, $0x7E00  }
.Ltmp23:
0x1e4: {  	s9 =	sshra.s32 s24, $0x2;
	s24 =	sadd.s32 $0x200, s24;
	(pc) =	sbr.rel @p1 .LBB2_44-.Ltmp23, $4  }
0x1e5: {  	s8 =	sadd.s32 $0x100, s8;
	s25 =	sadd.s32 $0x4000, s9  }
0x1e6: {  	[spmem:s12] =	stream.indirect.scatter.add.f32 [tilespmem:s25], [sflag:$0x2], $0x1, s8, s5, $0xb8;
	[tilespmem:$0x15780] =	vst v63  }
0x1e7: {  	s9 =	sadd.s32 $0x6000, s9  }
0x1e8: {  	[spmem:s15] =	stream.indirect.scatter.add.f32 [tilespmem:s9], [sflag:$0x2], $0x1, s8, s5, $0xb8;
	[tilespmem:$0x15780] =	vst v63  }
0x1e9: {  	_ =	swait.ge [sflag:s0], $0x4000  }
0x1ea: {  	[sflag:s0] =	ssyncset.done $0x0  }
0x1eb: {  	[sflag:s0] =	ssyncadd.s32 $0xFFFFC000  }
0x1ec: {  	_ =	swait.ge [sflag:s0], $0x2000  }
0x1ed: {  	[sflag:s0] =	ssyncset.done $0x0  }
0x1ee: {  	[sflag:s0] =	ssyncadd.s32 $0xFFFFE000  }
0x1ef: {  	_ =	swait.ge [sflag:s0], $0x2000  }
0x1f0: {  	[sflag:s0] =	ssyncset.done $0x0  }
0x1f1: {  	[sflag:s0] =	ssyncadd.s32 $0xFFFFE000  }
0x1f2: {  	_ =	swait.ge [sflag:s6], $0x80  }
0x1f3: {  	s8 =	simm.s32 $0x7F;
	[sflag:s6] =	ssyncset.done $0x0  }
.LBB2_46:
0x1f4: {  	p1 =	sne.s32 s8, $0x1;
	s8 =	sadd.s32 $0xFFFFFFFF, s8;
	[sflag:s6] =	ssyncadd.s32 $0xFFFFFF80  }
.Ltmp24:
0x1f5: {  	(pc) =	sbr.rel @p1 .LBB2_46-.Ltmp24, $3  }
0x1f6: {  	_ =	sdelay $0x1  }
0x1f7: {  	_ =	swait.ge [sflag:s6], $0x80  }
0x1f8: {  	[sflag:s6] =	ssyncset.done $0x0  }
0x1f9: {  	s9 =	rddreg [dreg:$0x13]  }
0x1fa: {  	[sflag:s6] =	ssyncadd.s32 $0xFFFFFF80;
	s8 =	simm.s32 $0x0;
	s25 =	sld [smem:$0x7F2]  }
0x1fb: {  	[tilespmem:s7], [sflag:$0x1] =	stream.linear.gather [hbm4b:s9+s8], $0x800, $0x38;
	[tilespmem:$0x15780] =	vst v63  }
0x1fc: {  	s24 =	simm.s32 $0x10800  }
0x1fd: {  	[tilespmem:s24], [sflag:$0x1] =	stream.linear.gather [hbm4b:s25+s8], $0x400, $0x38;
	[tilespmem:$0x15780] =	vst v63  }
0x1fe: {  	s24 =	sld [smem:$0x7F3];
	_ =	sdelay $0x1  }
0x1ff: {  	s25 =	simm.s32 $0x10C00  }
0x200: {  	[tilespmem:s25], [sflag:$0x1] =	stream.linear.gather [hbm4b:s24+s8], $0x400, $0x38;
	[tilespmem:$0x15780] =	vst v63  }
0x201: {  	s8 =	simm.s32 $0x8000;
	s24 =	simm.s32 $0xC000  }
0x202: {  	[spmem:s12] =	stream.indirect.scatter.add.f32 [tilespmem:s24], [sflag:$0x2], $0x1, s8, s5, $0xb8;
	[tilespmem:$0x15780] =	vst v63  }
0x203: {  	s25 =	simm.s32 $0xE000;
	s24 =	simm.s32 $0x200  }
0x204: {  	[spmem:s15] =	stream.indirect.scatter.add.f32 [tilespmem:s25], [sflag:$0x2], $0x1, s8, s5, $0xb8;
	[tilespmem:$0x15780] =	vst v63  }
.LBB2_48:
0x205: {  	p1 =	sne.s32 s24, $0x7E00  }
.Ltmp25:
0x206: {  	s9 =	sshra.s32 s24, $0x2;
	s24 =	sadd.s32 $0x200, s24;
	(pc) =	sbr.rel @p1 .LBB2_48-.Ltmp25, $4  }
0x207: {  	s8 =	sadd.s32 $0x100, s8;
	s25 =	sadd.s32 $0xC000, s9  }
0x208: {  	[spmem:s12] =	stream.indirect.scatter.add.f32 [tilespmem:s25], [sflag:$0x2], $0x1, s8, s5, $0xb8;
	[tilespmem:$0x15780] =	vst v63  }
0x209: {  	s9 =	sadd.s32 $0xE000, s9  }
0x20a: {  	[spmem:s15] =	stream.indirect.scatter.add.f32 [tilespmem:s9], [sflag:$0x2], $0x1, s8, s5, $0xb8;
	[tilespmem:$0x15780] =	vst v63  }
0x20b: {  	_ =	swait.ge [sflag:s0], $0x800  }
0x20c: {  	[sflag:s0] =	ssyncset.done $0x0  }
0x20d: {  	[sflag:s0] =	ssyncadd.s32 $0xFFFFF800  }
0x20e: {  	_ =	swait.ge [sflag:s0], $0x400  }
0x20f: {  	[sflag:s0] =	ssyncset.done $0x0  }
0x210: {  	[sflag:s0] =	ssyncadd.s32 $0xFFFFFC00  }
0x211: {  	_ =	swait.ge [sflag:s0], $0x400  }
0x212: {  	[sflag:s0] =	ssyncset.done $0x0  }
0x213: {  	[sflag:s0] =	ssyncadd.s32 $0xFFFFFC00  }
0x214: {  	_ =	swait.ge [sflag:s6], $0x80  }
0x215: {  	s8 =	simm.s32 $0x7F;
	[sflag:s6] =	ssyncset.done $0x0  }
.LBB2_50:
0x216: {  	p1 =	sne.s32 s8, $0x1;
	s8 =	sadd.s32 $0xFFFFFFFF, s8;
	[sflag:s6] =	ssyncadd.s32 $0xFFFFFF80  }
.Ltmp26:
0x217: {  	(pc) =	sbr.rel @p1 .LBB2_50-.Ltmp26, $3  }
0x218: {  	_ =	sdelay $0x1  }
0x219: {  	_ =	swait.ge [sflag:s6], $0x80  }
0x21a: {  	[sflag:s6] =	ssyncset.done $0x0  }
0x21b: {  	[sflag:s6] =	ssyncadd.s32 $0xFFFFFF80  }
0x21c: {  	s8 =	simm.s32 @!p0 $0x0;
	s9 =	simm.s32 @!p0 $0x11000;
	s24 =	rddreg [dreg:$0x14]  }
0x21d: {  	[tilespmem:s9], [sflag:$0x1] =	stream.linear.gather @!p0 [hbm4b:s24+s8], $0x800, $0x38;
	[tilespmem:$0x15780] =	vst v63  }
0x21e: {  	s24 =	sld [smem:$0x7F4];
	_ =	sdelay $0x1  }
0x21f: {  	s9 =	simm.s32 @!p0 $0x11800  }
0x220: {  	[tilespmem:s9], [sflag:$0x1] =	stream.linear.gather @!p0 [hbm4b:s24+s8], $0x400, $0x38;
	[tilespmem:$0x15780] =	vst v63  }
0x221: {  	s24 =	sld [smem:$0x7F5];
	_ =	sdelay $0x1  }
0x222: {  	s9 =	simm.s32 @!p0 $0x11C00  }
0x223: {  	[tilespmem:s9], [sflag:$0x1] =	stream.linear.gather @!p0 [hbm4b:s24+s8], $0x400, $0x38;
	[tilespmem:$0x15780] =	vst v63  }
0x224: {  	s25 =	simm.s32 $0x10800  }
0x225: {  	[spmem:s12] =	stream.indirect.scatter.add.f32 [tilespmem:s25], [sflag:$0x2], $0x1, s7, s5, $0xb8;
	[tilespmem:$0x15780] =	vst v63  }
0x226: {  	s9 =	simm.s32 $0x10C00  }
0x227: {  	[spmem:s15] =	stream.indirect.scatter.add.f32 [tilespmem:s9], [sflag:$0x2], $0x1, s7, s5, $0xb8;
	[tilespmem:$0x15780] =	vst v63  }
0x228: {  	s24 =	simm.s32 $0x10880  }
0x229: {  	[spmem:s12] =	stream.indirect.scatter.add.f32 [tilespmem:s24], [sflag:$0x2], $0x1, s10, s5, $0xb8;
	[tilespmem:$0x15780] =	vst v63  }
0x22a: {  	s25 =	simm.s32 $0x10C80  }
0x22b: {  	[spmem:s15] =	stream.indirect.scatter.add.f32 [tilespmem:s25], [sflag:$0x2], $0x1, s10, s5, $0xb8;
	[tilespmem:$0x15780] =	vst v63  }
0x22c: {  	s9 =	simm.s32 $0x10900  }
0x22d: {  	[spmem:s12] =	stream.indirect.scatter.add.f32 [tilespmem:s9], [sflag:$0x2], $0x1, s11, s5, $0xb8;
	[tilespmem:$0x15780] =	vst v63  }
0x22e: {  	s24 =	simm.s32 $0x10D00  }
0x22f: {  	[spmem:s15] =	stream.indirect.scatter.add.f32 [tilespmem:s24], [sflag:$0x2], $0x1, s11, s5, $0xb8;
	[tilespmem:$0x15780] =	vst v63  }
0x230: {  	s25 =	simm.s32 $0x10980  }
0x231: {  	[spmem:s12] =	stream.indirect.scatter.add.f32 [tilespmem:s25], [sflag:$0x2], $0x1, s13, s5, $0xb8;
	[tilespmem:$0x15780] =	vst v63  }
0x232: {  	s9 =	simm.s32 $0x10D80  }
0x233: {  	[spmem:s15] =	stream.indirect.scatter.add.f32 [tilespmem:s9], [sflag:$0x2], $0x1, s13, s5, $0xb8;
	[tilespmem:$0x15780] =	vst v63  }
0x234: {  	s24 =	simm.s32 $0x10A00  }
0x235: {  	[spmem:s12] =	stream.indirect.scatter.add.f32 [tilespmem:s24], [sflag:$0x2], $0x1, s14, s5, $0xb8;
	[tilespmem:$0x15780] =	vst v63  }
0x236: {  	s25 =	simm.s32 $0x10E00  }
0x237: {  	[spmem:s15] =	stream.indirect.scatter.add.f32 [tilespmem:s25], [sflag:$0x2], $0x1, s14, s5, $0xb8;
	[tilespmem:$0x15780] =	vst v63  }
0x238: {  	s9 =	simm.s32 $0x10A80  }
0x239: {  	[spmem:s12] =	stream.indirect.scatter.add.f32 [tilespmem:s9], [sflag:$0x2], $0x1, s16, s5, $0xb8;
	[tilespmem:$0x15780] =	vst v63  }
0x23a: {  	s24 =	simm.s32 $0x10E80  }
0x23b: {  	[spmem:s15] =	stream.indirect.scatter.add.f32 [tilespmem:s24], [sflag:$0x2], $0x1, s16, s5, $0xb8;
	[tilespmem:$0x15780] =	vst v63  }
0x23c: {  	s25 =	simm.s32 $0x10B00  }
0x23d: {  	[spmem:s12] =	stream.indirect.scatter.add.f32 [tilespmem:s25], [sflag:$0x2], $0x1, s17, s5, $0xb8;
	[tilespmem:$0x15780] =	vst v63  }
0x23e: {  	s9 =	simm.s32 $0x10F00  }
0x23f: {  	[spmem:s15] =	stream.indirect.scatter.add.f32 [tilespmem:s9], [sflag:$0x2], $0x1, s17, s5, $0xb8;
	[tilespmem:$0x15780] =	vst v63  }
0x240: {  	s24 =	simm.s32 $0x10B80  }
0x241: {  	[spmem:s12] =	stream.indirect.scatter.add.f32 [tilespmem:s24], [sflag:$0x2], $0x1, s18, s5, $0xb8;
	[tilespmem:$0x15780] =	vst v63  }
0x242: {  	s8 =	simm.s32 @!p0 $0x1;
	s25 =	simm.s32 $0x10F80  }
0x243: {  	[spmem:s15] =	stream.indirect.scatter.add.f32 [tilespmem:s25], [sflag:$0x2], $0x1, s18, s5, $0xb8;
	[tilespmem:$0x15780] =	vst v63  }
0x244: {  	_ =	swait.ge @!p0 [sflag:s8], $0x800  }
0x245: {  	[sflag:s8] =	ssyncset.done @!p0 $0x0  }
0x246: {  	[sflag:s8] =	ssyncadd.s32 @!p0 $0xFFFFF800  }
0x247: {  	_ =	swait.ge @!p0 [sflag:s8], $0x400  }
0x248: {  	[sflag:s8] =	ssyncset.done @!p0 $0x0  }
0x249: {  	[sflag:s8] =	ssyncadd.s32 @!p0 $0xFFFFFC00  }
0x24a: {  	_ =	swait.ge @!p0 [sflag:s8], $0x400  }
0x24b: {  	[sflag:s8] =	ssyncset.done @!p0 $0x0  }
0x24c: {  	[sflag:s8] =	ssyncadd.s32 @!p0 $0xFFFFFC00  }
0x24d: {  	_ =	swait.ge [sflag:s6], $0x80  }
0x24e: {  	[sflag:s6] =	ssyncset.done $0x0  }
0x24f: {  	[sflag:s6] =	ssyncadd.s32 $0xFFFFFF80  }
0x250: {  	_ =	swait.ge [sflag:s6], $0x80  }
0x251: {  	[sflag:s6] =	ssyncset.done $0x0  }
0x252: {  	[sflag:s6] =	ssyncadd.s32 $0xFFFFFF80  }
0x253: {  	_ =	swait.ge [sflag:s6], $0x80  }
0x254: {  	[sflag:s6] =	ssyncset.done $0x0  }
0x255: {  	[sflag:s6] =	ssyncadd.s32 $0xFFFFFF80  }
0x256: {  	_ =	swait.ge [sflag:s6], $0x80  }
0x257: {  	[sflag:s6] =	ssyncset.done $0x0  }
0x258: {  	[sflag:s6] =	ssyncadd.s32 $0xFFFFFF80  }
0x259: {  	_ =	swait.ge [sflag:s6], $0x80  }
0x25a: {  	[sflag:s6] =	ssyncset.done $0x0  }
0x25b: {  	[sflag:s6] =	ssyncadd.s32 $0xFFFFFF80  }
0x25c: {  	_ =	swait.ge [sflag:s6], $0x80  }
0x25d: {  	[sflag:s6] =	ssyncset.done $0x0  }
0x25e: {  	[sflag:s6] =	ssyncadd.s32 $0xFFFFFF80  }
0x25f: {  	_ =	swait.ge [sflag:s6], $0x80  }
0x260: {  	[sflag:s6] =	ssyncset.done $0x0  }
0x261: {  	[sflag:s6] =	ssyncadd.s32 $0xFFFFFF80  }
0x262: {  	_ =	swait.ge [sflag:s6], $0x80  }
0x263: {  	[sflag:s6] =	ssyncset.done $0x0  }
0x264: {  	[sflag:s6] =	ssyncadd.s32 $0xFFFFFF80  }
0x265: {  	_ =	swait.ge [sflag:s6], $0x80  }
0x266: {  	[sflag:s6] =	ssyncset.done $0x0  }
0x267: {  	[sflag:s6] =	ssyncadd.s32 $0xFFFFFF80  }
0x268: {  	_ =	swait.ge [sflag:s6], $0x80  }
0x269: {  	[sflag:s6] =	ssyncset.done $0x0  }
0x26a: {  	[sflag:s6] =	ssyncadd.s32 $0xFFFFFF80  }
0x26b: {  	_ =	swait.ge [sflag:s6], $0x80  }
0x26c: {  	[sflag:s6] =	ssyncset.done $0x0  }
0x26d: {  	[sflag:s6] =	ssyncadd.s32 $0xFFFFFF80  }
0x26e: {  	_ =	swait.ge [sflag:s6], $0x80  }
0x26f: {  	[sflag:s6] =	ssyncset.done $0x0  }
0x270: {  	[sflag:s6] =	ssyncadd.s32 $0xFFFFFF80  }
0x271: {  	_ =	swait.ge [sflag:s6], $0x80  }
0x272: {  	[sflag:s6] =	ssyncset.done $0x0  }
0x273: {  	[sflag:s6] =	ssyncadd.s32 $0xFFFFFF80  }
0x274: {  	_ =	swait.ge [sflag:s6], $0x80  }
0x275: {  	[sflag:s6] =	ssyncset.done $0x0  }
0x276: {  	[sflag:s6] =	ssyncadd.s32 $0xFFFFFF80  }
0x277: {  	_ =	swait.ge [sflag:s6], $0x80  }
.Ltmp27:
0x278: {  	[sflag:s6] =	ssyncset.done $0x0;
	(pc) =	sbr.rel @p0 .LBB2_53-.Ltmp27, $4  }
0x279: {  	[sflag:s6] =	ssyncadd.s32 $0xFFFFFF80  }
0x27a: {  	_ =	swait.ge [sflag:s6], $0x80  }
0x27b: {  	[sflag:s6] =	ssyncset.done $0x0  }
0x27c: {  	[sflag:s6] =	ssyncadd.s32 $0xFFFFFF80  }
0x27d: {  	s8 =	simm.s32 $0x11000;
	s9 =	simm.s32 $0x11800  }
0x27e: {  	[spmem:s12] =	stream.indirect.scatter.add.f32 [tilespmem:s9], [sflag:$0x2], $0x1, s8, s5, $0xb8;
	[tilespmem:$0x15780] =	vst v63  }
0x27f: {  	s25 =	simm.s32 $0x11C00  }
0x280: {  	[spmem:s15] =	stream.indirect.scatter.add.f32 [tilespmem:s25], [sflag:$0x2], $0x1, s8, s5, $0xb8;
	[tilespmem:$0x15780] =	vst v63  }
0x281: {  	s24 =	simm.s32 $0x11880;
	s8 =	simm.s32 $0x11100  }
0x282: {  	[spmem:s12] =	stream.indirect.scatter.add.f32 [tilespmem:s24], [sflag:$0x2], $0x1, s8, s5, $0xb8;
	[tilespmem:$0x15780] =	vst v63  }
0x283: {  	s25 =	simm.s32 $0x11C80  }
0x284: {  	[spmem:s15] =	stream.indirect.scatter.add.f32 [tilespmem:s25], [sflag:$0x2], $0x1, s8, s5, $0xb8;
	[tilespmem:$0x15780] =	vst v63  }
0x285: {  	s24 =	simm.s32 $0x11900;
	s8 =	simm.s32 $0x11200  }
0x286: {  	[spmem:s12] =	stream.indirect.scatter.add.f32 [tilespmem:s24], [sflag:$0x2], $0x1, s8, s5, $0xb8;
	[tilespmem:$0x15780] =	vst v63  }
0x287: {  	s25 =	simm.s32 $0x11D00  }
0x288: {  	[spmem:s15] =	stream.indirect.scatter.add.f32 [tilespmem:s25], [sflag:$0x2], $0x1, s8, s5, $0xb8;
	[tilespmem:$0x15780] =	vst v63  }
0x289: {  	s24 =	simm.s32 $0x11980;
	s8 =	simm.s32 $0x11300  }
0x28a: {  	[spmem:s12] =	stream.indirect.scatter.add.f32 [tilespmem:s24], [sflag:$0x2], $0x1, s8, s5, $0xb8;
	[tilespmem:$0x15780] =	vst v63  }
0x28b: {  	s25 =	simm.s32 $0x11D80  }
0x28c: {  	[spmem:s15] =	stream.indirect.scatter.add.f32 [tilespmem:s25], [sflag:$0x2], $0x1, s8, s5, $0xb8;
	[tilespmem:$0x15780] =	vst v63  }
0x28d: {  	s24 =	simm.s32 $0x11A00;
	s8 =	simm.s32 $0x11400  }
0x28e: {  	[spmem:s12] =	stream.indirect.scatter.add.f32 [tilespmem:s24], [sflag:$0x2], $0x1, s8, s5, $0xb8;
	[tilespmem:$0x15780] =	vst v63  }
0x28f: {  	s25 =	simm.s32 $0x11E00  }
0x290: {  	[spmem:s15] =	stream.indirect.scatter.add.f32 [tilespmem:s25], [sflag:$0x2], $0x1, s8, s5, $0xb8;
	[tilespmem:$0x15780] =	vst v63  }
0x291: {  	s24 =	simm.s32 $0x11A80;
	s8 =	simm.s32 $0x11500  }
0x292: {  	[spmem:s12] =	stream.indirect.scatter.add.f32 [tilespmem:s24], [sflag:$0x2], $0x1, s8, s5, $0xb8;
	[tilespmem:$0x15780] =	vst v63  }
0x293: {  	s25 =	simm.s32 $0x11E80  }
0x294: {  	[spmem:s15] =	stream.indirect.scatter.add.f32 [tilespmem:s25], [sflag:$0x2], $0x1, s8, s5, $0xb8;
	[tilespmem:$0x15780] =	vst v63  }
0x295: {  	s24 =	simm.s32 $0x11B00;
	s8 =	simm.s32 $0x11600  }
0x296: {  	[spmem:s12] =	stream.indirect.scatter.add.f32 [tilespmem:s24], [sflag:$0x2], $0x1, s8, s5, $0xb8;
	[tilespmem:$0x15780] =	vst v63  }
0x297: {  	s25 =	simm.s32 $0x11F00  }
0x298: {  	[spmem:s15] =	stream.indirect.scatter.add.f32 [tilespmem:s25], [sflag:$0x2], $0x1, s8, s5, $0xb8;
	[tilespmem:$0x15780] =	vst v63  }
0x299: {  	s24 =	simm.s32 $0x11B80;
	s8 =	simm.s32 $0x11700  }
0x29a: {  	[spmem:s12] =	stream.indirect.scatter.add.f32 [tilespmem:s24], [sflag:$0x2], $0x1, s8, s5, $0xb8;
	[tilespmem:$0x15780] =	vst v63  }
0x29b: {  	s25 =	simm.s32 $0x11F80  }
0x29c: {  	[spmem:s15] =	stream.indirect.scatter.add.f32 [tilespmem:s25], [sflag:$0x2], $0x1, s8, s5, $0xb8;
	[tilespmem:$0x15780] =	vst v63  }
0x29d: {  	_ =	swait.ge [sflag:s6], $0x80  }
0x29e: {  	[sflag:s6] =	ssyncset.done $0x0  }
0x29f: {  	[sflag:s6] =	ssyncadd.s32 $0xFFFFFF80  }
0x2a0: {  	_ =	swait.ge [sflag:s6], $0x80  }
0x2a1: {  	[sflag:s6] =	ssyncset.done $0x0  }
0x2a2: {  	[sflag:s6] =	ssyncadd.s32 $0xFFFFFF80  }
0x2a3: {  	_ =	swait.ge [sflag:s6], $0x80  }
0x2a4: {  	[sflag:s6] =	ssyncset.done $0x0  }
0x2a5: {  	[sflag:s6] =	ssyncadd.s32 $0xFFFFFF80  }
0x2a6: {  	_ =	swait.ge [sflag:s6], $0x80  }
0x2a7: {  	[sflag:s6] =	ssyncset.done $0x0  }
0x2a8: {  	[sflag:s6] =	ssyncadd.s32 $0xFFFFFF80  }
0x2a9: {  	_ =	swait.ge [sflag:s6], $0x80  }
0x2aa: {  	[sflag:s6] =	ssyncset.done $0x0  }
0x2ab: {  	[sflag:s6] =	ssyncadd.s32 $0xFFFFFF80  }
0x2ac: {  	_ =	swait.ge [sflag:s6], $0x80  }
0x2ad: {  	[sflag:s6] =	ssyncset.done $0x0  }
0x2ae: {  	[sflag:s6] =	ssyncadd.s32 $0xFFFFFF80  }
0x2af: {  	_ =	swait.ge [sflag:s6], $0x80  }
0x2b0: {  	[sflag:s6] =	ssyncset.done $0x0  }
0x2b1: {  	[sflag:s6] =	ssyncadd.s32 $0xFFFFFF80  }
0x2b2: {  	_ =	swait.ge [sflag:s6], $0x80  }
0x2b3: {  	[sflag:s6] =	ssyncset.done $0x0  }
0x2b4: {  	[sflag:s6] =	ssyncadd.s32 $0xFFFFFF80  }
0x2b5: {  	_ =	swait.ge [sflag:s6], $0x80  }
0x2b6: {  	[sflag:s6] =	ssyncset.done $0x0  }
0x2b7: {  	[sflag:s6] =	ssyncadd.s32 $0xFFFFFF80  }
0x2b8: {  	_ =	swait.ge [sflag:s6], $0x80  }
0x2b9: {  	[sflag:s6] =	ssyncset.done $0x0  }
0x2ba: {  	[sflag:s6] =	ssyncadd.s32 $0xFFFFFF80  }
0x2bb: {  	_ =	swait.ge [sflag:s6], $0x80  }
0x2bc: {  	[sflag:s6] =	ssyncset.done $0x0  }
0x2bd: {  	[sflag:s6] =	ssyncadd.s32 $0xFFFFFF80  }
0x2be: {  	_ =	swait.ge [sflag:s6], $0x80  }
0x2bf: {  	[sflag:s6] =	ssyncset.done $0x0  }
0x2c0: {  	[sflag:s6] =	ssyncadd.s32 $0xFFFFFF80  }
0x2c1: {  	_ =	swait.ge [sflag:s6], $0x80  }
0x2c2: {  	[sflag:s6] =	ssyncset.done $0x0  }
0x2c3: {  	[sflag:s6] =	ssyncadd.s32 $0xFFFFFF80  }
0x2c4: {  	_ =	swait.ge [sflag:s6], $0x80  }
0x2c5: {  	[sflag:s6] =	ssyncset.done $0x0  }
0x2c6: {  	[sflag:s6] =	ssyncadd.s32 $0xFFFFFF80  }
0x2c7: {  	_ =	swait.ge [sflag:s6], $0x80  }
.Ltmp28:
0x2c8: {  	[sflag:s6] =	ssyncset.done $0x0;
	(pc) =	sbr.rel .LBB2_53-.Ltmp28, $4  }
0x2c9: {  	[sflag:s6] =	ssyncadd.s32 $0xFFFFFF80  }
0x2ca: {  	_ =	swait.ge [sflag:s6], $0x80  }
0x2cb: {  	[sflag:s6] =	ssyncset.done $0x0  }
0x2cc: {  	[sflag:s6] =	ssyncadd.s32 $0xFFFFFF80  }
.LBB2_54:
0x2cd: {  	_ =	sfence.sel $0x180000  }
0x2ce: {  	[bflag:$0x0] =	sbarrier.arrive $0xFFFF  }
0x2cf: {  	_ =	strace $0x90000047  }
0x2d0: {  	s0 =	stileid.u32;
	[bflag:$0x2] =	sbarrier.arrive $0xFFFF  }
0x2d1: {  	p0 =	sne.s32 s0, $0x0;
	s0 =	rddreg [dreg:$0x6]  }
0x2d2: {  	s0 =	sadd.s32 @!p0 $0x100000, s0  }
0x2d3: {  	[sflag:s0] =	ssyncadd.tile.s32 @!p0 $0x1;
	_ =	shalt  }
.Lfunc_end2:
_tile_overlayer_lowered:
.L_overlay_start_2:
0x2d4: {  	(tag) =	ssettag $0x2  }
0x2d5: {  	s0 =	rddreg [dreg:$0x0];
	s2 =	stileid.u32  }
0x2d6: {  	s1 =	rddreg [dreg:$0x1];
	p0 =	sne.s32 s2, $0x0  }
0x2d7: {  	s3 =	rddreg [dreg:$0x2];
	[bflag:$0x3] =	sbarrier.arrive $0xFFFF;
	s2 =	simm.s32 @!p0 $0x1C03  }
0x2d8: {  	[timem:s3], [sflag:s2] =	dma.local @!p0 [hbm:s0], s1  }
0x2d9: {  	s0 =	simm.s32 @!p0 $0x3  }
0x2da: {  	_ =	swait.ge @!p0 [sflag:s0], s1  }
0x2db: {  	s1 =	ssub.s32 @!p0 $0x0, s1;
	[sflag:s0] =	ssyncset.done @!p0 $0x0  }
0x2dc: {  	[sflag:s0] =	ssyncadd.s32 @!p0 s1  }
0x2dd: {  	[bflag:$0x3] =	sbarrier.arrive $0xFFFF  }
0x2de: {  	_ =	shalt  }

</sc_bundles>
